<compile_context>
chip_gen: v7x
topology: tpu7x:2x2x1
jax: 0.10.2.dev20260603
libtpu: 0.0.44.dev20260713+nightly
codegen_flags: <defaults>
</compile_context>

<pallas_src>
import functools
import math

import jax
import jax.numpy as jnp
from jax import lax
from jax.experimental import pallas as pl
from jax.experimental.pallas import tpu as pltpu
from jax.experimental.pallas import tpu_sc as plsc

NUM_LAYERS = 4
ALPHA = 0.1
THETA = 0.5
NUM_GRAPHS = 64

_NC = 2
_NS = 16
_NW = _NC * _NS
_CH = 128
_BT = 256


def _sc_mesh():
    return plsc.VectorSubcoreMesh(core_axis_name="c", subcore_axis_name="s")



def _deg_kernel(npad, kd):

    @functools.partial(
        pl.kernel,
        out_type=jax.ShapeDtypeStruct((_NC, npad), jnp.float32),
        mesh=_sc_mesh(),
        scratch_types=[
            pltpu.VMEM((kd, _CH), jnp.int32),
            pltpu.VMEM((_CH,), jnp.float32),
            pltpu.VMEM_SHARED((npad,), jnp.float32),
        ],
    )
    def k(col_hbm, zeros_hbm, deg_out, cidx, ones_v, deg_sh):
        cid = lax.axis_index("c")
        sid = lax.axis_index("s")
        wid = cid * _NS + sid
        rp = npad // _NS
        pltpu.sync_copy(zeros_hbm.at[pl.ds(sid * rp, rp)],
                        deg_sh.at[pl.ds(sid * rp, rp)])
        pltpu.sync_copy(col_hbm.at[wid], cidx)
        for j in range(_CH // 16):
            ones_v[pl.ds(j * 16, 16)] = jnp.ones((16,), jnp.float32)
        plsc.subcore_barrier()

        def dbody(j, c):
            pltpu.sync_copy(ones_v, deg_sh.at[cidx.at[j]], add=True)
            return c
        lax.fori_loop(0, kd, dbody, 0)

        plsc.subcore_barrier()
        pltpu.sync_copy(deg_sh.at[pl.ds(sid * rp, rp)],
                        deg_out.at[cid, pl.ds(sid * rp, rp)])

    return k


def _scatter_rows_kernel(mpad, k, k_light, kx, light_core):

    @functools.partial(
        pl.kernel,
        out_type=jax.ShapeDtypeStruct((_NC, mpad, 128), jnp.float32),
        mesh=_sc_mesh(),
        scratch_types=[
            pltpu.VMEM((k, _CH), jnp.int32),
            pltpu.VMEM((k, _CH), jnp.int32),
            pltpu.VMEM((2, _CH), jnp.int32),
            pltpu.VMEM((_CH, 128), jnp.float32),
            pltpu.VMEM_SHARED((mpad, 128), jnp.float32),
            pltpu.SemaphoreType.DMA,
        ],
    )
    def kfn(tab_hbm, ridx_hbm, cidx_hbm, xidx_hbm, zeros_hbm, out_hbm,
            ridx, cidx, xbuf, rows_v, agg_sh, sem):
        cid = lax.axis_index("c")
        sid = lax.axis_index("s")
        wid = cid * _NS + sid
        rp = mpad // _NS
        pltpu.sync_copy(zeros_hbm.at[pl.ds(sid * rp, rp)],
                        agg_sh.at[pl.ds(sid * rp, rp)])
        pltpu.sync_copy(ridx_hbm.at[wid], ridx)
        pltpu.sync_copy(cidx_hbm.at[wid], cidx)
        plsc.subcore_barrier()

        kk = jnp.where(cid == light_core, k_light, k)

        def body(j, c):
            pltpu.async_copy(tab_hbm.at[ridx.at[j]], rows_v, sem).wait()
            pltpu.sync_copy(rows_v, agg_sh.at[cidx.at[j]], add=True)
            return c
        lax.fori_loop(0, kk, body, 0)

        @pl.when(cid != light_core)
        def _():
            def xbody(j, c):
                pltpu.sync_copy(xidx_hbm.at[sid, j], xbuf)
                pltpu.async_copy(tab_hbm.at[xbuf.at[0]], rows_v, sem).wait()
                pltpu.sync_copy(rows_v, agg_sh.at[xbuf.at[1]], add=True)
                return c
            lax.fori_loop(0, kx, xbody, 0)

        plsc.subcore_barrier()
        pltpu.sync_copy(agg_sh.at[pl.ds(sid * rp, rp)],
                        out_hbm.at[cid, pl.ds(sid * rp, rp)])

    return kfn



def _lin0_call(xp, w, b, degp, npad):
    nblk = npad // _BT

    def body(x_ref, w_ref, b_ref, deg_ref, h_ref, hs_ref, db_ref):
        d = deg_ref[0, :] + deg_ref[1, :] + 1.0
        dinv = lax.rsqrt(d)
        h = jnp.maximum(
            jnp.dot(x_ref[...], w_ref[...],
                    preferred_element_type=jnp.float32) + b_ref[...], 0.0)
        db = jnp.broadcast_to(dinv[:, None], h.shape)
        h_ref[...] = h
        hs_ref[...] = h * db
        db_ref[...] = db

    o = jax.ShapeDtypeStruct((npad, 128), jnp.float32)
    return pl.pallas_call(
        body,
        grid=(nblk,),
        in_specs=[
            pl.BlockSpec((_BT, 128), lambda i: (i, 0)),
            pl.BlockSpec((128, 128), lambda i: (0, 0)),
            pl.BlockSpec((1, 128), lambda i: (0, 0)),
            pl.BlockSpec((2, _BT), lambda i: (0, i)),
        ],
        out_specs=[pl.BlockSpec((_BT, 128), lambda i: (i, 0))] * 3,
        out_shape=[o, o, o],
    )(xp, w, b, degp)


def _layer_call(p, h, x0, db, w, beta, npad):
    nblk = npad // _BT
    a1 = 1.0 - ALPHA
    b1 = 1.0 - beta

    def body(p_ref, h_ref, x0_ref, db_ref, w_ref, hn_ref, hs_ref):
        dbv = db_ref[...]
        s = p_ref[0] + p_ref[1]
        agg = dbv * s + dbv * dbv * h_ref[...]
        out = a1 * agg + ALPHA * x0_ref[...]
        m = jnp.dot(out, w_ref[...], preferred_element_type=jnp.float32)
        hn = jnp.maximum(b1 * out + beta * m, 0.0)
        hn_ref[...] = hn
        hs_ref[...] = hn * dbv

    o = jax.ShapeDtypeStruct((npad, 128), jnp.float32)
    return pl.pallas_call(
        body,
        grid=(nblk,),
        in_specs=[
            pl.BlockSpec((2, _BT, 128), lambda i: (0, i, 0)),
            pl.BlockSpec((_BT, 128), lambda i: (i, 0)),
            pl.BlockSpec((_BT, 128), lambda i: (i, 0)),
            pl.BlockSpec((_BT, 128), lambda i: (i, 0)),
            pl.BlockSpec((128, 128), lambda i: (0, 0)),
        ],
        out_specs=[pl.BlockSpec((_BT, 128), lambda i: (i, 0))] * 2,
        out_shape=[o, o],
    )(p, h, x0, db, w)


def _pool_final_call(h, bat2, w, b, npad):
    nblk = npad // _BT

    def body(bat_ref, h_ref, w_ref, b_ref, o_ref, psum, pcnt):
        i = pl.program_id(0)

        @pl.when(i == 0)
        def _():
            psum[...] = jnp.zeros_like(psum)
            pcnt[...] = jnp.zeros_like(pcnt)

        oh = jnp.equal(
            bat_ref[0][:, None],
            lax.broadcasted_iota(jnp.int32, (_BT, NUM_GRAPHS), 1)
        ).astype(jnp.float32)
        dn = (((0,), (0,)), ((), ()))
        hv = h_ref[...]
        psum[...] += lax.dot_general(oh, hv, dn,
                                     preferred_element_type=jnp.float32)
        pcnt[...] += lax.dot_general(oh, jnp.ones_like(hv), dn,
                                     preferred_element_type=jnp.float32)

        @pl.when(i == nblk - 1)
        def _():
            pooled = psum[...] / jnp.maximum(pcnt[...], 1.0)
            o_ref[...] = jnp.dot(pooled, w_ref[...],
                                 preferred_element_type=jnp.float32) \
                + b_ref[...]

    return pl.pallas_call(
        body,
        grid=(nblk,),
        in_specs=[
            pl.BlockSpec((1, _BT), lambda i: (0, i)),
            pl.BlockSpec((_BT, 128), lambda i: (i, 0)),
            pl.BlockSpec((128, 128), lambda i: (0, 0)),
            pl.BlockSpec((1, 128), lambda i: (0, 0)),
        ],
        out_specs=pl.BlockSpec((NUM_GRAPHS, 128), lambda i: (0, 0)),
        out_shape=jax.ShapeDtypeStruct((NUM_GRAPHS, 128), jnp.float32),
        scratch_shapes=[
            pltpu.VMEM((NUM_GRAPHS, 128), jnp.float32),
            pltpu.VMEM((NUM_GRAPHS, 128), jnp.float32),
        ],
    )(bat2, h, w, b)



def _ceil_to(v, m):
    return -(-v // m) * m


def kernel(x, edge_index, edge_attr, batch, lin0_w, lin0_b, conv_w,
           lin1_w, lin1_b):
    n = x.shape[0]
    e = edge_index.shape[1]
    npad = _ceil_to(n + 1, 2048)

    ke = _ceil_to(e, _NW * _CH) // (_NW * _CH)
    ep = ke * _NW * _CH

    row = edge_index[0]
    col = edge_index[1]
    colr = jnp.concatenate(
        [col, jnp.full((ep - e,), n, jnp.int32)]).reshape(_NW, ke, _CH)
    bat2 = jnp.concatenate(
        [batch, jnp.full((npad - n,), NUM_GRAPHS, jnp.int32)]).reshape(1, npad)

    light = 1
    kt = _ceil_to(e, _NS * _CH) // (_NS * _CH)
    kl = min(ke, max(0, round(kt * 0.37)))
    kx = max(0, kt - ke - kl)
    cap = _NS * (kl + ke + kx) * _CH
    rowp = jnp.concatenate([row, jnp.zeros((cap - e,), jnp.int32)])
    colp = jnp.concatenate([col, jnp.full((cap - e,), n, jnp.int32)])
    sl, sh = _NS * kl * _CH, _NS * ke * _CH

    def parts(a):
        lp = jnp.concatenate(
            [a[:sl].reshape(_NS, kl, _CH),
             jnp.zeros((_NS, ke - kl, _CH), jnp.int32)], axis=1)
        hp = a[sl:sl + sh].reshape(_NS, ke, _CH)
        xp_ = a[sl + sh:].reshape(_NS, kx, _CH)
        pair = [lp, hp] if light == 0 else [hp, lp]
        return jnp.concatenate(pair, axis=0), xp_

    rowr2, rowx = parts(rowp)
    colr2, colx = parts(colp)
    xidx = jnp.stack([rowx, colx], axis=2)

    zeros_n1 = jnp.zeros((npad,), jnp.float32)
    zeros_n2 = jnp.zeros((npad, 128), jnp.float32)
    xp = jnp.zeros((npad, 128), jnp.float32).at[:n].set(x)

    degp = _deg_kernel(npad, ke)(colr, zeros_n1)
    h0, hs, db = _lin0_call(xp, lin0_w, lin0_b.reshape(1, 128), degp, npad)

    edge_scatter = _scatter_rows_kernel(npad, ke, kl, kx, light)
    h = h0
    for layer in range(NUM_LAYERS):
        beta = math.log(THETA / (layer + 1) + 1.0)
        p = edge_scatter(hs, rowr2, colr2, xidx, zeros_n2)
        h, hs = _layer_call(p, h, h0, db, conv_w[layer], beta, npad)

    return _pool_final_call(h, bat2, lin1_w, lin1_b.reshape(1, 128), npad)

# --- scband reference (transcript-rebuilt; emitter-appended) ---
"""Pipeline reference for scband-gcn2-re-lu-53197464928899 (READ-ONLY COPY).

The authoritative reference and input builder live on the scoring server;
editing this copy changes nothing except your own understanding.
"""

import jax, jax.numpy as jnp
import numpy as np
import math

N = 10000
E = 320000
D_IN = 128
HID = 128
OUT = 128
NUM_LAYERS = 4
ALPHA = 0.1
THETA = 0.5
NUM_GRAPHS = 64


def setup_inputs(seed: int = 0) -> dict:
    key = jax.random.key(seed)
    ks = jax.random.split(key, 10)
    x = jax.random.normal(ks[0], (N, D_IN), dtype=jnp.float32)
    edge_index = jax.random.randint(ks[1], (2, E), 0, N, dtype=jnp.int32)
    edge_attr = jax.random.normal(ks[2], (E, 4), dtype=jnp.float32)
    batch = jnp.sort(jax.random.randint(ks[3], (N,), 0, NUM_GRAPHS, dtype=jnp.int32))
    lin0_w = jax.random.normal(ks[4], (D_IN, HID), dtype=jnp.float32) / np.sqrt(D_IN)
    lin0_b = jnp.zeros((HID,), jnp.float32)
    conv_w = jax.random.normal(ks[5], (NUM_LAYERS, HID, HID), dtype=jnp.float32) / np.sqrt(HID)
    lin1_w = jax.random.normal(ks[6], (HID, OUT), dtype=jnp.float32) / np.sqrt(HID)
    lin1_b = jnp.zeros((OUT,), jnp.float32)
    return dict(x=x, edge_index=edge_index, edge_attr=edge_attr, batch=batch,
                lin0_w=lin0_w, lin0_b=lin0_b, conv_w=conv_w,
                lin1_w=lin1_w, lin1_b=lin1_b)


def _gcn_norm(edge_index, num_nodes):
    # gcn_norm with add_self_loops=True, edge_weight=ones (as in GCN2Conv normalize=True)
    row, col = edge_index[0], edge_index[1]
    loop = jnp.arange(num_nodes, dtype=row.dtype)
    row = jnp.concatenate([row, loop])
    col = jnp.concatenate([col, loop])
    ew = jnp.ones(row.shape[0], jnp.float32)
    deg = jnp.zeros((num_nodes,), jnp.float32).at[col].add(ew)
    dinv = jnp.where(deg > 0, jax.lax.rsqrt(jnp.maximum(deg, 1e-12)), 0.0)
    norm = dinv[row] * ew * dinv[col]
    return row, col, norm


def reference(x, edge_index, edge_attr, batch, lin0_w, lin0_b, conv_w, lin1_w, lin1_b):
    num_nodes = x.shape[0]
    row, col, norm = _gcn_norm(edge_index, num_nodes)
    # dropout is identity (p=0.0)
    h = jax.nn.relu(x @ lin0_w + lin0_b)
    x0 = h
    for layer in range(NUM_LAYERS):
        beta = math.log(THETA / (layer + 1) + 1.0)
        # propagate: gather x_j = h[row], weight by norm, scatter-add at col
        agg = jnp.zeros_like(h).at[col].add(norm[:, None] * h[row])
        out = (1.0 - ALPHA) * agg + ALPHA * x0  # shared_weights=True path
        out = (1.0 - beta) * out + beta * (out @ conv_w[layer])
        h = jax.nn.relu(out)
    # global_mean_pool over batch assignment
    ones = jnp.ones((num_nodes,), jnp.float32)
    counts = jax.ops.segment_sum(ones, batch, num_segments=NUM_GRAPHS)
    summed = jax.ops.segment_sum(h, batch, num_segments=NUM_GRAPHS)
    pooled = summed / jnp.maximum(counts, 1.0)[:, None]
    return pooled @ lin1_w + lin1_b

if __name__ == "__main__":
    import jax
    _d = setup_inputs()
    print(jax.jit(kernel)(*tuple(_d.values())))

</pallas_src>

<mosaic_0001>
#map = affine_map<(d0, d1) -> (0, 0)>
#map1 = affine_map<(d0, d1) -> (0, 0, 0)>
#map2 = affine_map<(d0, d1) -> (0, 0, 0, 0)>
module attributes {stable_mosaic.version = 14 : i64} {
  func.func @kfn(%arg0: i32, %arg1: i32, %arg2: memref<10240x128xf32, #tpu.memory_space<hbm>>, %arg3: memref<32x79x128xi32, #tpu.memory_space<hbm>>, %arg4: memref<32x79x128xi32, #tpu.memory_space<hbm>>, %arg5: memref<16x20x2x128xi32, #tpu.memory_space<hbm>>, %arg6: memref<10240x128xf32, #tpu.memory_space<hbm>>, %arg7: memref<2x10240x128xf32, #tpu.memory_space<hbm>>, %arg8: memref<79x128xi32, #tpu.memory_space<vmem>>, %arg9: memref<79x128xi32, #tpu.memory_space<vmem>>, %arg10: memref<2x128xi32, #tpu.memory_space<vmem>>, %arg11: memref<128x128xf32, #tpu.memory_space<vmem>>, %arg12: memref<10240x128xf32, #tpu.memory_space<vmem_shared>>, %arg13: memref<!tpu.dma_semaphore, #tpu.memory_space<semaphore_mem>>) attributes {dimension_semantics = [#tpu.dimension_semantics<core_parallel>, #tpu.dimension_semantics<subcore_parallel>], iteration_bounds = array<i64: 2, 16>, scalar_prefetch = 0 : i64, scratch_operands = 6 : i64, tpu.core_type = #tpu.core_type<sc_vector_subcore>, window_params = [{transform_indices = #map}, {transform_indices = #map1}, {transform_indices = #map1}, {transform_indices = #map2}, {transform_indices = #map}, {transform_indices = #map1}]} {
    %mul3A = arith.constant 16 : i32
    %mul3A_0 = arith.muli %arg0, %mul3A : i32
    %add3A = arith.addi %mul3A_0, %arg1 : i32
    %mul3A_1 = arith.constant 640 : i32
    %mul3A_2 = arith.muli %arg1, %mul3A_1 : i32
    %mul3A_3 = arith.constant 640 : i32
    %mul3A_4 = arith.muli %arg1, %mul3A_3 : i32
    "tpu.region"() ({
      %run_scoped3A = tpu.sem_alloc : memref<!tpu.dma_semaphore, #tpu.memory_space<semaphore_mem>>
      %dma_start3A = arith.constant 0 : i32
      %dma_start3A_23 = tpu.memref_slice %arg12[%mul3A_4, %dma_start3A] : memref<10240x128xf32, #tpu.memory_space<vmem_shared>> -> memref<640x128xf32, #tpu.memory_space<vmem_shared>>
      %dma_start3A_24 = arith.constant 0 : i32
      %dma_start3A_25 = tpu.memref_slice %arg6[%mul3A_2, %dma_start3A_24] : memref<10240x128xf32, #tpu.memory_space<hbm>> -> memref<640x128xf32, #tpu.memory_space<hbm>>
      tpu.enqueue_dma source(%dma_start3A_25 : memref<640x128xf32, #tpu.memory_space<hbm>>) target(%dma_start3A_23 : memref<640x128xf32, #tpu.memory_space<vmem_shared>>) target_semaphore(%run_scoped3A : memref<!tpu.dma_semaphore, #tpu.memory_space<semaphore_mem>>)
      %dma_wait3A = arith.constant 0 : i32
      %dma_wait3A_26 = tpu.memref_slice %arg12[%mul3A_4, %dma_wait3A] : memref<10240x128xf32, #tpu.memory_space<vmem_shared>> -> memref<640x128xf32, #tpu.memory_space<vmem_shared>>
      %dma_wait3A_27 = arith.constant 0 : i32
      %dma_wait3A_28 = tpu.memref_slice %arg6[%mul3A_2, %dma_wait3A_27] : memref<10240x128xf32, #tpu.memory_space<hbm>> -> memref<640x128xf32, #tpu.memory_space<hbm>>
      tpu.wait_dma2 semaphore(%run_scoped3A : memref<!tpu.dma_semaphore, #tpu.memory_space<semaphore_mem>>) src(%dma_wait3A_28 : memref<640x128xf32, #tpu.memory_space<hbm>>) dst(%dma_wait3A_26 : memref<640x128xf32, #tpu.memory_space<vmem_shared>>)
      tpu.yield
    }) : () -> ()
    "tpu.region"() ({
      %run_scoped3A = tpu.sem_alloc : memref<!tpu.dma_semaphore, #tpu.memory_space<semaphore_mem>>
      %dma_start3A = arith.constant 0 : i32
      %dma_start3A_23 = arith.constant 0 : i32
      %dma_start3A_24 = tpu.memref_slice %arg3[%add3A, %dma_start3A, %dma_start3A_23] : memref<32x79x128xi32, #tpu.memory_space<hbm>> -> memref<1x79x128xi32, #tpu.memory_space<hbm>>
      %dma_start3A_25 = tpu.memref_squeeze %dma_start3A_24 : memref<1x79x128xi32, #tpu.memory_space<hbm>> -> memref<79x128xi32, #tpu.memory_space<hbm>>
      %dma_start3A_26 = arith.constant 0 : i32
      %dma_start3A_27 = arith.constant 0 : i32
      %dma_start3A_28 = tpu.memref_slice %arg3[%add3A, %dma_start3A_26, %dma_start3A_27] : memref<32x79x128xi32, #tpu.memory_space<hbm>> -> memref<1x79x128xi32, #tpu.memory_space<hbm>>
      %dma_start3A_29 = tpu.memref_squeeze %dma_start3A_28 : memref<1x79x128xi32, #tpu.memory_space<hbm>> -> memref<79x128xi32, #tpu.memory_space<hbm>>
      tpu.enqueue_dma source(%dma_start3A_29 : memref<79x128xi32, #tpu.memory_space<hbm>>) target(%arg8 : memref<79x128xi32, #tpu.memory_space<vmem>>) target_semaphore(%run_scoped3A : memref<!tpu.dma_semaphore, #tpu.memory_space<semaphore_mem>>)
      %dma_wait3A = arith.constant 0 : i32
      %dma_wait3A_30 = arith.constant 0 : i32
      %dma_wait3A_31 = tpu.memref_slice %arg3[%add3A, %dma_wait3A, %dma_wait3A_30] : memref<32x79x128xi32, #tpu.memory_space<hbm>> -> memref<1x79x128xi32, #tpu.memory_space<hbm>>
      %dma_wait3A_32 = tpu.memref_squeeze %dma_wait3A_31 : memref<1x79x128xi32, #tpu.memory_space<hbm>> -> memref<79x128xi32, #tpu.memory_space<hbm>>
      %dma_wait3A_33 = arith.constant 0 : i32
      %dma_wait3A_34 = arith.constant 0 : i32
      %dma_wait3A_35 = tpu.memref_slice %arg3[%add3A, %dma_wait3A_33, %dma_wait3A_34] : memref<32x79x128xi32, #tpu.memory_space<hbm>> -> memref<1x79x128xi32, #tpu.memory_space<hbm>>
      %dma_wait3A_36 = tpu.memref_squeeze %dma_wait3A_35 : memref<1x79x128xi32, #tpu.memory_space<hbm>> -> memref<79x128xi32, #tpu.memory_space<hbm>>
      tpu.wait_dma2 semaphore(%run_scoped3A : memref<!tpu.dma_semaphore, #tpu.memory_space<semaphore_mem>>) src(%dma_wait3A_36 : memref<79x128xi32, #tpu.memory_space<hbm>>) dst(%arg8 : memref<79x128xi32, #tpu.memory_space<vmem>>)
      tpu.yield
    }) : () -> ()
    "tpu.region"() ({
      %run_scoped3A = tpu.sem_alloc : memref<!tpu.dma_semaphore, #tpu.memory_space<semaphore_mem>>
      %dma_start3A = arith.constant 0 : i32
      %dma_start3A_23 = arith.constant 0 : i32
      %dma_start3A_24 = tpu.memref_slice %arg4[%add3A, %dma_start3A, %dma_start3A_23] : memref<32x79x128xi32, #tpu.memory_space<hbm>> -> memref<1x79x128xi32, #tpu.memory_space<hbm>>
      %dma_start3A_25 = tpu.memref_squeeze %dma_start3A_24 : memref<1x79x128xi32, #tpu.memory_space<hbm>> -> memref<79x128xi32, #tpu.memory_space<hbm>>
      %dma_start3A_26 = arith.constant 0 : i32
      %dma_start3A_27 = arith.constant 0 : i32
      %dma_start3A_28 = tpu.memref_slice %arg4[%add3A, %dma_start3A_26, %dma_start3A_27] : memref<32x79x128xi32, #tpu.memory_space<hbm>> -> memref<1x79x128xi32, #tpu.memory_space<hbm>>
      %dma_start3A_29 = tpu.memref_squeeze %dma_start3A_28 : memref<1x79x128xi32, #tpu.memory_space<hbm>> -> memref<79x128xi32, #tpu.memory_space<hbm>>
      tpu.enqueue_dma source(%dma_start3A_29 : memref<79x128xi32, #tpu.memory_space<hbm>>) target(%arg9 : memref<79x128xi32, #tpu.memory_space<vmem>>) target_semaphore(%run_scoped3A : memref<!tpu.dma_semaphore, #tpu.memory_space<semaphore_mem>>)
      %dma_wait3A = arith.constant 0 : i32
      %dma_wait3A_30 = arith.constant 0 : i32
      %dma_wait3A_31 = tpu.memref_slice %arg4[%add3A, %dma_wait3A, %dma_wait3A_30] : memref<32x79x128xi32, #tpu.memory_space<hbm>> -> memref<1x79x128xi32, #tpu.memory_space<hbm>>
      %dma_wait3A_32 = tpu.memref_squeeze %dma_wait3A_31 : memref<1x79x128xi32, #tpu.memory_space<hbm>> -> memref<79x128xi32, #tpu.memory_space<hbm>>
      %dma_wait3A_33 = arith.constant 0 : i32
      %dma_wait3A_34 = arith.constant 0 : i32
      %dma_wait3A_35 = tpu.memref_slice %arg4[%add3A, %dma_wait3A_33, %dma_wait3A_34] : memref<32x79x128xi32, #tpu.memory_space<hbm>> -> memref<1x79x128xi32, #tpu.memory_space<hbm>>
      %dma_wait3A_36 = tpu.memref_squeeze %dma_wait3A_35 : memref<1x79x128xi32, #tpu.memory_space<hbm>> -> memref<79x128xi32, #tpu.memory_space<hbm>>
      tpu.wait_dma2 semaphore(%run_scoped3A : memref<!tpu.dma_semaphore, #tpu.memory_space<semaphore_mem>>) src(%dma_wait3A_36 : memref<79x128xi32, #tpu.memory_space<hbm>>) dst(%arg9 : memref<79x128xi32, #tpu.memory_space<vmem>>)
      tpu.yield
    }) : () -> ()
    %barrier3A = arith.constant 0 : index
    tpu.barrier barrier_id(%barrier3A)
    %eq3A = arith.constant 1 : i32
    %eq3A_5 = arith.cmpi eq, %arg0, %eq3A : i32
    %jit3A = arith.constant 58 : i32
    %jit3A_6 = arith.constant 79 : i32
    %select_n3A = arith.select %eq3A_5, %jit3A, %jit3A_6 : i32
    %while3A = arith.constant 0 : i32
    %while3A_7 = arith.constant 0 : i32
    %while3A_8 = arith.subi %select_n3A, %while3A_7 : i32
    %while3A_9 = arith.addi %while3A_7, %while3A_8 : i32
    %while3A_10 = arith.constant 1 : i32
    %while3A_11 = arith.divsi %while3A_8, %while3A_10 : i32
    %while3A_12 = arith.muli %while3A_11, %while3A_10 : i32
    %while3A_13 = arith.addi %while3A_7, %while3A_12 : i32
    %while3A_14 = arith.constant 1 : i32
    scf.for %while3A_23 = %while3A_7 to %while3A_13 step %while3A_14  : i32 {
      %dma_start3A = arith.constant 0 : i32
      %dma_start3A_24 = tpu.memref_slice %arg8[%while3A_23, %dma_start3A] : memref<79x128xi32, #tpu.memory_space<vmem>> -> memref<1x128xi32, #tpu.memory_space<vmem>>
      %dma_start3A_25 = tpu.memref_squeeze %dma_start3A_24 : memref<1x128xi32, #tpu.memory_space<vmem>> -> memref<128xi32, #tpu.memory_space<vmem>>
      %dma_start3A_26 = arith.constant 0 : i32
      %dma_start3A_27 = arith.constant 0 : i32
      %dma_start3A_28 = tpu.memref_slice %arg2[%dma_start3A_26, %dma_start3A_27] : memref<10240x128xf32, #tpu.memory_space<hbm>> -> memref<10240x128xf32, #tpu.memory_space<hbm>>
      tpu.enqueue_indirect_dma source(%dma_start3A_28 : memref<10240x128xf32, #tpu.memory_space<hbm>>) target(%arg11 : memref<128x128xf32, #tpu.memory_space<vmem>>) offsets(%dma_start3A_25 : memref<128xi32, #tpu.memory_space<vmem>>) semaphore(%arg13 : memref<!tpu.dma_semaphore, #tpu.memory_space<semaphore_mem>>)
      %dma_wait3A = arith.constant 0 : i32
      %dma_wait3A_29 = tpu.memref_slice %arg8[%while3A_23, %dma_wait3A] : memref<79x128xi32, #tpu.memory_space<vmem>> -> memref<1x128xi32, #tpu.memory_space<vmem>>
      %dma_wait3A_30 = tpu.memref_squeeze %dma_wait3A_29 : memref<1x128xi32, #tpu.memory_space<vmem>> -> memref<128xi32, #tpu.memory_space<vmem>>
      %dma_wait3A_31 = arith.constant 0 : i32
      %dma_wait3A_32 = arith.constant 0 : i32
      %dma_wait3A_33 = tpu.memref_slice %arg2[%dma_wait3A_31, %dma_wait3A_32] : memref<10240x128xf32, #tpu.memory_space<hbm>> -> memref<10240x128xf32, #tpu.memory_space<hbm>>
      tpu.wait_indirect_dma semaphore(%arg13 : memref<!tpu.dma_semaphore, #tpu.memory_space<semaphore_mem>>) src(%dma_wait3A_33 : memref<10240x128xf32, #tpu.memory_space<hbm>>) dst(%arg11 : memref<128x128xf32, #tpu.memory_space<vmem>>)
      "tpu.region"() ({
        %run_scoped3A = tpu.sem_alloc : memref<!tpu.dma_semaphore, #tpu.memory_space<semaphore_mem>>
        %dma_start3A_34 = arith.constant 0 : i32
        %dma_start3A_35 = tpu.memref_slice %arg9[%while3A_23, %dma_start3A_34] : memref<79x128xi32, #tpu.memory_space<vmem>> -> memref<1x128xi32, #tpu.memory_space<vmem>>
        %dma_start3A_36 = tpu.memref_squeeze %dma_start3A_35 : memref<1x128xi32, #tpu.memory_space<vmem>> -> memref<128xi32, #tpu.memory_space<vmem>>
        %dma_start3A_37 = arith.constant 0 : i32
        %dma_start3A_38 = arith.constant 0 : i32
        %dma_start3A_39 = tpu.memref_slice %arg12[%dma_start3A_37, %dma_start3A_38] : memref<10240x128xf32, #tpu.memory_space<vmem_shared>> -> memref<10240x128xf32, #tpu.memory_space<vmem_shared>>
        tpu.enqueue_indirect_dma source(%arg11 : memref<128x128xf32, #tpu.memory_space<vmem>>) target(%dma_start3A_39 : memref<10240x128xf32, #tpu.memory_space<vmem_shared>>) offsets(%dma_start3A_36 : memref<128xi32, #tpu.memory_space<vmem>>) semaphore(%run_scoped3A : memref<!tpu.dma_semaphore, #tpu.memory_space<semaphore_mem>>) {add = true}
        %dma_wait3A_40 = arith.constant 0 : i32
        %dma_wait3A_41 = tpu.memref_slice %arg9[%while3A_23, %dma_wait3A_40] : memref<79x128xi32, #tpu.memory_space<vmem>> -> memref<1x128xi32, #tpu.memory_space<vmem>>
        %dma_wait3A_42 = tpu.memref_squeeze %dma_wait3A_41 : memref<1x128xi32, #tpu.memory_space<vmem>> -> memref<128xi32, #tpu.memory_space<vmem>>
        %dma_wait3A_43 = arith.constant 0 : i32
        %dma_wait3A_44 = arith.constant 0 : i32
        %dma_wait3A_45 = tpu.memref_slice %arg12[%dma_wait3A_43, %dma_wait3A_44] : memref<10240x128xf32, #tpu.memory_space<vmem_shared>> -> memref<10240x128xf32, #tpu.memory_space<vmem_shared>>
        tpu.wait_indirect_dma semaphore(%run_scoped3A : memref<!tpu.dma_semaphore, #tpu.memory_space<semaphore_mem>>) src(%arg11 : memref<128x128xf32, #tpu.memory_space<vmem>>) dst(%dma_wait3A_45 : memref<10240x128xf32, #tpu.memory_space<vmem_shared>>)
        tpu.yield
      }) : () -> ()
    }
    %while3A_15 = arith.constant 1 : i32
    scf.for %while3A_23 = %while3A_13 to %while3A_9 step %while3A_15  : i32 {
      %dma_start3A = arith.constant 0 : i32
      %dma_start3A_24 = tpu.memref_slice %arg8[%while3A_23, %dma_start3A] : memref<79x128xi32, #tpu.memory_space<vmem>> -> memref<1x128xi32, #tpu.memory_space<vmem>>
      %dma_start3A_25 = tpu.memref_squeeze %dma_start3A_24 : memref<1x128xi32, #tpu.memory_space<vmem>> -> memref<128xi32, #tpu.memory_space<vmem>>
      %dma_start3A_26 = arith.constant 0 : i32
      %dma_start3A_27 = arith.constant 0 : i32
      %dma_start3A_28 = tpu.memref_slice %arg2[%dma_start3A_26, %dma_start3A_27] : memref<10240x128xf32, #tpu.memory_space<hbm>> -> memref<10240x128xf32, #tpu.memory_space<hbm>>
      tpu.enqueue_indirect_dma source(%dma_start3A_28 : memref<10240x128xf32, #tpu.memory_space<hbm>>) target(%arg11 : memref<128x128xf32, #tpu.memory_space<vmem>>) offsets(%dma_start3A_25 : memref<128xi32, #tpu.memory_space<vmem>>) semaphore(%arg13 : memref<!tpu.dma_semaphore, #tpu.memory_space<semaphore_mem>>)
      %dma_wait3A = arith.constant 0 : i32
      %dma_wait3A_29 = tpu.memref_slice %arg8[%while3A_23, %dma_wait3A] : memref<79x128xi32, #tpu.memory_space<vmem>> -> memref<1x128xi32, #tpu.memory_space<vmem>>
      %dma_wait3A_30 = tpu.memref_squeeze %dma_wait3A_29 : memref<1x128xi32, #tpu.memory_space<vmem>> -> memref<128xi32, #tpu.memory_space<vmem>>
      %dma_wait3A_31 = arith.constant 0 : i32
      %dma_wait3A_32 = arith.constant 0 : i32
      %dma_wait3A_33 = tpu.memref_slice %arg2[%dma_wait3A_31, %dma_wait3A_32] : memref<10240x128xf32, #tpu.memory_space<hbm>> -> memref<10240x128xf32, #tpu.memory_space<hbm>>
      tpu.wait_indirect_dma semaphore(%arg13 : memref<!tpu.dma_semaphore, #tpu.memory_space<semaphore_mem>>) src(%dma_wait3A_33 : memref<10240x128xf32, #tpu.memory_space<hbm>>) dst(%arg11 : memref<128x128xf32, #tpu.memory_space<vmem>>)
      "tpu.region"() ({
        %run_scoped3A = tpu.sem_alloc : memref<!tpu.dma_semaphore, #tpu.memory_space<semaphore_mem>>
        %dma_start3A_34 = arith.constant 0 : i32
        %dma_start3A_35 = tpu.memref_slice %arg9[%while3A_23, %dma_start3A_34] : memref<79x128xi32, #tpu.memory_space<vmem>> -> memref<1x128xi32, #tpu.memory_space<vmem>>
        %dma_start3A_36 = tpu.memref_squeeze %dma_start3A_35 : memref<1x128xi32, #tpu.memory_space<vmem>> -> memref<128xi32, #tpu.memory_space<vmem>>
        %dma_start3A_37 = arith.constant 0 : i32
        %dma_start3A_38 = arith.constant 0 : i32
        %dma_start3A_39 = tpu.memref_slice %arg12[%dma_start3A_37, %dma_start3A_38] : memref<10240x128xf32, #tpu.memory_space<vmem_shared>> -> memref<10240x128xf32, #tpu.memory_space<vmem_shared>>
        tpu.enqueue_indirect_dma source(%arg11 : memref<128x128xf32, #tpu.memory_space<vmem>>) target(%dma_start3A_39 : memref<10240x128xf32, #tpu.memory_space<vmem_shared>>) offsets(%dma_start3A_36 : memref<128xi32, #tpu.memory_space<vmem>>) semaphore(%run_scoped3A : memref<!tpu.dma_semaphore, #tpu.memory_space<semaphore_mem>>) {add = true}
        %dma_wait3A_40 = arith.constant 0 : i32
        %dma_wait3A_41 = tpu.memref_slice %arg9[%while3A_23, %dma_wait3A_40] : memref<79x128xi32, #tpu.memory_space<vmem>> -> memref<1x128xi32, #tpu.memory_space<vmem>>
        %dma_wait3A_42 = tpu.memref_squeeze %dma_wait3A_41 : memref<1x128xi32, #tpu.memory_space<vmem>> -> memref<128xi32, #tpu.memory_space<vmem>>
        %dma_wait3A_43 = arith.constant 0 : i32
        %dma_wait3A_44 = arith.constant 0 : i32
        %dma_wait3A_45 = tpu.memref_slice %arg12[%dma_wait3A_43, %dma_wait3A_44] : memref<10240x128xf32, #tpu.memory_space<vmem_shared>> -> memref<10240x128xf32, #tpu.memory_space<vmem_shared>>
        tpu.wait_indirect_dma semaphore(%run_scoped3A : memref<!tpu.dma_semaphore, #tpu.memory_space<semaphore_mem>>) src(%arg11 : memref<128x128xf32, #tpu.memory_space<vmem>>) dst(%dma_wait3A_45 : memref<10240x128xf32, #tpu.memory_space<vmem_shared>>)
        tpu.yield
      }) : () -> ()
    }
    %ne3A = arith.constant 1 : i32
    %ne3A_16 = arith.cmpi ne, %arg0, %ne3A : i32
    %convert_element_type3A = arith.extui %ne3A_16 : i1 to i32
    %cond3A = arith.constant 0 : i32
    %cond3A_17 = arith.cmpi ne, %convert_element_type3A, %cond3A : i32
    scf.if %cond3A_17 {
      %scan3A = arith.constant 0 : i32
      %scan3A_23 = arith.constant 0 : i32
      %scan3A_24 = arith.constant 20 : i32
      %scan3A_25 = arith.addi %scan3A_23, %scan3A_24 : i32
      %scan3A_26 = arith.constant 1 : i32
      scf.for %scan3A_28 = %scan3A_23 to %scan3A_25 step %scan3A_26  : i32 {
        "tpu.region"() ({
          %run_scoped3A_41 = tpu.sem_alloc : memref<!tpu.dma_semaphore, #tpu.memory_space<semaphore_mem>>
          %dma_start3A_42 = arith.constant 0 : i32
          %dma_start3A_43 = arith.constant 0 : i32
          %dma_start3A_44 = tpu.memref_slice %arg5[%arg1, %scan3A_28, %dma_start3A_42, %dma_start3A_43] : memref<16x20x2x128xi32, #tpu.memory_space<hbm>> -> memref<1x1x2x128xi32, #tpu.memory_space<hbm>>
          %dma_start3A_45 = tpu.memref_squeeze %dma_start3A_44 : memref<1x1x2x128xi32, #tpu.memory_space<hbm>> -> memref<2x128xi32, #tpu.memory_space<hbm>>
          %dma_start3A_46 = arith.constant 0 : i32
          %dma_start3A_47 = arith.constant 0 : i32
          %dma_start3A_48 = tpu.memref_slice %arg5[%arg1, %scan3A_28, %dma_start3A_46, %dma_start3A_47] : memref<16x20x2x128xi32, #tpu.memory_space<hbm>> -> memref<1x1x2x128xi32, #tpu.memory_space<hbm>>
          %dma_start3A_49 = tpu.memref_squeeze %dma_start3A_48 : memref<1x1x2x128xi32, #tpu.memory_space<hbm>> -> memref<2x128xi32, #tpu.memory_space<hbm>>
          tpu.enqueue_dma source(%dma_start3A_49 : memref<2x128xi32, #tpu.memory_space<hbm>>) target(%arg10 : memref<2x128xi32, #tpu.memory_space<vmem>>) target_semaphore(%run_scoped3A_41 : memref<!tpu.dma_semaphore, #tpu.memory_space<semaphore_mem>>)
          %dma_wait3A_50 = arith.constant 0 : i32
          %dma_wait3A_51 = arith.constant 0 : i32
          %dma_wait3A_52 = tpu.memref_slice %arg5[%arg1, %scan3A_28, %dma_wait3A_50, %dma_wait3A_51] : memref<16x20x2x128xi32, #tpu.memory_space<hbm>> -> memref<1x1x2x128xi32, #tpu.memory_space<hbm>>
          %dma_wait3A_53 = tpu.memref_squeeze %dma_wait3A_52 : memref<1x1x2x128xi32, #tpu.memory_space<hbm>> -> memref<2x128xi32, #tpu.memory_space<hbm>>
          %dma_wait3A_54 = arith.constant 0 : i32
          %dma_wait3A_55 = arith.constant 0 : i32
          %dma_wait3A_56 = tpu.memref_slice %arg5[%arg1, %scan3A_28, %dma_wait3A_54, %dma_wait3A_55] : memref<16x20x2x128xi32, #tpu.memory_space<hbm>> -> memref<1x1x2x128xi32, #tpu.memory_space<hbm>>
          %dma_wait3A_57 = tpu.memref_squeeze %dma_wait3A_56 : memref<1x1x2x128xi32, #tpu.memory_space<hbm>> -> memref<2x128xi32, #tpu.memory_space<hbm>>
          tpu.wait_dma2 semaphore(%run_scoped3A_41 : memref<!tpu.dma_semaphore, #tpu.memory_space<semaphore_mem>>) src(%dma_wait3A_57 : memref<2x128xi32, #tpu.memory_space<hbm>>) dst(%arg10 : memref<2x128xi32, #tpu.memory_space<vmem>>)
          tpu.yield
        }) : () -> ()
        %dma_start3A = arith.constant 0 : i32
        %dma_start3A_29 = arith.constant 0 : i32
        %dma_start3A_30 = tpu.memref_slice %arg10[%dma_start3A, %dma_start3A_29] : memref<2x128xi32, #tpu.memory_space<vmem>> -> memref<1x128xi32, #tpu.memory_space<vmem>>
        %dma_start3A_31 = tpu.memref_squeeze %dma_start3A_30 : memref<1x128xi32, #tpu.memory_space<vmem>> -> memref<128xi32, #tpu.memory_space<vmem>>
        %dma_start3A_32 = arith.constant 0 : i32
        %dma_start3A_33 = arith.constant 0 : i32
        %dma_start3A_34 = tpu.memref_slice %arg2[%dma_start3A_32, %dma_start3A_33] : memref<10240x128xf32, #tpu.memory_space<hbm>> -> memref<10240x128xf32, #tpu.memory_space<hbm>>
        tpu.enqueue_indirect_dma source(%dma_start3A_34 : memref<10240x128xf32, #tpu.memory_space<hbm>>) target(%arg11 : memref<128x128xf32, #tpu.memory_space<vmem>>) offsets(%dma_start3A_31 : memref<128xi32, #tpu.memory_space<vmem>>) semaphore(%arg13 : memref<!tpu.dma_semaphore, #tpu.memory_space<semaphore_mem>>)
        %dma_wait3A = arith.constant 0 : i32
        %dma_wait3A_35 = arith.constant 0 : i32
        %dma_wait3A_36 = tpu.memref_slice %arg10[%dma_wait3A, %dma_wait3A_35] : memref<2x128xi32, #tpu.memory_space<vmem>> -> memref<1x128xi32, #tpu.memory_space<vmem>>
        %dma_wait3A_37 = tpu.memref_squeeze %dma_wait3A_36 : memref<1x128xi32, #tpu.memory_space<vmem>> -> memref<128xi32, #tpu.memory_space<vmem>>
        %dma_wait3A_38 = arith.constant 0 : i32
        %dma_wait3A_39 = arith.constant 0 : i32
        %dma_wait3A_40 = tpu.memref_slice %arg2[%dma_wait3A_38, %dma_wait3A_39] : memref<10240x128xf32, #tpu.memory_space<hbm>> -> memref<10240x128xf32, #tpu.memory_space<hbm>>
        tpu.wait_indirect_dma semaphore(%arg13 : memref<!tpu.dma_semaphore, #tpu.memory_space<semaphore_mem>>) src(%dma_wait3A_40 : memref<10240x128xf32, #tpu.memory_space<hbm>>) dst(%arg11 : memref<128x128xf32, #tpu.memory_space<vmem>>)
        %run_scoped3A = arith.constant 1 : i32
        "tpu.region"() ({
          %run_scoped3A_41 = tpu.sem_alloc : memref<!tpu.dma_semaphore, #tpu.memory_space<semaphore_mem>>
          %dma_start3A_42 = arith.constant 0 : i32
          %dma_start3A_43 = tpu.memref_slice %arg10[%run_scoped3A, %dma_start3A_42] : memref<2x128xi32, #tpu.memory_space<vmem>> -> memref<1x128xi32, #tpu.memory_space<vmem>>
          %dma_start3A_44 = tpu.memref_squeeze %dma_start3A_43 : memref<1x128xi32, #tpu.memory_space<vmem>> -> memref<128xi32, #tpu.memory_space<vmem>>
          %dma_start3A_45 = arith.constant 0 : i32
          %dma_start3A_46 = arith.constant 0 : i32
          %dma_start3A_47 = tpu.memref_slice %arg12[%dma_start3A_45, %dma_start3A_46] : memref<10240x128xf32, #tpu.memory_space<vmem_shared>> -> memref<10240x128xf32, #tpu.memory_space<vmem_shared>>
          tpu.enqueue_indirect_dma source(%arg11 : memref<128x128xf32, #tpu.memory_space<vmem>>) target(%dma_start3A_47 : memref<10240x128xf32, #tpu.memory_space<vmem_shared>>) offsets(%dma_start3A_44 : memref<128xi32, #tpu.memory_space<vmem>>) semaphore(%run_scoped3A_41 : memref<!tpu.dma_semaphore, #tpu.memory_space<semaphore_mem>>) {add = true}
          %dma_wait3A_48 = arith.constant 0 : i32
          %dma_wait3A_49 = tpu.memref_slice %arg10[%run_scoped3A, %dma_wait3A_48] : memref<2x128xi32, #tpu.memory_space<vmem>> -> memref<1x128xi32, #tpu.memory_space<vmem>>
          %dma_wait3A_50 = tpu.memref_squeeze %dma_wait3A_49 : memref<1x128xi32, #tpu.memory_space<vmem>> -> memref<128xi32, #tpu.memory_space<vmem>>
          %dma_wait3A_51 = arith.constant 0 : i32
          %dma_wait3A_52 = arith.constant 0 : i32
          %dma_wait3A_53 = tpu.memref_slice %arg12[%dma_wait3A_51, %dma_wait3A_52] : memref<10240x128xf32, #tpu.memory_space<vmem_shared>> -> memref<10240x128xf32, #tpu.memory_space<vmem_shared>>
          tpu.wait_indirect_dma semaphore(%run_scoped3A_41 : memref<!tpu.dma_semaphore, #tpu.memory_space<semaphore_mem>>) src(%arg11 : memref<128x128xf32, #tpu.memory_space<vmem>>) dst(%dma_wait3A_53 : memref<10240x128xf32, #tpu.memory_space<vmem_shared>>)
          tpu.yield
        }) : () -> ()
      }
      %scan3A_27 = arith.constant 20 : i32
    } else {
    }
    %barrier3A_18 = arith.constant 0 : index
    tpu.barrier barrier_id(%barrier3A_18)
    %mul3A_19 = arith.constant 640 : i32
    %mul3A_20 = arith.muli %arg1, %mul3A_19 : i32
    %mul3A_21 = arith.constant 640 : i32
    %mul3A_22 = arith.muli %arg1, %mul3A_21 : i32
    "tpu.region"() ({
      %run_scoped3A = tpu.sem_alloc : memref<!tpu.dma_semaphore, #tpu.memory_space<semaphore_mem>>
      %dma_start3A = arith.constant 0 : i32
      %dma_start3A_23 = tpu.memref_slice %arg7[%arg0, %mul3A_22, %dma_start3A] : memref<2x10240x128xf32, #tpu.memory_space<hbm>> -> memref<1x640x128xf32, #tpu.memory_space<hbm>>
      %dma_start3A_24 = tpu.memref_squeeze %dma_start3A_23 : memref<1x640x128xf32, #tpu.memory_space<hbm>> -> memref<640x128xf32, #tpu.memory_space<hbm>>
      %dma_start3A_25 = arith.constant 0 : i32
      %dma_start3A_26 = tpu.memref_slice %arg12[%mul3A_20, %dma_start3A_25] : memref<10240x128xf32, #tpu.memory_space<vmem_shared>> -> memref<640x128xf32, #tpu.memory_space<vmem_shared>>
      tpu.enqueue_dma source(%dma_start3A_26 : memref<640x128xf32, #tpu.memory_space<vmem_shared>>) target(%dma_start3A_24 : memref<640x128xf32, #tpu.memory_space<hbm>>) target_semaphore(%run_scoped3A : memref<!tpu.dma_semaphore, #tpu.memory_space<semaphore_mem>>)
      %dma_wait3A = arith.constant 0 : i32
      %dma_wait3A_27 = tpu.memref_slice %arg7[%arg0, %mul3A_22, %dma_wait3A] : memref<2x10240x128xf32, #tpu.memory_space<hbm>> -> memref<1x640x128xf32, #tpu.memory_space<hbm>>
      %dma_wait3A_28 = tpu.memref_squeeze %dma_wait3A_27 : memref<1x640x128xf32, #tpu.memory_space<hbm>> -> memref<640x128xf32, #tpu.memory_space<hbm>>
      %dma_wait3A_29 = arith.constant 0 : i32
      %dma_wait3A_30 = tpu.memref_slice %arg12[%mul3A_20, %dma_wait3A_29] : memref<10240x128xf32, #tpu.memory_space<vmem_shared>> -> memref<640x128xf32, #tpu.memory_space<vmem_shared>>
      tpu.wait_dma2 semaphore(%run_scoped3A : memref<!tpu.dma_semaphore, #tpu.memory_space<semaphore_mem>>) src(%dma_wait3A_30 : memref<640x128xf32, #tpu.memory_space<vmem_shared>>) dst(%dma_wait3A_28 : memref<640x128xf32, #tpu.memory_space<hbm>>)
      tpu.yield
    }) : () -> ()
    return
  }
}

#map = affine_map<(d0, d1) -> (0, 0, 0)>
#map1 = affine_map<(d0, d1) -> (0)>
#map2 = affine_map<(d0, d1) -> (0, 0)>
module attributes {stable_mosaic.version = 14 : i64} {
  func.func @k(%arg0: i32, %arg1: i32, %arg2: memref<32x79x128xi32, #tpu.memory_space<hbm>>, %arg3: memref<10240xf32, #tpu.memory_space<hbm>>, %arg4: memref<2x10240xf32, #tpu.memory_space<hbm>>, %arg5: memref<79x128xi32, #tpu.memory_space<vmem>>, %arg6: memref<128xf32, #tpu.memory_space<vmem>>, %arg7: memref<10240xf32, #tpu.memory_space<vmem_shared>>) attributes {dimension_semantics = [#tpu.dimension_semantics<core_parallel>, #tpu.dimension_semantics<subcore_parallel>], iteration_bounds = array<i64: 2, 16>, scalar_prefetch = 0 : i64, scratch_operands = 3 : i64, tpu.core_type = #tpu.core_type<sc_vector_subcore>, window_params = [{transform_indices = #map}, {transform_indices = #map1}, {transform_indices = #map2}]} {
    %mul3A = arith.constant 16 : i32
    %mul3A_0 = arith.muli %arg0, %mul3A : i32
    %add3A = arith.addi %mul3A_0, %arg1 : i32
    %mul3A_1 = arith.constant 640 : i32
    %mul3A_2 = arith.muli %arg1, %mul3A_1 : i32
    %mul3A_3 = arith.constant 640 : i32
    %mul3A_4 = arith.muli %arg1, %mul3A_3 : i32
    "tpu.region"() ({
      %run_scoped3A = tpu.sem_alloc : memref<!tpu.dma_semaphore, #tpu.memory_space<semaphore_mem>>
      %dma_start3A = tpu.memref_slice %arg7[%mul3A_4] : memref<10240xf32, #tpu.memory_space<vmem_shared>> -> memref<640xf32, #tpu.memory_space<vmem_shared>>
      %dma_start3A_61 = tpu.memref_slice %arg3[%mul3A_2] : memref<10240xf32, #tpu.memory_space<hbm>> -> memref<640xf32, #tpu.memory_space<hbm>>
      tpu.enqueue_dma source(%dma_start3A_61 : memref<640xf32, #tpu.memory_space<hbm>>) target(%dma_start3A : memref<640xf32, #tpu.memory_space<vmem_shared>>) target_semaphore(%run_scoped3A : memref<!tpu.dma_semaphore, #tpu.memory_space<semaphore_mem>>)
      %dma_wait3A = tpu.memref_slice %arg7[%mul3A_4] : memref<10240xf32, #tpu.memory_space<vmem_shared>> -> memref<640xf32, #tpu.memory_space<vmem_shared>>
      %dma_wait3A_62 = tpu.memref_slice %arg3[%mul3A_2] : memref<10240xf32, #tpu.memory_space<hbm>> -> memref<640xf32, #tpu.memory_space<hbm>>
      tpu.wait_dma2 semaphore(%run_scoped3A : memref<!tpu.dma_semaphore, #tpu.memory_space<semaphore_mem>>) src(%dma_wait3A_62 : memref<640xf32, #tpu.memory_space<hbm>>) dst(%dma_wait3A : memref<640xf32, #tpu.memory_space<vmem_shared>>)
      tpu.yield
    }) : () -> ()
    "tpu.region"() ({
      %run_scoped3A = tpu.sem_alloc : memref<!tpu.dma_semaphore, #tpu.memory_space<semaphore_mem>>
      %dma_start3A = arith.constant 0 : i32
      %dma_start3A_61 = arith.constant 0 : i32
      %dma_start3A_62 = tpu.memref_slice %arg2[%add3A, %dma_start3A, %dma_start3A_61] : memref<32x79x128xi32, #tpu.memory_space<hbm>> -> memref<1x79x128xi32, #tpu.memory_space<hbm>>
      %dma_start3A_63 = tpu.memref_squeeze %dma_start3A_62 : memref<1x79x128xi32, #tpu.memory_space<hbm>> -> memref<79x128xi32, #tpu.memory_space<hbm>>
      %dma_start3A_64 = arith.constant 0 : i32
      %dma_start3A_65 = arith.constant 0 : i32
      %dma_start3A_66 = tpu.memref_slice %arg2[%add3A, %dma_start3A_64, %dma_start3A_65] : memref<32x79x128xi32, #tpu.memory_space<hbm>> -> memref<1x79x128xi32, #tpu.memory_space<hbm>>
      %dma_start3A_67 = tpu.memref_squeeze %dma_start3A_66 : memref<1x79x128xi32, #tpu.memory_space<hbm>> -> memref<79x128xi32, #tpu.memory_space<hbm>>
      tpu.enqueue_dma source(%dma_start3A_67 : memref<79x128xi32, #tpu.memory_space<hbm>>) target(%arg5 : memref<79x128xi32, #tpu.memory_space<vmem>>) target_semaphore(%run_scoped3A : memref<!tpu.dma_semaphore, #tpu.memory_space<semaphore_mem>>)
      %dma_wait3A = arith.constant 0 : i32
      %dma_wait3A_68 = arith.constant 0 : i32
      %dma_wait3A_69 = tpu.memref_slice %arg2[%add3A, %dma_wait3A, %dma_wait3A_68] : memref<32x79x128xi32, #tpu.memory_space<hbm>> -> memref<1x79x128xi32, #tpu.memory_space<hbm>>
      %dma_wait3A_70 = tpu.memref_squeeze %dma_wait3A_69 : memref<1x79x128xi32, #tpu.memory_space<hbm>> -> memref<79x128xi32, #tpu.memory_space<hbm>>
      %dma_wait3A_71 = arith.constant 0 : i32
      %dma_wait3A_72 = arith.constant 0 : i32
      %dma_wait3A_73 = tpu.memref_slice %arg2[%add3A, %dma_wait3A_71, %dma_wait3A_72] : memref<32x79x128xi32, #tpu.memory_space<hbm>> -> memref<1x79x128xi32, #tpu.memory_space<hbm>>
      %dma_wait3A_74 = tpu.memref_squeeze %dma_wait3A_73 : memref<1x79x128xi32, #tpu.memory_space<hbm>> -> memref<79x128xi32, #tpu.memory_space<hbm>>
      tpu.wait_dma2 semaphore(%run_scoped3A : memref<!tpu.dma_semaphore, #tpu.memory_space<semaphore_mem>>) src(%dma_wait3A_74 : memref<79x128xi32, #tpu.memory_space<hbm>>) dst(%arg5 : memref<79x128xi32, #tpu.memory_space<vmem>>)
      tpu.yield
    }) : () -> ()
    %broadcast_in_dim3A = arith.constant 1.000000e+00 : f32
    %broadcast_in_dim3A_5 = vector.broadcast %broadcast_in_dim3A : f32 to vector<16xf32>
    %swap3A = arith.constant 0 : index
    %swap3A_6 = tpu.vector_load %arg6[%swap3A] {strides = array<i32>} : memref<128xf32, #tpu.memory_space<vmem>>, vector<16xf32>,
    %swap3A_7 = vector.shape_cast %swap3A_6 : vector<16xf32> to vector<16xf32>
    %swap3A_8 = vector.shape_cast %broadcast_in_dim3A_5 : vector<16xf32> to vector<16xf32>
    tpu.vector_store %arg6[%swap3A], %swap3A_8 {strides = array<i32>} : memref<128xf32, #tpu.memory_space<vmem>>, vector<16xf32>,
    %broadcast_in_dim3A_9 = arith.constant 1.000000e+00 : f32
    %broadcast_in_dim3A_10 = vector.broadcast %broadcast_in_dim3A_9 : f32 to vector<16xf32>
    %swap3A_11 = arith.constant 16 : index
    %swap3A_12 = tpu.vector_load %arg6[%swap3A_11] {strides = array<i32>} : memref<128xf32, #tpu.memory_space<vmem>>, vector<16xf32>,
    %swap3A_13 = vector.shape_cast %swap3A_12 : vector<16xf32> to vector<16xf32>
    %swap3A_14 = vector.shape_cast %broadcast_in_dim3A_10 : vector<16xf32> to vector<16xf32>
    tpu.vector_store %arg6[%swap3A_11], %swap3A_14 {strides = array<i32>} : memref<128xf32, #tpu.memory_space<vmem>>, vector<16xf32>,
    %broadcast_in_dim3A_15 = arith.constant 1.000000e+00 : f32
    %broadcast_in_dim3A_16 = vector.broadcast %broadcast_in_dim3A_15 : f32 to vector<16xf32>
    %swap3A_17 = arith.constant 32 : index
    %swap3A_18 = tpu.vector_load %arg6[%swap3A_17] {strides = array<i32>} : memref<128xf32, #tpu.memory_space<vmem>>, vector<16xf32>,
    %swap3A_19 = vector.shape_cast %swap3A_18 : vector<16xf32> to vector<16xf32>
    %swap3A_20 = vector.shape_cast %broadcast_in_dim3A_16 : vector<16xf32> to vector<16xf32>
    tpu.vector_store %arg6[%swap3A_17], %swap3A_20 {strides = array<i32>} : memref<128xf32, #tpu.memory_space<vmem>>, vector<16xf32>,
    %broadcast_in_dim3A_21 = arith.constant 1.000000e+00 : f32
    %broadcast_in_dim3A_22 = vector.broadcast %broadcast_in_dim3A_21 : f32 to vector<16xf32>
    %swap3A_23 = arith.constant 48 : index
    %swap3A_24 = tpu.vector_load %arg6[%swap3A_23] {strides = array<i32>} : memref<128xf32, #tpu.memory_space<vmem>>, vector<16xf32>,
    %swap3A_25 = vector.shape_cast %swap3A_24 : vector<16xf32> to vector<16xf32>
    %swap3A_26 = vector.shape_cast %broadcast_in_dim3A_22 : vector<16xf32> to vector<16xf32>
    tpu.vector_store %arg6[%swap3A_23], %swap3A_26 {strides = array<i32>} : memref<128xf32, #tpu.memory_space<vmem>>, vector<16xf32>,
    %broadcast_in_dim3A_27 = arith.constant 1.000000e+00 : f32
    %broadcast_in_dim3A_28 = vector.broadcast %broadcast_in_dim3A_27 : f32 to vector<16xf32>
    %swap3A_29 = arith.constant 64 : index
    %swap3A_30 = tpu.vector_load %arg6[%swap3A_29] {strides = array<i32>} : memref<128xf32, #tpu.memory_space<vmem>>, vector<16xf32>,
    %swap3A_31 = vector.shape_cast %swap3A_30 : vector<16xf32> to vector<16xf32>
    %swap3A_32 = vector.shape_cast %broadcast_in_dim3A_28 : vector<16xf32> to vector<16xf32>
    tpu.vector_store %arg6[%swap3A_29], %swap3A_32 {strides = array<i32>} : memref<128xf32, #tpu.memory_space<vmem>>, vector<16xf32>,
    %broadcast_in_dim3A_33 = arith.constant 1.000000e+00 : f32
    %broadcast_in_dim3A_34 = vector.broadcast %broadcast_in_dim3A_33 : f32 to vector<16xf32>
    %swap3A_35 = arith.constant 80 : index
    %swap3A_36 = tpu.vector_load %arg6[%swap3A_35] {strides = array<i32>} : memref<128xf32, #tpu.memory_space<vmem>>, vector<16xf32>,
    %swap3A_37 = vector.shape_cast %swap3A_36 : vector<16xf32> to vector<16xf32>
    %swap3A_38 = vector.shape_cast %broadcast_in_dim3A_34 : vector<16xf32> to vector<16xf32>
    tpu.vector_store %arg6[%swap3A_35], %swap3A_38 {strides = array<i32>} : memref<128xf32, #tpu.memory_space<vmem>>, vector<16xf32>,
    %broadcast_in_dim3A_39 = arith.constant 1.000000e+00 : f32
    %broadcast_in_dim3A_40 = vector.broadcast %broadcast_in_dim3A_39 : f32 to vector<16xf32>
    %swap3A_41 = arith.constant 96 : index
    %swap3A_42 = tpu.vector_load %arg6[%swap3A_41] {strides = array<i32>} : memref<128xf32, #tpu.memory_space<vmem>>, vector<16xf32>,
    %swap3A_43 = vector.shape_cast %swap3A_42 : vector<16xf32> to vector<16xf32>
    %swap3A_44 = vector.shape_cast %broadcast_in_dim3A_40 : vector<16xf32> to vector<16xf32>
    tpu.vector_store %arg6[%swap3A_41], %swap3A_44 {strides = array<i32>} : memref<128xf32, #tpu.memory_space<vmem>>, vector<16xf32>,
    %broadcast_in_dim3A_45 = arith.constant 1.000000e+00 : f32
    %broadcast_in_dim3A_46 = vector.broadcast %broadcast_in_dim3A_45 : f32 to vector<16xf32>
    %swap3A_47 = arith.constant 112 : index
    %swap3A_48 = tpu.vector_load %arg6[%swap3A_47] {strides = array<i32>} : memref<128xf32, #tpu.memory_space<vmem>>, vector<16xf32>,
    %swap3A_49 = vector.shape_cast %swap3A_48 : vector<16xf32> to vector<16xf32>
    %swap3A_50 = vector.shape_cast %broadcast_in_dim3A_46 : vector<16xf32> to vector<16xf32>
    tpu.vector_store %arg6[%swap3A_47], %swap3A_50 {strides = array<i32>} : memref<128xf32, #tpu.memory_space<vmem>>, vector<16xf32>,
    %barrier3A = arith.constant 0 : index
    tpu.barrier barrier_id(%barrier3A)
    %scan3A = arith.constant 0 : i32
    %scan3A_51 = arith.constant 0 : i32
    %scan3A_52 = arith.constant 79 : i32
    %scan3A_53 = arith.addi %scan3A_51, %scan3A_52 : i32
    %scan3A_54 = arith.constant 1 : i32
    scf.for %scan3A_61 = %scan3A_51 to %scan3A_53 step %scan3A_54  : i32 {
      "tpu.region"() ({
        %run_scoped3A = tpu.sem_alloc : memref<!tpu.dma_semaphore, #tpu.memory_space<semaphore_mem>>
        %dma_start3A = arith.constant 0 : i32
        %dma_start3A_62 = tpu.memref_slice %arg5[%scan3A_61, %dma_start3A] : memref<79x128xi32, #tpu.memory_space<vmem>> -> memref<1x128xi32, #tpu.memory_space<vmem>>
        %dma_start3A_63 = tpu.memref_squeeze %dma_start3A_62 : memref<1x128xi32, #tpu.memory_space<vmem>> -> memref<128xi32, #tpu.memory_space<vmem>>
        %dma_start3A_64 = arith.constant 0 : i32
        %dma_start3A_65 = tpu.memref_slice %arg7[%dma_start3A_64] : memref<10240xf32, #tpu.memory_space<vmem_shared>> -> memref<10240xf32, #tpu.memory_space<vmem_shared>>
        tpu.enqueue_indirect_dma source(%arg6 : memref<128xf32, #tpu.memory_space<vmem>>) target(%dma_start3A_65 : memref<10240xf32, #tpu.memory_space<vmem_shared>>) offsets(%dma_start3A_63 : memref<128xi32, #tpu.memory_space<vmem>>) semaphore(%run_scoped3A : memref<!tpu.dma_semaphore, #tpu.memory_space<semaphore_mem>>) {add = true}
        %dma_wait3A = arith.constant 0 : i32
        %dma_wait3A_66 = tpu.memref_slice %arg5[%scan3A_61, %dma_wait3A] : memref<79x128xi32, #tpu.memory_space<vmem>> -> memref<1x128xi32, #tpu.memory_space<vmem>>
        %dma_wait3A_67 = tpu.memref_squeeze %dma_wait3A_66 : memref<1x128xi32, #tpu.memory_space<vmem>> -> memref<128xi32, #tpu.memory_space<vmem>>
        %dma_wait3A_68 = arith.constant 0 : i32
        %dma_wait3A_69 = tpu.memref_slice %arg7[%dma_wait3A_68] : memref<10240xf32, #tpu.memory_space<vmem_shared>> -> memref<10240xf32, #tpu.memory_space<vmem_shared>>
        tpu.wait_indirect_dma semaphore(%run_scoped3A : memref<!tpu.dma_semaphore, #tpu.memory_space<semaphore_mem>>) src(%arg6 : memref<128xf32, #tpu.memory_space<vmem>>) dst(%dma_wait3A_69 : memref<10240xf32, #tpu.memory_space<vmem_shared>>)
        tpu.yield
      }) : () -> ()
    }
    %scan3A_55 = arith.constant 79 : i32
    %barrier3A_56 = arith.constant 0 : index
    tpu.barrier barrier_id(%barrier3A_56)
    %mul3A_57 = arith.constant 640 : i32
    %mul3A_58 = arith.muli %arg1, %mul3A_57 : i32
    %mul3A_59 = arith.constant 640 : i32
    %mul3A_60 = arith.muli %arg1, %mul3A_59 : i32
    "tpu.region"() ({
      %run_scoped3A = tpu.sem_alloc : memref<!tpu.dma_semaphore, #tpu.memory_space<semaphore_mem>>
      %dma_start3A = tpu.memref_slice %arg4[%arg0, %mul3A_60] : memref<2x10240xf32, #tpu.memory_space<hbm>> -> memref<1x640xf32, #tpu.memory_space<hbm>>
      %dma_start3A_61 = tpu.memref_squeeze %dma_start3A : memref<1x640xf32, #tpu.memory_space<hbm>> -> memref<640xf32, #tpu.memory_space<hbm>>
      %dma_start3A_62 = tpu.memref_slice %arg7[%mul3A_58] : memref<10240xf32, #tpu.memory_space<vmem_shared>> -> memref<640xf32, #tpu.memory_space<vmem_shared>>
      tpu.enqueue_dma source(%dma_start3A_62 : memref<640xf32, #tpu.memory_space<vmem_shared>>) target(%dma_start3A_61 : memref<640xf32, #tpu.memory_space<hbm>>) target_semaphore(%run_scoped3A : memref<!tpu.dma_semaphore, #tpu.memory_space<semaphore_mem>>)
      %dma_wait3A = tpu.memref_slice %arg4[%arg0, %mul3A_60] : memref<2x10240xf32, #tpu.memory_space<hbm>> -> memref<1x640xf32, #tpu.memory_space<hbm>>
      %dma_wait3A_63 = tpu.memref_squeeze %dma_wait3A : memref<1x640xf32, #tpu.memory_space<hbm>> -> memref<640xf32, #tpu.memory_space<hbm>>
      %dma_wait3A_64 = tpu.memref_slice %arg7[%mul3A_58] : memref<10240xf32, #tpu.memory_space<vmem_shared>> -> memref<640xf32, #tpu.memory_space<vmem_shared>>
      tpu.wait_dma2 semaphore(%run_scoped3A : memref<!tpu.dma_semaphore, #tpu.memory_space<semaphore_mem>>) src(%dma_wait3A_64 : memref<640xf32, #tpu.memory_space<vmem_shared>>) dst(%dma_wait3A_63 : memref<640xf32, #tpu.memory_space<hbm>>)
      tpu.yield
    }) : () -> ()
    return
  }
}

#map = affine_map<(d0, d1) -> (0, 0)>
#map1 = affine_map<(d0, d1) -> (0, 0, 0)>
#map2 = affine_map<(d0, d1) -> (0, 0, 0, 0)>
module attributes {stable_mosaic.version = 14 : i64} {
  func.func @kfn(%arg0: i32, %arg1: i32, %arg2: memref<10240x128xf32, #tpu.memory_space<hbm>>, %arg3: memref<32x79x128xi32, #tpu.memory_space<hbm>>, %arg4: memref<32x79x128xi32, #tpu.memory_space<hbm>>, %arg5: memref<16x20x2x128xi32, #tpu.memory_space<hbm>>, %arg6: memref<10240x128xf32, #tpu.memory_space<hbm>>, %arg7: memref<2x10240x128xf32, #tpu.memory_space<hbm>>, %arg8: memref<79x128xi32, #tpu.memory_space<vmem>>, %arg9: memref<79x128xi32, #tpu.memory_space<vmem>>, %arg10: memref<2x128xi32, #tpu.memory_space<vmem>>, %arg11: memref<128x128xf32, #tpu.memory_space<vmem>>, %arg12: memref<10240x128xf32, #tpu.memory_space<vmem_shared>>, %arg13: memref<!tpu.dma_semaphore, #tpu.memory_space<semaphore_mem>>) attributes {dimension_semantics = [#tpu.dimension_semantics<core_parallel>, #tpu.dimension_semantics<subcore_parallel>], iteration_bounds = array<i64: 2, 16>, scalar_prefetch = 0 : i64, scratch_operands = 6 : i64, tpu.core_type = #tpu.core_type<sc_vector_subcore>, window_params = [{transform_indices = #map}, {transform_indices = #map1}, {transform_indices = #map1}, {transform_indices = #map2}, {transform_indices = #map}, {transform_indices = #map1}]} {
    %mul3A = arith.constant 16 : i32
    %mul3A_0 = arith.muli %arg0, %mul3A : i32
    %add3A = arith.addi %mul3A_0, %arg1 : i32
    %mul3A_1 = arith.constant 640 : i32
    %mul3A_2 = arith.muli %arg1, %mul3A_1 : i32
    %mul3A_3 = arith.constant 640 : i32
    %mul3A_4 = arith.muli %arg1, %mul3A_3 : i32
    "tpu.region"() ({
      %run_scoped3A = tpu.sem_alloc : memref<!tpu.dma_semaphore, #tpu.memory_space<semaphore_mem>>
      %dma_start3A = arith.constant 0 : i32
      %dma_start3A_23 = tpu.memref_slice %arg12[%mul3A_4, %dma_start3A] : memref<10240x128xf32, #tpu.memory_space<vmem_shared>> -> memref<640x128xf32, #tpu.memory_space<vmem_shared>>
      %dma_start3A_24 = arith.constant 0 : i32
      %dma_start3A_25 = tpu.memref_slice %arg6[%mul3A_2, %dma_start3A_24] : memref<10240x128xf32, #tpu.memory_space<hbm>> -> memref<640x128xf32, #tpu.memory_space<hbm>>
      tpu.enqueue_dma source(%dma_start3A_25 : memref<640x128xf32, #tpu.memory_space<hbm>>) target(%dma_start3A_23 : memref<640x128xf32, #tpu.memory_space<vmem_shared>>) target_semaphore(%run_scoped3A : memref<!tpu.dma_semaphore, #tpu.memory_space<semaphore_mem>>)
      %dma_wait3A = arith.constant 0 : i32
      %dma_wait3A_26 = tpu.memref_slice %arg12[%mul3A_4, %dma_wait3A] : memref<10240x128xf32, #tpu.memory_space<vmem_shared>> -> memref<640x128xf32, #tpu.memory_space<vmem_shared>>
      %dma_wait3A_27 = arith.constant 0 : i32
      %dma_wait3A_28 = tpu.memref_slice %arg6[%mul3A_2, %dma_wait3A_27] : memref<10240x128xf32, #tpu.memory_space<hbm>> -> memref<640x128xf32, #tpu.memory_space<hbm>>
      tpu.wait_dma2 semaphore(%run_scoped3A : memref<!tpu.dma_semaphore, #tpu.memory_space<semaphore_mem>>) src(%dma_wait3A_28 : memref<640x128xf32, #tpu.memory_space<hbm>>) dst(%dma_wait3A_26 : memref<640x128xf32, #tpu.memory_space<vmem_shared>>)
      tpu.yield
    }) : () -> ()
    "tpu.region"() ({
      %run_scoped3A = tpu.sem_alloc : memref<!tpu.dma_semaphore, #tpu.memory_space<semaphore_mem>>
      %dma_start3A = arith.constant 0 : i32
      %dma_start3A_23 = arith.constant 0 : i32
      %dma_start3A_24 = tpu.memref_slice %arg3[%add3A, %dma_start3A, %dma_start3A_23] : memref<32x79x128xi32, #tpu.memory_space<hbm>> -> memref<1x79x128xi32, #tpu.memory_space<hbm>>
      %dma_start3A_25 = tpu.memref_squeeze %dma_start3A_24 : memref<1x79x128xi32, #tpu.memory_space<hbm>> -> memref<79x128xi32, #tpu.memory_space<hbm>>
      %dma_start3A_26 = arith.constant 0 : i32
      %dma_start3A_27 = arith.constant 0 : i32
      %dma_start3A_28 = tpu.memref_slice %arg3[%add3A, %dma_start3A_26, %dma_start3A_27] : memref<32x79x128xi32, #tpu.memory_space<hbm>> -> memref<1x79x128xi32, #tpu.memory_space<hbm>>
      %dma_start3A_29 = tpu.memref_squeeze %dma_start3A_28 : memref<1x79x128xi32, #tpu.memory_space<hbm>> -> memref<79x128xi32, #tpu.memory_space<hbm>>
      tpu.enqueue_dma source(%dma_start3A_29 : memref<79x128xi32, #tpu.memory_space<hbm>>) target(%arg8 : memref<79x128xi32, #tpu.memory_space<vmem>>) target_semaphore(%run_scoped3A : memref<!tpu.dma_semaphore, #tpu.memory_space<semaphore_mem>>)
      %dma_wait3A = arith.constant 0 : i32
      %dma_wait3A_30 = arith.constant 0 : i32
      %dma_wait3A_31 = tpu.memref_slice %arg3[%add3A, %dma_wait3A, %dma_wait3A_30] : memref<32x79x128xi32, #tpu.memory_space<hbm>> -> memref<1x79x128xi32, #tpu.memory_space<hbm>>
      %dma_wait3A_32 = tpu.memref_squeeze %dma_wait3A_31 : memref<1x79x128xi32, #tpu.memory_space<hbm>> -> memref<79x128xi32, #tpu.memory_space<hbm>>
      %dma_wait3A_33 = arith.constant 0 : i32
      %dma_wait3A_34 = arith.constant 0 : i32
      %dma_wait3A_35 = tpu.memref_slice %arg3[%add3A, %dma_wait3A_33, %dma_wait3A_34] : memref<32x79x128xi32, #tpu.memory_space<hbm>> -> memref<1x79x128xi32, #tpu.memory_space<hbm>>
      %dma_wait3A_36 = tpu.memref_squeeze %dma_wait3A_35 : memref<1x79x128xi32, #tpu.memory_space<hbm>> -> memref<79x128xi32, #tpu.memory_space<hbm>>
      tpu.wait_dma2 semaphore(%run_scoped3A : memref<!tpu.dma_semaphore, #tpu.memory_space<semaphore_mem>>) src(%dma_wait3A_36 : memref<79x128xi32, #tpu.memory_space<hbm>>) dst(%arg8 : memref<79x128xi32, #tpu.memory_space<vmem>>)
      tpu.yield
    }) : () -> ()
    "tpu.region"() ({
      %run_scoped3A = tpu.sem_alloc : memref<!tpu.dma_semaphore, #tpu.memory_space<semaphore_mem>>
      %dma_start3A = arith.constant 0 : i32
      %dma_start3A_23 = arith.constant 0 : i32
      %dma_start3A_24 = tpu.memref_slice %arg4[%add3A, %dma_start3A, %dma_start3A_23] : memref<32x79x128xi32, #tpu.memory_space<hbm>> -> memref<1x79x128xi32, #tpu.memory_space<hbm>>
      %dma_start3A_25 = tpu.memref_squeeze %dma_start3A_24 : memref<1x79x128xi32, #tpu.memory_space<hbm>> -> memref<79x128xi32, #tpu.memory_space<hbm>>
      %dma_start3A_26 = arith.constant 0 : i32
      %dma_start3A_27 = arith.constant 0 : i32
      %dma_start3A_28 = tpu.memref_slice %arg4[%add3A, %dma_start3A_26, %dma_start3A_27] : memref<32x79x128xi32, #tpu.memory_space<hbm>> -> memref<1x79x128xi32, #tpu.memory_space<hbm>>
      %dma_start3A_29 = tpu.memref_squeeze %dma_start3A_28 : memref<1x79x128xi32, #tpu.memory_space<hbm>> -> memref<79x128xi32, #tpu.memory_space<hbm>>
      tpu.enqueue_dma source(%dma_start3A_29 : memref<79x128xi32, #tpu.memory_space<hbm>>) target(%arg9 : memref<79x128xi32, #tpu.memory_space<vmem>>) target_semaphore(%run_scoped3A : memref<!tpu.dma_semaphore, #tpu.memory_space<semaphore_mem>>)
      %dma_wait3A = arith.constant 0 : i32
      %dma_wait3A_30 = arith.constant 0 : i32
      %dma_wait3A_31 = tpu.memref_slice %arg4[%add3A, %dma_wait3A, %dma_wait3A_30] : memref<32x79x128xi32, #tpu.memory_space<hbm>> -> memref<1x79x128xi32, #tpu.memory_space<hbm>>
      %dma_wait3A_32 = tpu.memref_squeeze %dma_wait3A_31 : memref<1x79x128xi32, #tpu.memory_space<hbm>> -> memref<79x128xi32, #tpu.memory_space<hbm>>
      %dma_wait3A_33 = arith.constant 0 : i32
      %dma_wait3A_34 = arith.constant 0 : i32
      %dma_wait3A_35 = tpu.memref_slice %arg4[%add3A, %dma_wait3A_33, %dma_wait3A_34] : memref<32x79x128xi32, #tpu.memory_space<hbm>> -> memref<1x79x128xi32, #tpu.memory_space<hbm>>
      %dma_wait3A_36 = tpu.memref_squeeze %dma_wait3A_35 : memref<1x79x128xi32, #tpu.memory_space<hbm>> -> memref<79x128xi32, #tpu.memory_space<hbm>>
      tpu.wait_dma2 semaphore(%run_scoped3A : memref<!tpu.dma_semaphore, #tpu.memory_space<semaphore_mem>>) src(%dma_wait3A_36 : memref<79x128xi32, #tpu.memory_space<hbm>>) dst(%arg9 : memref<79x128xi32, #tpu.memory_space<vmem>>)
      tpu.yield
    }) : () -> ()
    %barrier3A = arith.constant 0 : index
    tpu.barrier barrier_id(%barrier3A)
    %eq3A = arith.constant 1 : i32
    %eq3A_5 = arith.cmpi eq, %arg0, %eq3A : i32
    %jit3A = arith.constant 58 : i32
    %jit3A_6 = arith.constant 79 : i32
    %select_n3A = arith.select %eq3A_5, %jit3A, %jit3A_6 : i32
    %while3A = arith.constant 0 : i32
    %while3A_7 = arith.constant 0 : i32
    %while3A_8 = arith.subi %select_n3A, %while3A_7 : i32
    %while3A_9 = arith.addi %while3A_7, %while3A_8 : i32
    %while3A_10 = arith.constant 1 : i32
    %while3A_11 = arith.divsi %while3A_8, %while3A_10 : i32
    %while3A_12 = arith.muli %while3A_11, %while3A_10 : i32
    %while3A_13 = arith.addi %while3A_7, %while3A_12 : i32
    %while3A_14 = arith.constant 1 : i32
    scf.for %while3A_23 = %while3A_7 to %while3A_13 step %while3A_14  : i32 {
      %dma_start3A = arith.constant 0 : i32
      %dma_start3A_24 = tpu.memref_slice %arg8[%while3A_23, %dma_start3A] : memref<79x128xi32, #tpu.memory_space<vmem>> -> memref<1x128xi32, #tpu.memory_space<vmem>>
      %dma_start3A_25 = tpu.memref_squeeze %dma_start3A_24 : memref<1x128xi32, #tpu.memory_space<vmem>> -> memref<128xi32, #tpu.memory_space<vmem>>
      %dma_start3A_26 = arith.constant 0 : i32
      %dma_start3A_27 = arith.constant 0 : i32
      %dma_start3A_28 = tpu.memref_slice %arg2[%dma_start3A_26, %dma_start3A_27] : memref<10240x128xf32, #tpu.memory_space<hbm>> -> memref<10240x128xf32, #tpu.memory_space<hbm>>
      tpu.enqueue_indirect_dma source(%dma_start3A_28 : memref<10240x128xf32, #tpu.memory_space<hbm>>) target(%arg11 : memref<128x128xf32, #tpu.memory_space<vmem>>) offsets(%dma_start3A_25 : memref<128xi32, #tpu.memory_space<vmem>>) semaphore(%arg13 : memref<!tpu.dma_semaphore, #tpu.memory_space<semaphore_mem>>)
      %dma_wait3A = arith.constant 0 : i32
      %dma_wait3A_29 = tpu.memref_slice %arg8[%while3A_23, %dma_wait3A] : memref<79x128xi32, #tpu.memory_space<vmem>> -> memref<1x128xi32, #tpu.memory_space<vmem>>
      %dma_wait3A_30 = tpu.memref_squeeze %dma_wait3A_29 : memref<1x128xi32, #tpu.memory_space<vmem>> -> memref<128xi32, #tpu.memory_space<vmem>>
      %dma_wait3A_31 = arith.constant 0 : i32
      %dma_wait3A_32 = arith.constant 0 : i32
      %dma_wait3A_33 = tpu.memref_slice %arg2[%dma_wait3A_31, %dma_wait3A_32] : memref<10240x128xf32, #tpu.memory_space<hbm>> -> memref<10240x128xf32, #tpu.memory_space<hbm>>
      tpu.wait_indirect_dma semaphore(%arg13 : memref<!tpu.dma_semaphore, #tpu.memory_space<semaphore_mem>>) src(%dma_wait3A_33 : memref<10240x128xf32, #tpu.memory_space<hbm>>) dst(%arg11 : memref<128x128xf32, #tpu.memory_space<vmem>>)
      "tpu.region"() ({
        %run_scoped3A = tpu.sem_alloc : memref<!tpu.dma_semaphore, #tpu.memory_space<semaphore_mem>>
        %dma_start3A_34 = arith.constant 0 : i32
        %dma_start3A_35 = tpu.memref_slice %arg9[%while3A_23, %dma_start3A_34] : memref<79x128xi32, #tpu.memory_space<vmem>> -> memref<1x128xi32, #tpu.memory_space<vmem>>
        %dma_start3A_36 = tpu.memref_squeeze %dma_start3A_35 : memref<1x128xi32, #tpu.memory_space<vmem>> -> memref<128xi32, #tpu.memory_space<vmem>>
        %dma_start3A_37 = arith.constant 0 : i32
        %dma_start3A_38 = arith.constant 0 : i32
        %dma_start3A_39 = tpu.memref_slice %arg12[%dma_start3A_37, %dma_start3A_38] : memref<10240x128xf32, #tpu.memory_space<vmem_shared>> -> memref<10240x128xf32, #tpu.memory_space<vmem_shared>>
        tpu.enqueue_indirect_dma source(%arg11 : memref<128x128xf32, #tpu.memory_space<vmem>>) target(%dma_start3A_39 : memref<10240x128xf32, #tpu.memory_space<vmem_shared>>) offsets(%dma_start3A_36 : memref<128xi32, #tpu.memory_space<vmem>>) semaphore(%run_scoped3A : memref<!tpu.dma_semaphore, #tpu.memory_space<semaphore_mem>>) {add = true}
        %dma_wait3A_40 = arith.constant 0 : i32
        %dma_wait3A_41 = tpu.memref_slice %arg9[%while3A_23, %dma_wait3A_40] : memref<79x128xi32, #tpu.memory_space<vmem>> -> memref<1x128xi32, #tpu.memory_space<vmem>>
        %dma_wait3A_42 = tpu.memref_squeeze %dma_wait3A_41 : memref<1x128xi32, #tpu.memory_space<vmem>> -> memref<128xi32, #tpu.memory_space<vmem>>
        %dma_wait3A_43 = arith.constant 0 : i32
        %dma_wait3A_44 = arith.constant 0 : i32
        %dma_wait3A_45 = tpu.memref_slice %arg12[%dma_wait3A_43, %dma_wait3A_44] : memref<10240x128xf32, #tpu.memory_space<vmem_shared>> -> memref<10240x128xf32, #tpu.memory_space<vmem_shared>>
        tpu.wait_indirect_dma semaphore(%run_scoped3A : memref<!tpu.dma_semaphore, #tpu.memory_space<semaphore_mem>>) src(%arg11 : memref<128x128xf32, #tpu.memory_space<vmem>>) dst(%dma_wait3A_45 : memref<10240x128xf32, #tpu.memory_space<vmem_shared>>)
        tpu.yield
      }) : () -> ()
    }
    %while3A_15 = arith.constant 1 : i32
    scf.for %while3A_23 = %while3A_13 to %while3A_9 step %while3A_15  : i32 {
      %dma_start3A = arith.constant 0 : i32
      %dma_start3A_24 = tpu.memref_slice %arg8[%while3A_23, %dma_start3A] : memref<79x128xi32, #tpu.memory_space<vmem>> -> memref<1x128xi32, #tpu.memory_space<vmem>>
      %dma_start3A_25 = tpu.memref_squeeze %dma_start3A_24 : memref<1x128xi32, #tpu.memory_space<vmem>> -> memref<128xi32, #tpu.memory_space<vmem>>
      %dma_start3A_26 = arith.constant 0 : i32
      %dma_start3A_27 = arith.constant 0 : i32
      %dma_start3A_28 = tpu.memref_slice %arg2[%dma_start3A_26, %dma_start3A_27] : memref<10240x128xf32, #tpu.memory_space<hbm>> -> memref<10240x128xf32, #tpu.memory_space<hbm>>
      tpu.enqueue_indirect_dma source(%dma_start3A_28 : memref<10240x128xf32, #tpu.memory_space<hbm>>) target(%arg11 : memref<128x128xf32, #tpu.memory_space<vmem>>) offsets(%dma_start3A_25 : memref<128xi32, #tpu.memory_space<vmem>>) semaphore(%arg13 : memref<!tpu.dma_semaphore, #tpu.memory_space<semaphore_mem>>)
      %dma_wait3A = arith.constant 0 : i32
      %dma_wait3A_29 = tpu.memref_slice %arg8[%while3A_23, %dma_wait3A] : memref<79x128xi32, #tpu.memory_space<vmem>> -> memref<1x128xi32, #tpu.memory_space<vmem>>
      %dma_wait3A_30 = tpu.memref_squeeze %dma_wait3A_29 : memref<1x128xi32, #tpu.memory_space<vmem>> -> memref<128xi32, #tpu.memory_space<vmem>>
      %dma_wait3A_31 = arith.constant 0 : i32
      %dma_wait3A_32 = arith.constant 0 : i32
      %dma_wait3A_33 = tpu.memref_slice %arg2[%dma_wait3A_31, %dma_wait3A_32] : memref<10240x128xf32, #tpu.memory_space<hbm>> -> memref<10240x128xf32, #tpu.memory_space<hbm>>
      tpu.wait_indirect_dma semaphore(%arg13 : memref<!tpu.dma_semaphore, #tpu.memory_space<semaphore_mem>>) src(%dma_wait3A_33 : memref<10240x128xf32, #tpu.memory_space<hbm>>) dst(%arg11 : memref<128x128xf32, #tpu.memory_space<vmem>>)
      "tpu.region"() ({
        %run_scoped3A = tpu.sem_alloc : memref<!tpu.dma_semaphore, #tpu.memory_space<semaphore_mem>>
        %dma_start3A_34 = arith.constant 0 : i32
        %dma_start3A_35 = tpu.memref_slice %arg9[%while3A_23, %dma_start3A_34] : memref<79x128xi32, #tpu.memory_space<vmem>> -> memref<1x128xi32, #tpu.memory_space<vmem>>
        %dma_start3A_36 = tpu.memref_squeeze %dma_start3A_35 : memref<1x128xi32, #tpu.memory_space<vmem>> -> memref<128xi32, #tpu.memory_space<vmem>>
        %dma_start3A_37 = arith.constant 0 : i32
        %dma_start3A_38 = arith.constant 0 : i32
        %dma_start3A_39 = tpu.memref_slice %arg12[%dma_start3A_37, %dma_start3A_38] : memref<10240x128xf32, #tpu.memory_space<vmem_shared>> -> memref<10240x128xf32, #tpu.memory_space<vmem_shared>>
        tpu.enqueue_indirect_dma source(%arg11 : memref<128x128xf32, #tpu.memory_space<vmem>>) target(%dma_start3A_39 : memref<10240x128xf32, #tpu.memory_space<vmem_shared>>) offsets(%dma_start3A_36 : memref<128xi32, #tpu.memory_space<vmem>>) semaphore(%run_scoped3A : memref<!tpu.dma_semaphore, #tpu.memory_space<semaphore_mem>>) {add = true}
        %dma_wait3A_40 = arith.constant 0 : i32
        %dma_wait3A_41 = tpu.memref_slice %arg9[%while3A_23, %dma_wait3A_40] : memref<79x128xi32, #tpu.memory_space<vmem>> -> memref<1x128xi32, #tpu.memory_space<vmem>>
        %dma_wait3A_42 = tpu.memref_squeeze %dma_wait3A_41 : memref<1x128xi32, #tpu.memory_space<vmem>> -> memref<128xi32, #tpu.memory_space<vmem>>
        %dma_wait3A_43 = arith.constant 0 : i32
        %dma_wait3A_44 = arith.constant 0 : i32
        %dma_wait3A_45 = tpu.memref_slice %arg12[%dma_wait3A_43, %dma_wait3A_44] : memref<10240x128xf32, #tpu.memory_space<vmem_shared>> -> memref<10240x128xf32, #tpu.memory_space<vmem_shared>>
        tpu.wait_indirect_dma semaphore(%run_scoped3A : memref<!tpu.dma_semaphore, #tpu.memory_space<semaphore_mem>>) src(%arg11 : memref<128x128xf32, #tpu.memory_space<vmem>>) dst(%dma_wait3A_45 : memref<10240x128xf32, #tpu.memory_space<vmem_shared>>)
        tpu.yield
      }) : () -> ()
    }
    %ne3A = arith.constant 1 : i32
    %ne3A_16 = arith.cmpi ne, %arg0, %ne3A : i32
    %convert_element_type3A = arith.extui %ne3A_16 : i1 to i32
    %cond3A = arith.constant 0 : i32
    %cond3A_17 = arith.cmpi ne, %convert_element_type3A, %cond3A : i32
    scf.if %cond3A_17 {
      %scan3A = arith.constant 0 : i32
      %scan3A_23 = arith.constant 0 : i32
      %scan3A_24 = arith.constant 20 : i32
      %scan3A_25 = arith.addi %scan3A_23, %scan3A_24 : i32
      %scan3A_26 = arith.constant 1 : i32
      scf.for %scan3A_28 = %scan3A_23 to %scan3A_25 step %scan3A_26  : i32 {
        "tpu.region"() ({
          %run_scoped3A_41 = tpu.sem_alloc : memref<!tpu.dma_semaphore, #tpu.memory_space<semaphore_mem>>
          %dma_start3A_42 = arith.constant 0 : i32
          %dma_start3A_43 = arith.constant 0 : i32
          %dma_start3A_44 = tpu.memref_slice %arg5[%arg1, %scan3A_28, %dma_start3A_42, %dma_start3A_43] : memref<16x20x2x128xi32, #tpu.memory_space<hbm>> -> memref<1x1x2x128xi32, #tpu.memory_space<hbm>>
          %dma_start3A_45 = tpu.memref_squeeze %dma_start3A_44 : memref<1x1x2x128xi32, #tpu.memory_space<hbm>> -> memref<2x128xi32, #tpu.memory_space<hbm>>
          %dma_start3A_46 = arith.constant 0 : i32
          %dma_start3A_47 = arith.constant 0 : i32
          %dma_start3A_48 = tpu.memref_slice %arg5[%arg1, %scan3A_28, %dma_start3A_46, %dma_start3A_47] : memref<16x20x2x128xi32, #tpu.memory_space<hbm>> -> memref<1x1x2x128xi32, #tpu.memory_space<hbm>>
          %dma_start3A_49 = tpu.memref_squeeze %dma_start3A_48 : memref<1x1x2x128xi32, #tpu.memory_space<hbm>> -> memref<2x128xi32, #tpu.memory_space<hbm>>
          tpu.enqueue_dma source(%dma_start3A_49 : memref<2x128xi32, #tpu.memory_space<hbm>>) target(%arg10 : memref<2x128xi32, #tpu.memory_space<vmem>>) target_semaphore(%run_scoped3A_41 : memref<!tpu.dma_semaphore, #tpu.memory_space<semaphore_mem>>)
          %dma_wait3A_50 = arith.constant 0 : i32
          %dma_wait3A_51 = arith.constant 0 : i32
          %dma_wait3A_52 = tpu.memref_slice %arg5[%arg1, %scan3A_28, %dma_wait3A_50, %dma_wait3A_51] : memref<16x20x2x128xi32, #tpu.memory_space<hbm>> -> memref<1x1x2x128xi32, #tpu.memory_space<hbm>>
          %dma_wait3A_53 = tpu.memref_squeeze %dma_wait3A_52 : memref<1x1x2x128xi32, #tpu.memory_space<hbm>> -> memref<2x128xi32, #tpu.memory_space<hbm>>
          %dma_wait3A_54 = arith.constant 0 : i32
          %dma_wait3A_55 = arith.constant 0 : i32
          %dma_wait3A_56 = tpu.memref_slice %arg5[%arg1, %scan3A_28, %dma_wait3A_54, %dma_wait3A_55] : memref<16x20x2x128xi32, #tpu.memory_space<hbm>> -> memref<1x1x2x128xi32, #tpu.memory_space<hbm>>
          %dma_wait3A_57 = tpu.memref_squeeze %dma_wait3A_56 : memref<1x1x2x128xi32, #tpu.memory_space<hbm>> -> memref<2x128xi32, #tpu.memory_space<hbm>>
          tpu.wait_dma2 semaphore(%run_scoped3A_41 : memref<!tpu.dma_semaphore, #tpu.memory_space<semaphore_mem>>) src(%dma_wait3A_57 : memref<2x128xi32, #tpu.memory_space<hbm>>) dst(%arg10 : memref<2x128xi32, #tpu.memory_space<vmem>>)
          tpu.yield
        }) : () -> ()
        %dma_start3A = arith.constant 0 : i32
        %dma_start3A_29 = arith.constant 0 : i32
        %dma_start3A_30 = tpu.memref_slice %arg10[%dma_start3A, %dma_start3A_29] : memref<2x128xi32, #tpu.memory_space<vmem>> -> memref<1x128xi32, #tpu.memory_space<vmem>>
        %dma_start3A_31 = tpu.memref_squeeze %dma_start3A_30 : memref<1x128xi32, #tpu.memory_space<vmem>> -> memref<128xi32, #tpu.memory_space<vmem>>
        %dma_start3A_32 = arith.constant 0 : i32
        %dma_start3A_33 = arith.constant 0 : i32
        %dma_start3A_34 = tpu.memref_slice %arg2[%dma_start3A_32, %dma_start3A_33] : memref<10240x128xf32, #tpu.memory_space<hbm>> -> memref<10240x128xf32, #tpu.memory_space<hbm>>
        tpu.enqueue_indirect_dma source(%dma_start3A_34 : memref<10240x128xf32, #tpu.memory_space<hbm>>) target(%arg11 : memref<128x128xf32, #tpu.memory_space<vmem>>) offsets(%dma_start3A_31 : memref<128xi32, #tpu.memory_space<vmem>>) semaphore(%arg13 : memref<!tpu.dma_semaphore, #tpu.memory_space<semaphore_mem>>)
        %dma_wait3A = arith.constant 0 : i32
        %dma_wait3A_35 = arith.constant 0 : i32
        %dma_wait3A_36 = tpu.memref_slice %arg10[%dma_wait3A, %dma_wait3A_35] : memref<2x128xi32, #tpu.memory_space<vmem>> -> memref<1x128xi32, #tpu.memory_space<vmem>>
        %dma_wait3A_37 = tpu.memref_squeeze %dma_wait3A_36 : memref<1x128xi32, #tpu.memory_space<vmem>> -> memref<128xi32, #tpu.memory_space<vmem>>
        %dma_wait3A_38 = arith.constant 0 : i32
        %dma_wait3A_39 = arith.constant 0 : i32
        %dma_wait3A_40 = tpu.memref_slice %arg2[%dma_wait3A_38, %dma_wait3A_39] : memref<10240x128xf32, #tpu.memory_space<hbm>> -> memref<10240x128xf32, #tpu.memory_space<hbm>>
        tpu.wait_indirect_dma semaphore(%arg13 : memref<!tpu.dma_semaphore, #tpu.memory_space<semaphore_mem>>) src(%dma_wait3A_40 : memref<10240x128xf32, #tpu.memory_space<hbm>>) dst(%arg11 : memref<128x128xf32, #tpu.memory_space<vmem>>)
        %run_scoped3A = arith.constant 1 : i32
        "tpu.region"() ({
          %run_scoped3A_41 = tpu.sem_alloc : memref<!tpu.dma_semaphore, #tpu.memory_space<semaphore_mem>>
          %dma_start3A_42 = arith.constant 0 : i32
          %dma_start3A_43 = tpu.memref_slice %arg10[%run_scoped3A, %dma_start3A_42] : memref<2x128xi32, #tpu.memory_space<vmem>> -> memref<1x128xi32, #tpu.memory_space<vmem>>
          %dma_start3A_44 = tpu.memref_squeeze %dma_start3A_43 : memref<1x128xi32, #tpu.memory_space<vmem>> -> memref<128xi32, #tpu.memory_space<vmem>>
          %dma_start3A_45 = arith.constant 0 : i32
          %dma_start3A_46 = arith.constant 0 : i32
          %dma_start3A_47 = tpu.memref_slice %arg12[%dma_start3A_45, %dma_start3A_46] : memref<10240x128xf32, #tpu.memory_space<vmem_shared>> -> memref<10240x128xf32, #tpu.memory_space<vmem_shared>>
          tpu.enqueue_indirect_dma source(%arg11 : memref<128x128xf32, #tpu.memory_space<vmem>>) target(%dma_start3A_47 : memref<10240x128xf32, #tpu.memory_space<vmem_shared>>) offsets(%dma_start3A_44 : memref<128xi32, #tpu.memory_space<vmem>>) semaphore(%run_scoped3A_41 : memref<!tpu.dma_semaphore, #tpu.memory_space<semaphore_mem>>) {add = true}
          %dma_wait3A_48 = arith.constant 0 : i32
          %dma_wait3A_49 = tpu.memref_slice %arg10[%run_scoped3A, %dma_wait3A_48] : memref<2x128xi32, #tpu.memory_space<vmem>> -> memref<1x128xi32, #tpu.memory_space<vmem>>
          %dma_wait3A_50 = tpu.memref_squeeze %dma_wait3A_49 : memref<1x128xi32, #tpu.memory_space<vmem>> -> memref<128xi32, #tpu.memory_space<vmem>>
          %dma_wait3A_51 = arith.constant 0 : i32
          %dma_wait3A_52 = arith.constant 0 : i32
          %dma_wait3A_53 = tpu.memref_slice %arg12[%dma_wait3A_51, %dma_wait3A_52] : memref<10240x128xf32, #tpu.memory_space<vmem_shared>> -> memref<10240x128xf32, #tpu.memory_space<vmem_shared>>
          tpu.wait_indirect_dma semaphore(%run_scoped3A_41 : memref<!tpu.dma_semaphore, #tpu.memory_space<semaphore_mem>>) src(%arg11 : memref<128x128xf32, #tpu.memory_space<vmem>>) dst(%dma_wait3A_53 : memref<10240x128xf32, #tpu.memory_space<vmem_shared>>)
          tpu.yield
        }) : () -> ()
      }
      %scan3A_27 = arith.constant 20 : i32
    } else {
    }
    %barrier3A_18 = arith.constant 0 : index
    tpu.barrier barrier_id(%barrier3A_18)
    %mul3A_19 = arith.constant 640 : i32
    %mul3A_20 = arith.muli %arg1, %mul3A_19 : i32
    %mul3A_21 = arith.constant 640 : i32
    %mul3A_22 = arith.muli %arg1, %mul3A_21 : i32
    "tpu.region"() ({
      %run_scoped3A = tpu.sem_alloc : memref<!tpu.dma_semaphore, #tpu.memory_space<semaphore_mem>>
      %dma_start3A = arith.constant 0 : i32
      %dma_start3A_23 = tpu.memref_slice %arg7[%arg0, %mul3A_22, %dma_start3A] : memref<2x10240x128xf32, #tpu.memory_space<hbm>> -> memref<1x640x128xf32, #tpu.memory_space<hbm>>
      %dma_start3A_24 = tpu.memref_squeeze %dma_start3A_23 : memref<1x640x128xf32, #tpu.memory_space<hbm>> -> memref<640x128xf32, #tpu.memory_space<hbm>>
      %dma_start3A_25 = arith.constant 0 : i32
      %dma_start3A_26 = tpu.memref_slice %arg12[%mul3A_20, %dma_start3A_25] : memref<10240x128xf32, #tpu.memory_space<vmem_shared>> -> memref<640x128xf32, #tpu.memory_space<vmem_shared>>
      tpu.enqueue_dma source(%dma_start3A_26 : memref<640x128xf32, #tpu.memory_space<vmem_shared>>) target(%dma_start3A_24 : memref<640x128xf32, #tpu.memory_space<hbm>>) target_semaphore(%run_scoped3A : memref<!tpu.dma_semaphore, #tpu.memory_space<semaphore_mem>>)
      %dma_wait3A = arith.constant 0 : i32
      %dma_wait3A_27 = tpu.memref_slice %arg7[%arg0, %mul3A_22, %dma_wait3A] : memref<2x10240x128xf32, #tpu.memory_space<hbm>> -> memref<1x640x128xf32, #tpu.memory_space<hbm>>
      %dma_wait3A_28 = tpu.memref_squeeze %dma_wait3A_27 : memref<1x640x128xf32, #tpu.memory_space<hbm>> -> memref<640x128xf32, #tpu.memory_space<hbm>>
      %dma_wait3A_29 = arith.constant 0 : i32
      %dma_wait3A_30 = tpu.memref_slice %arg12[%mul3A_20, %dma_wait3A_29] : memref<10240x128xf32, #tpu.memory_space<vmem_shared>> -> memref<640x128xf32, #tpu.memory_space<vmem_shared>>
      tpu.wait_dma2 semaphore(%run_scoped3A : memref<!tpu.dma_semaphore, #tpu.memory_space<semaphore_mem>>) src(%dma_wait3A_30 : memref<640x128xf32, #tpu.memory_space<vmem_shared>>) dst(%dma_wait3A_28 : memref<640x128xf32, #tpu.memory_space<hbm>>)
      tpu.yield
    }) : () -> ()
    return
  }
}

#map = affine_map<(d0, d1) -> (0, 0)>
#map1 = affine_map<(d0, d1) -> (0, 0, 0)>
#map2 = affine_map<(d0, d1) -> (0, 0, 0, 0)>
module attributes {stable_mosaic.version = 14 : i64} {
  func.func @kfn(%arg0: i32, %arg1: i32, %arg2: memref<10240x128xf32, #tpu.memory_space<hbm>>, %arg3: memref<32x79x128xi32, #tpu.memory_space<hbm>>, %arg4: memref<32x79x128xi32, #tpu.memory_space<hbm>>, %arg5: memref<16x20x2x128xi32, #tpu.memory_space<hbm>>, %arg6: memref<10240x128xf32, #tpu.memory_space<hbm>>, %arg7: memref<2x10240x128xf32, #tpu.memory_space<hbm>>, %arg8: memref<79x128xi32, #tpu.memory_space<vmem>>, %arg9: memref<79x128xi32, #tpu.memory_space<vmem>>, %arg10: memref<2x128xi32, #tpu.memory_space<vmem>>, %arg11: memref<128x128xf32, #tpu.memory_space<vmem>>, %arg12: memref<10240x128xf32, #tpu.memory_space<vmem_shared>>, %arg13: memref<!tpu.dma_semaphore, #tpu.memory_space<semaphore_mem>>) attributes {dimension_semantics = [#tpu.dimension_semantics<core_parallel>, #tpu.dimension_semantics<subcore_parallel>], iteration_bounds = array<i64: 2, 16>, scalar_prefetch = 0 : i64, scratch_operands = 6 : i64, tpu.core_type = #tpu.core_type<sc_vector_subcore>, window_params = [{transform_indices = #map}, {transform_indices = #map1}, {transform_indices = #map1}, {transform_indices = #map2}, {transform_indices = #map}, {transform_indices = #map1}]} {
    %mul3A = arith.constant 16 : i32
    %mul3A_0 = arith.muli %arg0, %mul3A : i32
    %add3A = arith.addi %mul3A_0, %arg1 : i32
    %mul3A_1 = arith.constant 640 : i32
    %mul3A_2 = arith.muli %arg1, %mul3A_1 : i32
    %mul3A_3 = arith.constant 640 : i32
    %mul3A_4 = arith.muli %arg1, %mul3A_3 : i32
    "tpu.region"() ({
      %run_scoped3A = tpu.sem_alloc : memref<!tpu.dma_semaphore, #tpu.memory_space<semaphore_mem>>
      %dma_start3A = arith.constant 0 : i32
      %dma_start3A_23 = tpu.memref_slice %arg12[%mul3A_4, %dma_start3A] : memref<10240x128xf32, #tpu.memory_space<vmem_shared>> -> memref<640x128xf32, #tpu.memory_space<vmem_shared>>
      %dma_start3A_24 = arith.constant 0 : i32
      %dma_start3A_25 = tpu.memref_slice %arg6[%mul3A_2, %dma_start3A_24] : memref<10240x128xf32, #tpu.memory_space<hbm>> -> memref<640x128xf32, #tpu.memory_space<hbm>>
      tpu.enqueue_dma source(%dma_start3A_25 : memref<640x128xf32, #tpu.memory_space<hbm>>) target(%dma_start3A_23 : memref<640x128xf32, #tpu.memory_space<vmem_shared>>) target_semaphore(%run_scoped3A : memref<!tpu.dma_semaphore, #tpu.memory_space<semaphore_mem>>)
      %dma_wait3A = arith.constant 0 : i32
      %dma_wait3A_26 = tpu.memref_slice %arg12[%mul3A_4, %dma_wait3A] : memref<10240x128xf32, #tpu.memory_space<vmem_shared>> -> memref<640x128xf32, #tpu.memory_space<vmem_shared>>
      %dma_wait3A_27 = arith.constant 0 : i32
      %dma_wait3A_28 = tpu.memref_slice %arg6[%mul3A_2, %dma_wait3A_27] : memref<10240x128xf32, #tpu.memory_space<hbm>> -> memref<640x128xf32, #tpu.memory_space<hbm>>
      tpu.wait_dma2 semaphore(%run_scoped3A : memref<!tpu.dma_semaphore, #tpu.memory_space<semaphore_mem>>) src(%dma_wait3A_28 : memref<640x128xf32, #tpu.memory_space<hbm>>) dst(%dma_wait3A_26 : memref<640x128xf32, #tpu.memory_space<vmem_shared>>)
      tpu.yield
    }) : () -> ()
    "tpu.region"() ({
      %run_scoped3A = tpu.sem_alloc : memref<!tpu.dma_semaphore, #tpu.memory_space<semaphore_mem>>
      %dma_start3A = arith.constant 0 : i32
      %dma_start3A_23 = arith.constant 0 : i32
      %dma_start3A_24 = tpu.memref_slice %arg3[%add3A, %dma_start3A, %dma_start3A_23] : memref<32x79x128xi32, #tpu.memory_space<hbm>> -> memref<1x79x128xi32, #tpu.memory_space<hbm>>
      %dma_start3A_25 = tpu.memref_squeeze %dma_start3A_24 : memref<1x79x128xi32, #tpu.memory_space<hbm>> -> memref<79x128xi32, #tpu.memory_space<hbm>>
      %dma_start3A_26 = arith.constant 0 : i32
      %dma_start3A_27 = arith.constant 0 : i32
      %dma_start3A_28 = tpu.memref_slice %arg3[%add3A, %dma_start3A_26, %dma_start3A_27] : memref<32x79x128xi32, #tpu.memory_space<hbm>> -> memref<1x79x128xi32, #tpu.memory_space<hbm>>
      %dma_start3A_29 = tpu.memref_squeeze %dma_start3A_28 : memref<1x79x128xi32, #tpu.memory_space<hbm>> -> memref<79x128xi32, #tpu.memory_space<hbm>>
      tpu.enqueue_dma source(%dma_start3A_29 : memref<79x128xi32, #tpu.memory_space<hbm>>) target(%arg8 : memref<79x128xi32, #tpu.memory_space<vmem>>) target_semaphore(%run_scoped3A : memref<!tpu.dma_semaphore, #tpu.memory_space<semaphore_mem>>)
      %dma_wait3A = arith.constant 0 : i32
      %dma_wait3A_30 = arith.constant 0 : i32
      %dma_wait3A_31 = tpu.memref_slice %arg3[%add3A, %dma_wait3A, %dma_wait3A_30] : memref<32x79x128xi32, #tpu.memory_space<hbm>> -> memref<1x79x128xi32, #tpu.memory_space<hbm>>
      %dma_wait3A_32 = tpu.memref_squeeze %dma_wait3A_31 : memref<1x79x128xi32, #tpu.memory_space<hbm>> -> memref<79x128xi32, #tpu.memory_space<hbm>>
      %dma_wait3A_33 = arith.constant 0 : i32
      %dma_wait3A_34 = arith.constant 0 : i32
      %dma_wait3A_35 = tpu.memref_slice %arg3[%add3A, %dma_wait3A_33, %dma_wait3A_34] : memref<32x79x128xi32, #tpu.memory_space<hbm>> -> memref<1x79x128xi32, #tpu.memory_space<hbm>>
      %dma_wait3A_36 = tpu.memref_squeeze %dma_wait3A_35 : memref<1x79x128xi32, #tpu.memory_space<hbm>> -> memref<79x128xi32, #tpu.memory_space<hbm>>
      tpu.wait_dma2 semaphore(%run_scoped3A : memref<!tpu.dma_semaphore, #tpu.memory_space<semaphore_mem>>) src(%dma_wait3A_36 : memref<79x128xi32, #tpu.memory_space<hbm>>) dst(%arg8 : memref<79x128xi32, #tpu.memory_space<vmem>>)
      tpu.yield
    }) : () -> ()
    "tpu.region"() ({
      %run_scoped3A = tpu.sem_alloc : memref<!tpu.dma_semaphore, #tpu.memory_space<semaphore_mem>>
      %dma_start3A = arith.constant 0 : i32
      %dma_start3A_23 = arith.constant 0 : i32
      %dma_start3A_24 = tpu.memref_slice %arg4[%add3A, %dma_start3A, %dma_start3A_23] : memref<32x79x128xi32, #tpu.memory_space<hbm>> -> memref<1x79x128xi32, #tpu.memory_space<hbm>>
      %dma_start3A_25 = tpu.memref_squeeze %dma_start3A_24 : memref<1x79x128xi32, #tpu.memory_space<hbm>> -> memref<79x128xi32, #tpu.memory_space<hbm>>
      %dma_start3A_26 = arith.constant 0 : i32
      %dma_start3A_27 = arith.constant 0 : i32
      %dma_start3A_28 = tpu.memref_slice %arg4[%add3A, %dma_start3A_26, %dma_start3A_27] : memref<32x79x128xi32, #tpu.memory_space<hbm>> -> memref<1x79x128xi32, #tpu.memory_space<hbm>>
      %dma_start3A_29 = tpu.memref_squeeze %dma_start3A_28 : memref<1x79x128xi32, #tpu.memory_space<hbm>> -> memref<79x128xi32, #tpu.memory_space<hbm>>
      tpu.enqueue_dma source(%dma_start3A_29 : memref<79x128xi32, #tpu.memory_space<hbm>>) target(%arg9 : memref<79x128xi32, #tpu.memory_space<vmem>>) target_semaphore(%run_scoped3A : memref<!tpu.dma_semaphore, #tpu.memory_space<semaphore_mem>>)
      %dma_wait3A = arith.constant 0 : i32
      %dma_wait3A_30 = arith.constant 0 : i32
      %dma_wait3A_31 = tpu.memref_slice %arg4[%add3A, %dma_wait3A, %dma_wait3A_30] : memref<32x79x128xi32, #tpu.memory_space<hbm>> -> memref<1x79x128xi32, #tpu.memory_space<hbm>>
      %dma_wait3A_32 = tpu.memref_squeeze %dma_wait3A_31 : memref<1x79x128xi32, #tpu.memory_space<hbm>> -> memref<79x128xi32, #tpu.memory_space<hbm>>
      %dma_wait3A_33 = arith.constant 0 : i32
      %dma_wait3A_34 = arith.constant 0 : i32
      %dma_wait3A_35 = tpu.memref_slice %arg4[%add3A, %dma_wait3A_33, %dma_wait3A_34] : memref<32x79x128xi32, #tpu.memory_space<hbm>> -> memref<1x79x128xi32, #tpu.memory_space<hbm>>
      %dma_wait3A_36 = tpu.memref_squeeze %dma_wait3A_35 : memref<1x79x128xi32, #tpu.memory_space<hbm>> -> memref<79x128xi32, #tpu.memory_space<hbm>>
      tpu.wait_dma2 semaphore(%run_scoped3A : memref<!tpu.dma_semaphore, #tpu.memory_space<semaphore_mem>>) src(%dma_wait3A_36 : memref<79x128xi32, #tpu.memory_space<hbm>>) dst(%arg9 : memref<79x128xi32, #tpu.memory_space<vmem>>)
      tpu.yield
    }) : () -> ()
    %barrier3A = arith.constant 0 : index
    tpu.barrier barrier_id(%barrier3A)
    %eq3A = arith.constant 1 : i32
    %eq3A_5 = arith.cmpi eq, %arg0, %eq3A : i32
    %jit3A = arith.constant 58 : i32
    %jit3A_6 = arith.constant 79 : i32
    %select_n3A = arith.select %eq3A_5, %jit3A, %jit3A_6 : i32
    %while3A = arith.constant 0 : i32
    %while3A_7 = arith.constant 0 : i32
    %while3A_8 = arith.subi %select_n3A, %while3A_7 : i32
    %while3A_9 = arith.addi %while3A_7, %while3A_8 : i32
    %while3A_10 = arith.constant 1 : i32
    %while3A_11 = arith.divsi %while3A_8, %while3A_10 : i32
    %while3A_12 = arith.muli %while3A_11, %while3A_10 : i32
    %while3A_13 = arith.addi %while3A_7, %while3A_12 : i32
    %while3A_14 = arith.constant 1 : i32
    scf.for %while3A_23 = %while3A_7 to %while3A_13 step %while3A_14  : i32 {
      %dma_start3A = arith.constant 0 : i32
      %dma_start3A_24 = tpu.memref_slice %arg8[%while3A_23, %dma_start3A] : memref<79x128xi32, #tpu.memory_space<vmem>> -> memref<1x128xi32, #tpu.memory_space<vmem>>
      %dma_start3A_25 = tpu.memref_squeeze %dma_start3A_24 : memref<1x128xi32, #tpu.memory_space<vmem>> -> memref<128xi32, #tpu.memory_space<vmem>>
      %dma_start3A_26 = arith.constant 0 : i32
      %dma_start3A_27 = arith.constant 0 : i32
      %dma_start3A_28 = tpu.memref_slice %arg2[%dma_start3A_26, %dma_start3A_27] : memref<10240x128xf32, #tpu.memory_space<hbm>> -> memref<10240x128xf32, #tpu.memory_space<hbm>>
      tpu.enqueue_indirect_dma source(%dma_start3A_28 : memref<10240x128xf32, #tpu.memory_space<hbm>>) target(%arg11 : memref<128x128xf32, #tpu.memory_space<vmem>>) offsets(%dma_start3A_25 : memref<128xi32, #tpu.memory_space<vmem>>) semaphore(%arg13 : memref<!tpu.dma_semaphore, #tpu.memory_space<semaphore_mem>>)
      %dma_wait3A = arith.constant 0 : i32
      %dma_wait3A_29 = tpu.memref_slice %arg8[%while3A_23, %dma_wait3A] : memref<79x128xi32, #tpu.memory_space<vmem>> -> memref<1x128xi32, #tpu.memory_space<vmem>>
      %dma_wait3A_30 = tpu.memref_squeeze %dma_wait3A_29 : memref<1x128xi32, #tpu.memory_space<vmem>> -> memref<128xi32, #tpu.memory_space<vmem>>
      %dma_wait3A_31 = arith.constant 0 : i32
      %dma_wait3A_32 = arith.constant 0 : i32
      %dma_wait3A_33 = tpu.memref_slice %arg2[%dma_wait3A_31, %dma_wait3A_32] : memref<10240x128xf32, #tpu.memory_space<hbm>> -> memref<10240x128xf32, #tpu.memory_space<hbm>>
      tpu.wait_indirect_dma semaphore(%arg13 : memref<!tpu.dma_semaphore, #tpu.memory_space<semaphore_mem>>) src(%dma_wait3A_33 : memref<10240x128xf32, #tpu.memory_space<hbm>>) dst(%arg11 : memref<128x128xf32, #tpu.memory_space<vmem>>)
      "tpu.region"() ({
        %run_scoped3A = tpu.sem_alloc : memref<!tpu.dma_semaphore, #tpu.memory_space<semaphore_mem>>
        %dma_start3A_34 = arith.constant 0 : i32
        %dma_start3A_35 = tpu.memref_slice %arg9[%while3A_23, %dma_start3A_34] : memref<79x128xi32, #tpu.memory_space<vmem>> -> memref<1x128xi32, #tpu.memory_space<vmem>>
        %dma_start3A_36 = tpu.memref_squeeze %dma_start3A_35 : memref<1x128xi32, #tpu.memory_space<vmem>> -> memref<128xi32, #tpu.memory_space<vmem>>
        %dma_start3A_37 = arith.constant 0 : i32
        %dma_start3A_38 = arith.constant 0 : i32
        %dma_start3A_39 = tpu.memref_slice %arg12[%dma_start3A_37, %dma_start3A_38] : memref<10240x128xf32, #tpu.memory_space<vmem_shared>> -> memref<10240x128xf32, #tpu.memory_space<vmem_shared>>
        tpu.enqueue_indirect_dma source(%arg11 : memref<128x128xf32, #tpu.memory_space<vmem>>) target(%dma_start3A_39 : memref<10240x128xf32, #tpu.memory_space<vmem_shared>>) offsets(%dma_start3A_36 : memref<128xi32, #tpu.memory_space<vmem>>) semaphore(%run_scoped3A : memref<!tpu.dma_semaphore, #tpu.memory_space<semaphore_mem>>) {add = true}
        %dma_wait3A_40 = arith.constant 0 : i32
        %dma_wait3A_41 = tpu.memref_slice %arg9[%while3A_23, %dma_wait3A_40] : memref<79x128xi32, #tpu.memory_space<vmem>> -> memref<1x128xi32, #tpu.memory_space<vmem>>
        %dma_wait3A_42 = tpu.memref_squeeze %dma_wait3A_41 : memref<1x128xi32, #tpu.memory_space<vmem>> -> memref<128xi32, #tpu.memory_space<vmem>>
        %dma_wait3A_43 = arith.constant 0 : i32
        %dma_wait3A_44 = arith.constant 0 : i32
        %dma_wait3A_45 = tpu.memref_slice %arg12[%dma_wait3A_43, %dma_wait3A_44] : memref<10240x128xf32, #tpu.memory_space<vmem_shared>> -> memref<10240x128xf32, #tpu.memory_space<vmem_shared>>
        tpu.wait_indirect_dma semaphore(%run_scoped3A : memref<!tpu.dma_semaphore, #tpu.memory_space<semaphore_mem>>) src(%arg11 : memref<128x128xf32, #tpu.memory_space<vmem>>) dst(%dma_wait3A_45 : memref<10240x128xf32, #tpu.memory_space<vmem_shared>>)
        tpu.yield
      }) : () -> ()
    }
    %while3A_15 = arith.constant 1 : i32
    scf.for %while3A_23 = %while3A_13 to %while3A_9 step %while3A_15  : i32 {
      %dma_start3A = arith.constant 0 : i32
      %dma_start3A_24 = tpu.memref_slice %arg8[%while3A_23, %dma_start3A] : memref<79x128xi32, #tpu.memory_space<vmem>> -> memref<1x128xi32, #tpu.memory_space<vmem>>
      %dma_start3A_25 = tpu.memref_squeeze %dma_start3A_24 : memref<1x128xi32, #tpu.memory_space<vmem>> -> memref<128xi32, #tpu.memory_space<vmem>>
      %dma_start3A_26 = arith.constant 0 : i32
      %dma_start3A_27 = arith.constant 0 : i32
      %dma_start3A_28 = tpu.memref_slice %arg2[%dma_start3A_26, %dma_start3A_27] : memref<10240x128xf32, #tpu.memory_space<hbm>> -> memref<10240x128xf32, #tpu.memory_space<hbm>>
      tpu.enqueue_indirect_dma source(%dma_start3A_28 : memref<10240x128xf32, #tpu.memory_space<hbm>>) target(%arg11 : memref<128x128xf32, #tpu.memory_space<vmem>>) offsets(%dma_start3A_25 : memref<128xi32, #tpu.memory_space<vmem>>) semaphore(%arg13 : memref<!tpu.dma_semaphore, #tpu.memory_space<semaphore_mem>>)
      %dma_wait3A = arith.constant 0 : i32
      %dma_wait3A_29 = tpu.memref_slice %arg8[%while3A_23, %dma_wait3A] : memref<79x128xi32, #tpu.memory_space<vmem>> -> memref<1x128xi32, #tpu.memory_space<vmem>>
      %dma_wait3A_30 = tpu.memref_squeeze %dma_wait3A_29 : memref<1x128xi32, #tpu.memory_space<vmem>> -> memref<128xi32, #tpu.memory_space<vmem>>
      %dma_wait3A_31 = arith.constant 0 : i32
      %dma_wait3A_32 = arith.constant 0 : i32
      %dma_wait3A_33 = tpu.memref_slice %arg2[%dma_wait3A_31, %dma_wait3A_32] : memref<10240x128xf32, #tpu.memory_space<hbm>> -> memref<10240x128xf32, #tpu.memory_space<hbm>>
      tpu.wait_indirect_dma semaphore(%arg13 : memref<!tpu.dma_semaphore, #tpu.memory_space<semaphore_mem>>) src(%dma_wait3A_33 : memref<10240x128xf32, #tpu.memory_space<hbm>>) dst(%arg11 : memref<128x128xf32, #tpu.memory_space<vmem>>)
      "tpu.region"() ({
        %run_scoped3A = tpu.sem_alloc : memref<!tpu.dma_semaphore, #tpu.memory_space<semaphore_mem>>
        %dma_start3A_34 = arith.constant 0 : i32
        %dma_start3A_35 = tpu.memref_slice %arg9[%while3A_23, %dma_start3A_34] : memref<79x128xi32, #tpu.memory_space<vmem>> -> memref<1x128xi32, #tpu.memory_space<vmem>>
        %dma_start3A_36 = tpu.memref_squeeze %dma_start3A_35 : memref<1x128xi32, #tpu.memory_space<vmem>> -> memref<128xi32, #tpu.memory_space<vmem>>
        %dma_start3A_37 = arith.constant 0 : i32
        %dma_start3A_38 = arith.constant 0 : i32
        %dma_start3A_39 = tpu.memref_slice %arg12[%dma_start3A_37, %dma_start3A_38] : memref<10240x128xf32, #tpu.memory_space<vmem_shared>> -> memref<10240x128xf32, #tpu.memory_space<vmem_shared>>
        tpu.enqueue_indirect_dma source(%arg11 : memref<128x128xf32, #tpu.memory_space<vmem>>) target(%dma_start3A_39 : memref<10240x128xf32, #tpu.memory_space<vmem_shared>>) offsets(%dma_start3A_36 : memref<128xi32, #tpu.memory_space<vmem>>) semaphore(%run_scoped3A : memref<!tpu.dma_semaphore, #tpu.memory_space<semaphore_mem>>) {add = true}
        %dma_wait3A_40 = arith.constant 0 : i32
        %dma_wait3A_41 = tpu.memref_slice %arg9[%while3A_23, %dma_wait3A_40] : memref<79x128xi32, #tpu.memory_space<vmem>> -> memref<1x128xi32, #tpu.memory_space<vmem>>
        %dma_wait3A_42 = tpu.memref_squeeze %dma_wait3A_41 : memref<1x128xi32, #tpu.memory_space<vmem>> -> memref<128xi32, #tpu.memory_space<vmem>>
        %dma_wait3A_43 = arith.constant 0 : i32
        %dma_wait3A_44 = arith.constant 0 : i32
        %dma_wait3A_45 = tpu.memref_slice %arg12[%dma_wait3A_43, %dma_wait3A_44] : memref<10240x128xf32, #tpu.memory_space<vmem_shared>> -> memref<10240x128xf32, #tpu.memory_space<vmem_shared>>
        tpu.wait_indirect_dma semaphore(%run_scoped3A : memref<!tpu.dma_semaphore, #tpu.memory_space<semaphore_mem>>) src(%arg11 : memref<128x128xf32, #tpu.memory_space<vmem>>) dst(%dma_wait3A_45 : memref<10240x128xf32, #tpu.memory_space<vmem_shared>>)
        tpu.yield
      }) : () -> ()
    }
    %ne3A = arith.constant 1 : i32
    %ne3A_16 = arith.cmpi ne, %arg0, %ne3A : i32
    %convert_element_type3A = arith.extui %ne3A_16 : i1 to i32
    %cond3A = arith.constant 0 : i32
    %cond3A_17 = arith.cmpi ne, %convert_element_type3A, %cond3A : i32
    scf.if %cond3A_17 {
      %scan3A = arith.constant 0 : i32
      %scan3A_23 = arith.constant 0 : i32
      %scan3A_24 = arith.constant 20 : i32
      %scan3A_25 = arith.addi %scan3A_23, %scan3A_24 : i32
      %scan3A_26 = arith.constant 1 : i32
      scf.for %scan3A_28 = %scan3A_23 to %scan3A_25 step %scan3A_26  : i32 {
        "tpu.region"() ({
          %run_scoped3A_41 = tpu.sem_alloc : memref<!tpu.dma_semaphore, #tpu.memory_space<semaphore_mem>>
          %dma_start3A_42 = arith.constant 0 : i32
          %dma_start3A_43 = arith.constant 0 : i32
          %dma_start3A_44 = tpu.memref_slice %arg5[%arg1, %scan3A_28, %dma_start3A_42, %dma_start3A_43] : memref<16x20x2x128xi32, #tpu.memory_space<hbm>> -> memref<1x1x2x128xi32, #tpu.memory_space<hbm>>
          %dma_start3A_45 = tpu.memref_squeeze %dma_start3A_44 : memref<1x1x2x128xi32, #tpu.memory_space<hbm>> -> memref<2x128xi32, #tpu.memory_space<hbm>>
          %dma_start3A_46 = arith.constant 0 : i32
          %dma_start3A_47 = arith.constant 0 : i32
          %dma_start3A_48 = tpu.memref_slice %arg5[%arg1, %scan3A_28, %dma_start3A_46, %dma_start3A_47] : memref<16x20x2x128xi32, #tpu.memory_space<hbm>> -> memref<1x1x2x128xi32, #tpu.memory_space<hbm>>
          %dma_start3A_49 = tpu.memref_squeeze %dma_start3A_48 : memref<1x1x2x128xi32, #tpu.memory_space<hbm>> -> memref<2x128xi32, #tpu.memory_space<hbm>>
          tpu.enqueue_dma source(%dma_start3A_49 : memref<2x128xi32, #tpu.memory_space<hbm>>) target(%arg10 : memref<2x128xi32, #tpu.memory_space<vmem>>) target_semaphore(%run_scoped3A_41 : memref<!tpu.dma_semaphore, #tpu.memory_space<semaphore_mem>>)
          %dma_wait3A_50 = arith.constant 0 : i32
          %dma_wait3A_51 = arith.constant 0 : i32
          %dma_wait3A_52 = tpu.memref_slice %arg5[%arg1, %scan3A_28, %dma_wait3A_50, %dma_wait3A_51] : memref<16x20x2x128xi32, #tpu.memory_space<hbm>> -> memref<1x1x2x128xi32, #tpu.memory_space<hbm>>
          %dma_wait3A_53 = tpu.memref_squeeze %dma_wait3A_52 : memref<1x1x2x128xi32, #tpu.memory_space<hbm>> -> memref<2x128xi32, #tpu.memory_space<hbm>>
          %dma_wait3A_54 = arith.constant 0 : i32
          %dma_wait3A_55 = arith.constant 0 : i32
          %dma_wait3A_56 = tpu.memref_slice %arg5[%arg1, %scan3A_28, %dma_wait3A_54, %dma_wait3A_55] : memref<16x20x2x128xi32, #tpu.memory_space<hbm>> -> memref<1x1x2x128xi32, #tpu.memory_space<hbm>>
          %dma_wait3A_57 = tpu.memref_squeeze %dma_wait3A_56 : memref<1x1x2x128xi32, #tpu.memory_space<hbm>> -> memref<2x128xi32, #tpu.memory_space<hbm>>
          tpu.wait_dma2 semaphore(%run_scoped3A_41 : memref<!tpu.dma_semaphore, #tpu.memory_space<semaphore_mem>>) src(%dma_wait3A_57 : memref<2x128xi32, #tpu.memory_space<hbm>>) dst(%arg10 : memref<2x128xi32, #tpu.memory_space<vmem>>)
          tpu.yield
        }) : () -> ()
        %dma_start3A = arith.constant 0 : i32
        %dma_start3A_29 = arith.constant 0 : i32
        %dma_start3A_30 = tpu.memref_slice %arg10[%dma_start3A, %dma_start3A_29] : memref<2x128xi32, #tpu.memory_space<vmem>> -> memref<1x128xi32, #tpu.memory_space<vmem>>
        %dma_start3A_31 = tpu.memref_squeeze %dma_start3A_30 : memref<1x128xi32, #tpu.memory_space<vmem>> -> memref<128xi32, #tpu.memory_space<vmem>>
        %dma_start3A_32 = arith.constant 0 : i32
        %dma_start3A_33 = arith.constant 0 : i32
        %dma_start3A_34 = tpu.memref_slice %arg2[%dma_start3A_32, %dma_start3A_33] : memref<10240x128xf32, #tpu.memory_space<hbm>> -> memref<10240x128xf32, #tpu.memory_space<hbm>>
        tpu.enqueue_indirect_dma source(%dma_start3A_34 : memref<10240x128xf32, #tpu.memory_space<hbm>>) target(%arg11 : memref<128x128xf32, #tpu.memory_space<vmem>>) offsets(%dma_start3A_31 : memref<128xi32, #tpu.memory_space<vmem>>) semaphore(%arg13 : memref<!tpu.dma_semaphore, #tpu.memory_space<semaphore_mem>>)
        %dma_wait3A = arith.constant 0 : i32
        %dma_wait3A_35 = arith.constant 0 : i32
        %dma_wait3A_36 = tpu.memref_slice %arg10[%dma_wait3A, %dma_wait3A_35] : memref<2x128xi32, #tpu.memory_space<vmem>> -> memref<1x128xi32, #tpu.memory_space<vmem>>
        %dma_wait3A_37 = tpu.memref_squeeze %dma_wait3A_36 : memref<1x128xi32, #tpu.memory_space<vmem>> -> memref<128xi32, #tpu.memory_space<vmem>>
        %dma_wait3A_38 = arith.constant 0 : i32
        %dma_wait3A_39 = arith.constant 0 : i32
        %dma_wait3A_40 = tpu.memref_slice %arg2[%dma_wait3A_38, %dma_wait3A_39] : memref<10240x128xf32, #tpu.memory_space<hbm>> -> memref<10240x128xf32, #tpu.memory_space<hbm>>
        tpu.wait_indirect_dma semaphore(%arg13 : memref<!tpu.dma_semaphore, #tpu.memory_space<semaphore_mem>>) src(%dma_wait3A_40 : memref<10240x128xf32, #tpu.memory_space<hbm>>) dst(%arg11 : memref<128x128xf32, #tpu.memory_space<vmem>>)
        %run_scoped3A = arith.constant 1 : i32
        "tpu.region"() ({
          %run_scoped3A_41 = tpu.sem_alloc : memref<!tpu.dma_semaphore, #tpu.memory_space<semaphore_mem>>
          %dma_start3A_42 = arith.constant 0 : i32
          %dma_start3A_43 = tpu.memref_slice %arg10[%run_scoped3A, %dma_start3A_42] : memref<2x128xi32, #tpu.memory_space<vmem>> -> memref<1x128xi32, #tpu.memory_space<vmem>>
          %dma_start3A_44 = tpu.memref_squeeze %dma_start3A_43 : memref<1x128xi32, #tpu.memory_space<vmem>> -> memref<128xi32, #tpu.memory_space<vmem>>
          %dma_start3A_45 = arith.constant 0 : i32
          %dma_start3A_46 = arith.constant 0 : i32
          %dma_start3A_47 = tpu.memref_slice %arg12[%dma_start3A_45, %dma_start3A_46] : memref<10240x128xf32, #tpu.memory_space<vmem_shared>> -> memref<10240x128xf32, #tpu.memory_space<vmem_shared>>
          tpu.enqueue_indirect_dma source(%arg11 : memref<128x128xf32, #tpu.memory_space<vmem>>) target(%dma_start3A_47 : memref<10240x128xf32, #tpu.memory_space<vmem_shared>>) offsets(%dma_start3A_44 : memref<128xi32, #tpu.memory_space<vmem>>) semaphore(%run_scoped3A_41 : memref<!tpu.dma_semaphore, #tpu.memory_space<semaphore_mem>>) {add = true}
          %dma_wait3A_48 = arith.constant 0 : i32
          %dma_wait3A_49 = tpu.memref_slice %arg10[%run_scoped3A, %dma_wait3A_48] : memref<2x128xi32, #tpu.memory_space<vmem>> -> memref<1x128xi32, #tpu.memory_space<vmem>>
          %dma_wait3A_50 = tpu.memref_squeeze %dma_wait3A_49 : memref<1x128xi32, #tpu.memory_space<vmem>> -> memref<128xi32, #tpu.memory_space<vmem>>
          %dma_wait3A_51 = arith.constant 0 : i32
          %dma_wait3A_52 = arith.constant 0 : i32
          %dma_wait3A_53 = tpu.memref_slice %arg12[%dma_wait3A_51, %dma_wait3A_52] : memref<10240x128xf32, #tpu.memory_space<vmem_shared>> -> memref<10240x128xf32, #tpu.memory_space<vmem_shared>>
          tpu.wait_indirect_dma semaphore(%run_scoped3A_41 : memref<!tpu.dma_semaphore, #tpu.memory_space<semaphore_mem>>) src(%arg11 : memref<128x128xf32, #tpu.memory_space<vmem>>) dst(%dma_wait3A_53 : memref<10240x128xf32, #tpu.memory_space<vmem_shared>>)
          tpu.yield
        }) : () -> ()
      }
      %scan3A_27 = arith.constant 20 : i32
    } else {
    }
    %barrier3A_18 = arith.constant 0 : index
    tpu.barrier barrier_id(%barrier3A_18)
    %mul3A_19 = arith.constant 640 : i32
    %mul3A_20 = arith.muli %arg1, %mul3A_19 : i32
    %mul3A_21 = arith.constant 640 : i32
    %mul3A_22 = arith.muli %arg1, %mul3A_21 : i32
    "tpu.region"() ({
      %run_scoped3A = tpu.sem_alloc : memref<!tpu.dma_semaphore, #tpu.memory_space<semaphore_mem>>
      %dma_start3A = arith.constant 0 : i32
      %dma_start3A_23 = tpu.memref_slice %arg7[%arg0, %mul3A_22, %dma_start3A] : memref<2x10240x128xf32, #tpu.memory_space<hbm>> -> memref<1x640x128xf32, #tpu.memory_space<hbm>>
      %dma_start3A_24 = tpu.memref_squeeze %dma_start3A_23 : memref<1x640x128xf32, #tpu.memory_space<hbm>> -> memref<640x128xf32, #tpu.memory_space<hbm>>
      %dma_start3A_25 = arith.constant 0 : i32
      %dma_start3A_26 = tpu.memref_slice %arg12[%mul3A_20, %dma_start3A_25] : memref<10240x128xf32, #tpu.memory_space<vmem_shared>> -> memref<640x128xf32, #tpu.memory_space<vmem_shared>>
      tpu.enqueue_dma source(%dma_start3A_26 : memref<640x128xf32, #tpu.memory_space<vmem_shared>>) target(%dma_start3A_24 : memref<640x128xf32, #tpu.memory_space<hbm>>) target_semaphore(%run_scoped3A : memref<!tpu.dma_semaphore, #tpu.memory_space<semaphore_mem>>)
      %dma_wait3A = arith.constant 0 : i32
      %dma_wait3A_27 = tpu.memref_slice %arg7[%arg0, %mul3A_22, %dma_wait3A] : memref<2x10240x128xf32, #tpu.memory_space<hbm>> -> memref<1x640x128xf32, #tpu.memory_space<hbm>>
      %dma_wait3A_28 = tpu.memref_squeeze %dma_wait3A_27 : memref<1x640x128xf32, #tpu.memory_space<hbm>> -> memref<640x128xf32, #tpu.memory_space<hbm>>
      %dma_wait3A_29 = arith.constant 0 : i32
      %dma_wait3A_30 = tpu.memref_slice %arg12[%mul3A_20, %dma_wait3A_29] : memref<10240x128xf32, #tpu.memory_space<vmem_shared>> -> memref<640x128xf32, #tpu.memory_space<vmem_shared>>
      tpu.wait_dma2 semaphore(%run_scoped3A : memref<!tpu.dma_semaphore, #tpu.memory_space<semaphore_mem>>) src(%dma_wait3A_30 : memref<640x128xf32, #tpu.memory_space<vmem_shared>>) dst(%dma_wait3A_28 : memref<640x128xf32, #tpu.memory_space<hbm>>)
      tpu.yield
    }) : () -> ()
    return
  }
}

#map = affine_map<(d0, d1) -> (0, 0)>
#map1 = affine_map<(d0, d1) -> (0, 0, 0)>
#map2 = affine_map<(d0, d1) -> (0, 0, 0, 0)>
module attributes {stable_mosaic.version = 14 : i64} {
  func.func @kfn(%arg0: i32, %arg1: i32, %arg2: memref<10240x128xf32, #tpu.memory_space<hbm>>, %arg3: memref<32x79x128xi32, #tpu.memory_space<hbm>>, %arg4: memref<32x79x128xi32, #tpu.memory_space<hbm>>, %arg5: memref<16x20x2x128xi32, #tpu.memory_space<hbm>>, %arg6: memref<10240x128xf32, #tpu.memory_space<hbm>>, %arg7: memref<2x10240x128xf32, #tpu.memory_space<hbm>>, %arg8: memref<79x128xi32, #tpu.memory_space<vmem>>, %arg9: memref<79x128xi32, #tpu.memory_space<vmem>>, %arg10: memref<2x128xi32, #tpu.memory_space<vmem>>, %arg11: memref<128x128xf32, #tpu.memory_space<vmem>>, %arg12: memref<10240x128xf32, #tpu.memory_space<vmem_shared>>, %arg13: memref<!tpu.dma_semaphore, #tpu.memory_space<semaphore_mem>>) attributes {dimension_semantics = [#tpu.dimension_semantics<core_parallel>, #tpu.dimension_semantics<subcore_parallel>], iteration_bounds = array<i64: 2, 16>, scalar_prefetch = 0 : i64, scratch_operands = 6 : i64, tpu.core_type = #tpu.core_type<sc_vector_subcore>, window_params = [{transform_indices = #map}, {transform_indices = #map1}, {transform_indices = #map1}, {transform_indices = #map2}, {transform_indices = #map}, {transform_indices = #map1}]} {
    %mul3A = arith.constant 16 : i32
    %mul3A_0 = arith.muli %arg0, %mul3A : i32
    %add3A = arith.addi %mul3A_0, %arg1 : i32
    %mul3A_1 = arith.constant 640 : i32
    %mul3A_2 = arith.muli %arg1, %mul3A_1 : i32
    %mul3A_3 = arith.constant 640 : i32
    %mul3A_4 = arith.muli %arg1, %mul3A_3 : i32
    "tpu.region"() ({
      %run_scoped3A = tpu.sem_alloc : memref<!tpu.dma_semaphore, #tpu.memory_space<semaphore_mem>>
      %dma_start3A = arith.constant 0 : i32
      %dma_start3A_23 = tpu.memref_slice %arg12[%mul3A_4, %dma_start3A] : memref<10240x128xf32, #tpu.memory_space<vmem_shared>> -> memref<640x128xf32, #tpu.memory_space<vmem_shared>>
      %dma_start3A_24 = arith.constant 0 : i32
      %dma_start3A_25 = tpu.memref_slice %arg6[%mul3A_2, %dma_start3A_24] : memref<10240x128xf32, #tpu.memory_space<hbm>> -> memref<640x128xf32, #tpu.memory_space<hbm>>
      tpu.enqueue_dma source(%dma_start3A_25 : memref<640x128xf32, #tpu.memory_space<hbm>>) target(%dma_start3A_23 : memref<640x128xf32, #tpu.memory_space<vmem_shared>>) target_semaphore(%run_scoped3A : memref<!tpu.dma_semaphore, #tpu.memory_space<semaphore_mem>>)
      %dma_wait3A = arith.constant 0 : i32
      %dma_wait3A_26 = tpu.memref_slice %arg12[%mul3A_4, %dma_wait3A] : memref<10240x128xf32, #tpu.memory_space<vmem_shared>> -> memref<640x128xf32, #tpu.memory_space<vmem_shared>>
      %dma_wait3A_27 = arith.constant 0 : i32
      %dma_wait3A_28 = tpu.memref_slice %arg6[%mul3A_2, %dma_wait3A_27] : memref<10240x128xf32, #tpu.memory_space<hbm>> -> memref<640x128xf32, #tpu.memory_space<hbm>>
      tpu.wait_dma2 semaphore(%run_scoped3A : memref<!tpu.dma_semaphore, #tpu.memory_space<semaphore_mem>>) src(%dma_wait3A_28 : memref<640x128xf32, #tpu.memory_space<hbm>>) dst(%dma_wait3A_26 : memref<640x128xf32, #tpu.memory_space<vmem_shared>>)
      tpu.yield
    }) : () -> ()
    "tpu.region"() ({
      %run_scoped3A = tpu.sem_alloc : memref<!tpu.dma_semaphore, #tpu.memory_space<semaphore_mem>>
      %dma_start3A = arith.constant 0 : i32
      %dma_start3A_23 = arith.constant 0 : i32
      %dma_start3A_24 = tpu.memref_slice %arg3[%add3A, %dma_start3A, %dma_start3A_23] : memref<32x79x128xi32, #tpu.memory_space<hbm>> -> memref<1x79x128xi32, #tpu.memory_space<hbm>>
      %dma_start3A_25 = tpu.memref_squeeze %dma_start3A_24 : memref<1x79x128xi32, #tpu.memory_space<hbm>> -> memref<79x128xi32, #tpu.memory_space<hbm>>
      %dma_start3A_26 = arith.constant 0 : i32
      %dma_start3A_27 = arith.constant 0 : i32
      %dma_start3A_28 = tpu.memref_slice %arg3[%add3A, %dma_start3A_26, %dma_start3A_27] : memref<32x79x128xi32, #tpu.memory_space<hbm>> -> memref<1x79x128xi32, #tpu.memory_space<hbm>>
      %dma_start3A_29 = tpu.memref_squeeze %dma_start3A_28 : memref<1x79x128xi32, #tpu.memory_space<hbm>> -> memref<79x128xi32, #tpu.memory_space<hbm>>
      tpu.enqueue_dma source(%dma_start3A_29 : memref<79x128xi32, #tpu.memory_space<hbm>>) target(%arg8 : memref<79x128xi32, #tpu.memory_space<vmem>>) target_semaphore(%run_scoped3A : memref<!tpu.dma_semaphore, #tpu.memory_space<semaphore_mem>>)
      %dma_wait3A = arith.constant 0 : i32
      %dma_wait3A_30 = arith.constant 0 : i32
      %dma_wait3A_31 = tpu.memref_slice %arg3[%add3A, %dma_wait3A, %dma_wait3A_30] : memref<32x79x128xi32, #tpu.memory_space<hbm>> -> memref<1x79x128xi32, #tpu.memory_space<hbm>>
      %dma_wait3A_32 = tpu.memref_squeeze %dma_wait3A_31 : memref<1x79x128xi32, #tpu.memory_space<hbm>> -> memref<79x128xi32, #tpu.memory_space<hbm>>
      %dma_wait3A_33 = arith.constant 0 : i32
      %dma_wait3A_34 = arith.constant 0 : i32
      %dma_wait3A_35 = tpu.memref_slice %arg3[%add3A, %dma_wait3A_33, %dma_wait3A_34] : memref<32x79x128xi32, #tpu.memory_space<hbm>> -> memref<1x79x128xi32, #tpu.memory_space<hbm>>
      %dma_wait3A_36 = tpu.memref_squeeze %dma_wait3A_35 : memref<1x79x128xi32, #tpu.memory_space<hbm>> -> memref<79x128xi32, #tpu.memory_space<hbm>>
      tpu.wait_dma2 semaphore(%run_scoped3A : memref<!tpu.dma_semaphore, #tpu.memory_space<semaphore_mem>>) src(%dma_wait3A_36 : memref<79x128xi32, #tpu.memory_space<hbm>>) dst(%arg8 : memref<79x128xi32, #tpu.memory_space<vmem>>)
      tpu.yield
    }) : () -> ()
    "tpu.region"() ({
      %run_scoped3A = tpu.sem_alloc : memref<!tpu.dma_semaphore, #tpu.memory_space<semaphore_mem>>
      %dma_start3A = arith.constant 0 : i32
      %dma_start3A_23 = arith.constant 0 : i32
      %dma_start3A_24 = tpu.memref_slice %arg4[%add3A, %dma_start3A, %dma_start3A_23] : memref<32x79x128xi32, #tpu.memory_space<hbm>> -> memref<1x79x128xi32, #tpu.memory_space<hbm>>
      %dma_start3A_25 = tpu.memref_squeeze %dma_start3A_24 : memref<1x79x128xi32, #tpu.memory_space<hbm>> -> memref<79x128xi32, #tpu.memory_space<hbm>>
      %dma_start3A_26 = arith.constant 0 : i32
      %dma_start3A_27 = arith.constant 0 : i32
      %dma_start3A_28 = tpu.memref_slice %arg4[%add3A, %dma_start3A_26, %dma_start3A_27] : memref<32x79x128xi32, #tpu.memory_space<hbm>> -> memref<1x79x128xi32, #tpu.memory_space<hbm>>
      %dma_start3A_29 = tpu.memref_squeeze %dma_start3A_28 : memref<1x79x128xi32, #tpu.memory_space<hbm>> -> memref<79x128xi32, #tpu.memory_space<hbm>>
      tpu.enqueue_dma source(%dma_start3A_29 : memref<79x128xi32, #tpu.memory_space<hbm>>) target(%arg9 : memref<79x128xi32, #tpu.memory_space<vmem>>) target_semaphore(%run_scoped3A : memref<!tpu.dma_semaphore, #tpu.memory_space<semaphore_mem>>)
      %dma_wait3A = arith.constant 0 : i32
      %dma_wait3A_30 = arith.constant 0 : i32
      %dma_wait3A_31 = tpu.memref_slice %arg4[%add3A, %dma_wait3A, %dma_wait3A_30] : memref<32x79x128xi32, #tpu.memory_space<hbm>> -> memref<1x79x128xi32, #tpu.memory_space<hbm>>
      %dma_wait3A_32 = tpu.memref_squeeze %dma_wait3A_31 : memref<1x79x128xi32, #tpu.memory_space<hbm>> -> memref<79x128xi32, #tpu.memory_space<hbm>>
      %dma_wait3A_33 = arith.constant 0 : i32
      %dma_wait3A_34 = arith.constant 0 : i32
      %dma_wait3A_35 = tpu.memref_slice %arg4[%add3A, %dma_wait3A_33, %dma_wait3A_34] : memref<32x79x128xi32, #tpu.memory_space<hbm>> -> memref<1x79x128xi32, #tpu.memory_space<hbm>>
      %dma_wait3A_36 = tpu.memref_squeeze %dma_wait3A_35 : memref<1x79x128xi32, #tpu.memory_space<hbm>> -> memref<79x128xi32, #tpu.memory_space<hbm>>
      tpu.wait_dma2 semaphore(%run_scoped3A : memref<!tpu.dma_semaphore, #tpu.memory_space<semaphore_mem>>) src(%dma_wait3A_36 : memref<79x128xi32, #tpu.memory_space<hbm>>) dst(%arg9 : memref<79x128xi32, #tpu.memory_space<vmem>>)
      tpu.yield
    }) : () -> ()
    %barrier3A = arith.constant 0 : index
    tpu.barrier barrier_id(%barrier3A)
    %eq3A = arith.constant 1 : i32
    %eq3A_5 = arith.cmpi eq, %arg0, %eq3A : i32
    %jit3A = arith.constant 58 : i32
    %jit3A_6 = arith.constant 79 : i32
    %select_n3A = arith.select %eq3A_5, %jit3A, %jit3A_6 : i32
    %while3A = arith.constant 0 : i32
    %while3A_7 = arith.constant 0 : i32
    %while3A_8 = arith.subi %select_n3A, %while3A_7 : i32
    %while3A_9 = arith.addi %while3A_7, %while3A_8 : i32
    %while3A_10 = arith.constant 1 : i32
    %while3A_11 = arith.divsi %while3A_8, %while3A_10 : i32
    %while3A_12 = arith.muli %while3A_11, %while3A_10 : i32
    %while3A_13 = arith.addi %while3A_7, %while3A_12 : i32
    %while3A_14 = arith.constant 1 : i32
    scf.for %while3A_23 = %while3A_7 to %while3A_13 step %while3A_14  : i32 {
      %dma_start3A = arith.constant 0 : i32
      %dma_start3A_24 = tpu.memref_slice %arg8[%while3A_23, %dma_start3A] : memref<79x128xi32, #tpu.memory_space<vmem>> -> memref<1x128xi32, #tpu.memory_space<vmem>>
      %dma_start3A_25 = tpu.memref_squeeze %dma_start3A_24 : memref<1x128xi32, #tpu.memory_space<vmem>> -> memref<128xi32, #tpu.memory_space<vmem>>
      %dma_start3A_26 = arith.constant 0 : i32
      %dma_start3A_27 = arith.constant 0 : i32
      %dma_start3A_28 = tpu.memref_slice %arg2[%dma_start3A_26, %dma_start3A_27] : memref<10240x128xf32, #tpu.memory_space<hbm>> -> memref<10240x128xf32, #tpu.memory_space<hbm>>
      tpu.enqueue_indirect_dma source(%dma_start3A_28 : memref<10240x128xf32, #tpu.memory_space<hbm>>) target(%arg11 : memref<128x128xf32, #tpu.memory_space<vmem>>) offsets(%dma_start3A_25 : memref<128xi32, #tpu.memory_space<vmem>>) semaphore(%arg13 : memref<!tpu.dma_semaphore, #tpu.memory_space<semaphore_mem>>)
      %dma_wait3A = arith.constant 0 : i32
      %dma_wait3A_29 = tpu.memref_slice %arg8[%while3A_23, %dma_wait3A] : memref<79x128xi32, #tpu.memory_space<vmem>> -> memref<1x128xi32, #tpu.memory_space<vmem>>
      %dma_wait3A_30 = tpu.memref_squeeze %dma_wait3A_29 : memref<1x128xi32, #tpu.memory_space<vmem>> -> memref<128xi32, #tpu.memory_space<vmem>>
      %dma_wait3A_31 = arith.constant 0 : i32
      %dma_wait3A_32 = arith.constant 0 : i32
      %dma_wait3A_33 = tpu.memref_slice %arg2[%dma_wait3A_31, %dma_wait3A_32] : memref<10240x128xf32, #tpu.memory_space<hbm>> -> memref<10240x128xf32, #tpu.memory_space<hbm>>
      tpu.wait_indirect_dma semaphore(%arg13 : memref<!tpu.dma_semaphore, #tpu.memory_space<semaphore_mem>>) src(%dma_wait3A_33 : memref<10240x128xf32, #tpu.memory_space<hbm>>) dst(%arg11 : memref<128x128xf32, #tpu.memory_space<vmem>>)
      "tpu.region"() ({
        %run_scoped3A = tpu.sem_alloc : memref<!tpu.dma_semaphore, #tpu.memory_space<semaphore_mem>>
        %dma_start3A_34 = arith.constant 0 : i32
        %dma_start3A_35 = tpu.memref_slice %arg9[%while3A_23, %dma_start3A_34] : memref<79x128xi32, #tpu.memory_space<vmem>> -> memref<1x128xi32, #tpu.memory_space<vmem>>
        %dma_start3A_36 = tpu.memref_squeeze %dma_start3A_35 : memref<1x128xi32, #tpu.memory_space<vmem>> -> memref<128xi32, #tpu.memory_space<vmem>>
        %dma_start3A_37 = arith.constant 0 : i32
        %dma_start3A_38 = arith.constant 0 : i32
        %dma_start3A_39 = tpu.memref_slice %arg12[%dma_start3A_37, %dma_start3A_38] : memref<10240x128xf32, #tpu.memory_space<vmem_shared>> -> memref<10240x128xf32, #tpu.memory_space<vmem_shared>>
        tpu.enqueue_indirect_dma source(%arg11 : memref<128x128xf32, #tpu.memory_space<vmem>>) target(%dma_start3A_39 : memref<10240x128xf32, #tpu.memory_space<vmem_shared>>) offsets(%dma_start3A_36 : memref<128xi32, #tpu.memory_space<vmem>>) semaphore(%run_scoped3A : memref<!tpu.dma_semaphore, #tpu.memory_space<semaphore_mem>>) {add = true}
        %dma_wait3A_40 = arith.constant 0 : i32
        %dma_wait3A_41 = tpu.memref_slice %arg9[%while3A_23, %dma_wait3A_40] : memref<79x128xi32, #tpu.memory_space<vmem>> -> memref<1x128xi32, #tpu.memory_space<vmem>>
        %dma_wait3A_42 = tpu.memref_squeeze %dma_wait3A_41 : memref<1x128xi32, #tpu.memory_space<vmem>> -> memref<128xi32, #tpu.memory_space<vmem>>
        %dma_wait3A_43 = arith.constant 0 : i32
        %dma_wait3A_44 = arith.constant 0 : i32
        %dma_wait3A_45 = tpu.memref_slice %arg12[%dma_wait3A_43, %dma_wait3A_44] : memref<10240x128xf32, #tpu.memory_space<vmem_shared>> -> memref<10240x128xf32, #tpu.memory_space<vmem_shared>>
        tpu.wait_indirect_dma semaphore(%run_scoped3A : memref<!tpu.dma_semaphore, #tpu.memory_space<semaphore_mem>>) src(%arg11 : memref<128x128xf32, #tpu.memory_space<vmem>>) dst(%dma_wait3A_45 : memref<10240x128xf32, #tpu.memory_space<vmem_shared>>)
        tpu.yield
      }) : () -> ()
    }
    %while3A_15 = arith.constant 1 : i32
    scf.for %while3A_23 = %while3A_13 to %while3A_9 step %while3A_15  : i32 {
      %dma_start3A = arith.constant 0 : i32
      %dma_start3A_24 = tpu.memref_slice %arg8[%while3A_23, %dma_start3A] : memref<79x128xi32, #tpu.memory_space<vmem>> -> memref<1x128xi32, #tpu.memory_space<vmem>>
      %dma_start3A_25 = tpu.memref_squeeze %dma_start3A_24 : memref<1x128xi32, #tpu.memory_space<vmem>> -> memref<128xi32, #tpu.memory_space<vmem>>
      %dma_start3A_26 = arith.constant 0 : i32
      %dma_start3A_27 = arith.constant 0 : i32
      %dma_start3A_28 = tpu.memref_slice %arg2[%dma_start3A_26, %dma_start3A_27] : memref<10240x128xf32, #tpu.memory_space<hbm>> -> memref<10240x128xf32, #tpu.memory_space<hbm>>
      tpu.enqueue_indirect_dma source(%dma_start3A_28 : memref<10240x128xf32, #tpu.memory_space<hbm>>) target(%arg11 : memref<128x128xf32, #tpu.memory_space<vmem>>) offsets(%dma_start3A_25 : memref<128xi32, #tpu.memory_space<vmem>>) semaphore(%arg13 : memref<!tpu.dma_semaphore, #tpu.memory_space<semaphore_mem>>)
      %dma_wait3A = arith.constant 0 : i32
      %dma_wait3A_29 = tpu.memref_slice %arg8[%while3A_23, %dma_wait3A] : memref<79x128xi32, #tpu.memory_space<vmem>> -> memref<1x128xi32, #tpu.memory_space<vmem>>
      %dma_wait3A_30 = tpu.memref_squeeze %dma_wait3A_29 : memref<1x128xi32, #tpu.memory_space<vmem>> -> memref<128xi32, #tpu.memory_space<vmem>>
      %dma_wait3A_31 = arith.constant 0 : i32
      %dma_wait3A_32 = arith.constant 0 : i32
      %dma_wait3A_33 = tpu.memref_slice %arg2[%dma_wait3A_31, %dma_wait3A_32] : memref<10240x128xf32, #tpu.memory_space<hbm>> -> memref<10240x128xf32, #tpu.memory_space<hbm>>
      tpu.wait_indirect_dma semaphore(%arg13 : memref<!tpu.dma_semaphore, #tpu.memory_space<semaphore_mem>>) src(%dma_wait3A_33 : memref<10240x128xf32, #tpu.memory_space<hbm>>) dst(%arg11 : memref<128x128xf32, #tpu.memory_space<vmem>>)
      "tpu.region"() ({
        %run_scoped3A = tpu.sem_alloc : memref<!tpu.dma_semaphore, #tpu.memory_space<semaphore_mem>>
        %dma_start3A_34 = arith.constant 0 : i32
        %dma_start3A_35 = tpu.memref_slice %arg9[%while3A_23, %dma_start3A_34] : memref<79x128xi32, #tpu.memory_space<vmem>> -> memref<1x128xi32, #tpu.memory_space<vmem>>
        %dma_start3A_36 = tpu.memref_squeeze %dma_start3A_35 : memref<1x128xi32, #tpu.memory_space<vmem>> -> memref<128xi32, #tpu.memory_space<vmem>>
        %dma_start3A_37 = arith.constant 0 : i32
        %dma_start3A_38 = arith.constant 0 : i32
        %dma_start3A_39 = tpu.memref_slice %arg12[%dma_start3A_37, %dma_start3A_38] : memref<10240x128xf32, #tpu.memory_space<vmem_shared>> -> memref<10240x128xf32, #tpu.memory_space<vmem_shared>>
        tpu.enqueue_indirect_dma source(%arg11 : memref<128x128xf32, #tpu.memory_space<vmem>>) target(%dma_start3A_39 : memref<10240x128xf32, #tpu.memory_space<vmem_shared>>) offsets(%dma_start3A_36 : memref<128xi32, #tpu.memory_space<vmem>>) semaphore(%run_scoped3A : memref<!tpu.dma_semaphore, #tpu.memory_space<semaphore_mem>>) {add = true}
        %dma_wait3A_40 = arith.constant 0 : i32
        %dma_wait3A_41 = tpu.memref_slice %arg9[%while3A_23, %dma_wait3A_40] : memref<79x128xi32, #tpu.memory_space<vmem>> -> memref<1x128xi32, #tpu.memory_space<vmem>>
        %dma_wait3A_42 = tpu.memref_squeeze %dma_wait3A_41 : memref<1x128xi32, #tpu.memory_space<vmem>> -> memref<128xi32, #tpu.memory_space<vmem>>
        %dma_wait3A_43 = arith.constant 0 : i32
        %dma_wait3A_44 = arith.constant 0 : i32
        %dma_wait3A_45 = tpu.memref_slice %arg12[%dma_wait3A_43, %dma_wait3A_44] : memref<10240x128xf32, #tpu.memory_space<vmem_shared>> -> memref<10240x128xf32, #tpu.memory_space<vmem_shared>>
        tpu.wait_indirect_dma semaphore(%run_scoped3A : memref<!tpu.dma_semaphore, #tpu.memory_space<semaphore_mem>>) src(%arg11 : memref<128x128xf32, #tpu.memory_space<vmem>>) dst(%dma_wait3A_45 : memref<10240x128xf32, #tpu.memory_space<vmem_shared>>)
        tpu.yield
      }) : () -> ()
    }
    %ne3A = arith.constant 1 : i32
    %ne3A_16 = arith.cmpi ne, %arg0, %ne3A : i32
    %convert_element_type3A = arith.extui %ne3A_16 : i1 to i32
    %cond3A = arith.constant 0 : i32
    %cond3A_17 = arith.cmpi ne, %convert_element_type3A, %cond3A : i32
    scf.if %cond3A_17 {
      %scan3A = arith.constant 0 : i32
      %scan3A_23 = arith.constant 0 : i32
      %scan3A_24 = arith.constant 20 : i32
      %scan3A_25 = arith.addi %scan3A_23, %scan3A_24 : i32
      %scan3A_26 = arith.constant 1 : i32
      scf.for %scan3A_28 = %scan3A_23 to %scan3A_25 step %scan3A_26  : i32 {
        "tpu.region"() ({
          %run_scoped3A_41 = tpu.sem_alloc : memref<!tpu.dma_semaphore, #tpu.memory_space<semaphore_mem>>
          %dma_start3A_42 = arith.constant 0 : i32
          %dma_start3A_43 = arith.constant 0 : i32
          %dma_start3A_44 = tpu.memref_slice %arg5[%arg1, %scan3A_28, %dma_start3A_42, %dma_start3A_43] : memref<16x20x2x128xi32, #tpu.memory_space<hbm>> -> memref<1x1x2x128xi32, #tpu.memory_space<hbm>>
          %dma_start3A_45 = tpu.memref_squeeze %dma_start3A_44 : memref<1x1x2x128xi32, #tpu.memory_space<hbm>> -> memref<2x128xi32, #tpu.memory_space<hbm>>
          %dma_start3A_46 = arith.constant 0 : i32
          %dma_start3A_47 = arith.constant 0 : i32
          %dma_start3A_48 = tpu.memref_slice %arg5[%arg1, %scan3A_28, %dma_start3A_46, %dma_start3A_47] : memref<16x20x2x128xi32, #tpu.memory_space<hbm>> -> memref<1x1x2x128xi32, #tpu.memory_space<hbm>>
          %dma_start3A_49 = tpu.memref_squeeze %dma_start3A_48 : memref<1x1x2x128xi32, #tpu.memory_space<hbm>> -> memref<2x128xi32, #tpu.memory_space<hbm>>
          tpu.enqueue_dma source(%dma_start3A_49 : memref<2x128xi32, #tpu.memory_space<hbm>>) target(%arg10 : memref<2x128xi32, #tpu.memory_space<vmem>>) target_semaphore(%run_scoped3A_41 : memref<!tpu.dma_semaphore, #tpu.memory_space<semaphore_mem>>)
          %dma_wait3A_50 = arith.constant 0 : i32
          %dma_wait3A_51 = arith.constant 0 : i32
          %dma_wait3A_52 = tpu.memref_slice %arg5[%arg1, %scan3A_28, %dma_wait3A_50, %dma_wait3A_51] : memref<16x20x2x128xi32, #tpu.memory_space<hbm>> -> memref<1x1x2x128xi32, #tpu.memory_space<hbm>>
          %dma_wait3A_53 = tpu.memref_squeeze %dma_wait3A_52 : memref<1x1x2x128xi32, #tpu.memory_space<hbm>> -> memref<2x128xi32, #tpu.memory_space<hbm>>
          %dma_wait3A_54 = arith.constant 0 : i32
          %dma_wait3A_55 = arith.constant 0 : i32
          %dma_wait3A_56 = tpu.memref_slice %arg5[%arg1, %scan3A_28, %dma_wait3A_54, %dma_wait3A_55] : memref<16x20x2x128xi32, #tpu.memory_space<hbm>> -> memref<1x1x2x128xi32, #tpu.memory_space<hbm>>
          %dma_wait3A_57 = tpu.memref_squeeze %dma_wait3A_56 : memref<1x1x2x128xi32, #tpu.memory_space<hbm>> -> memref<2x128xi32, #tpu.memory_space<hbm>>
          tpu.wait_dma2 semaphore(%run_scoped3A_41 : memref<!tpu.dma_semaphore, #tpu.memory_space<semaphore_mem>>) src(%dma_wait3A_57 : memref<2x128xi32, #tpu.memory_space<hbm>>) dst(%arg10 : memref<2x128xi32, #tpu.memory_space<vmem>>)
          tpu.yield
        }) : () -> ()
        %dma_start3A = arith.constant 0 : i32
        %dma_start3A_29 = arith.constant 0 : i32
        %dma_start3A_30 = tpu.memref_slice %arg10[%dma_start3A, %dma_start3A_29] : memref<2x128xi32, #tpu.memory_space<vmem>> -> memref<1x128xi32, #tpu.memory_space<vmem>>
        %dma_start3A_31 = tpu.memref_squeeze %dma_start3A_30 : memref<1x128xi32, #tpu.memory_space<vmem>> -> memref<128xi32, #tpu.memory_space<vmem>>
        %dma_start3A_32 = arith.constant 0 : i32
        %dma_start3A_33 = arith.constant 0 : i32
        %dma_start3A_34 = tpu.memref_slice %arg2[%dma_start3A_32, %dma_start3A_33] : memref<10240x128xf32, #tpu.memory_space<hbm>> -> memref<10240x128xf32, #tpu.memory_space<hbm>>
        tpu.enqueue_indirect_dma source(%dma_start3A_34 : memref<10240x128xf32, #tpu.memory_space<hbm>>) target(%arg11 : memref<128x128xf32, #tpu.memory_space<vmem>>) offsets(%dma_start3A_31 : memref<128xi32, #tpu.memory_space<vmem>>) semaphore(%arg13 : memref<!tpu.dma_semaphore, #tpu.memory_space<semaphore_mem>>)
        %dma_wait3A = arith.constant 0 : i32
        %dma_wait3A_35 = arith.constant 0 : i32
        %dma_wait3A_36 = tpu.memref_slice %arg10[%dma_wait3A, %dma_wait3A_35] : memref<2x128xi32, #tpu.memory_space<vmem>> -> memref<1x128xi32, #tpu.memory_space<vmem>>
        %dma_wait3A_37 = tpu.memref_squeeze %dma_wait3A_36 : memref<1x128xi32, #tpu.memory_space<vmem>> -> memref<128xi32, #tpu.memory_space<vmem>>
        %dma_wait3A_38 = arith.constant 0 : i32
        %dma_wait3A_39 = arith.constant 0 : i32
        %dma_wait3A_40 = tpu.memref_slice %arg2[%dma_wait3A_38, %dma_wait3A_39] : memref<10240x128xf32, #tpu.memory_space<hbm>> -> memref<10240x128xf32, #tpu.memory_space<hbm>>
        tpu.wait_indirect_dma semaphore(%arg13 : memref<!tpu.dma_semaphore, #tpu.memory_space<semaphore_mem>>) src(%dma_wait3A_40 : memref<10240x128xf32, #tpu.memory_space<hbm>>) dst(%arg11 : memref<128x128xf32, #tpu.memory_space<vmem>>)
        %run_scoped3A = arith.constant 1 : i32
        "tpu.region"() ({
          %run_scoped3A_41 = tpu.sem_alloc : memref<!tpu.dma_semaphore, #tpu.memory_space<semaphore_mem>>
          %dma_start3A_42 = arith.constant 0 : i32
          %dma_start3A_43 = tpu.memref_slice %arg10[%run_scoped3A, %dma_start3A_42] : memref<2x128xi32, #tpu.memory_space<vmem>> -> memref<1x128xi32, #tpu.memory_space<vmem>>
          %dma_start3A_44 = tpu.memref_squeeze %dma_start3A_43 : memref<1x128xi32, #tpu.memory_space<vmem>> -> memref<128xi32, #tpu.memory_space<vmem>>
          %dma_start3A_45 = arith.constant 0 : i32
          %dma_start3A_46 = arith.constant 0 : i32
          %dma_start3A_47 = tpu.memref_slice %arg12[%dma_start3A_45, %dma_start3A_46] : memref<10240x128xf32, #tpu.memory_space<vmem_shared>> -> memref<10240x128xf32, #tpu.memory_space<vmem_shared>>
          tpu.enqueue_indirect_dma source(%arg11 : memref<128x128xf32, #tpu.memory_space<vmem>>) target(%dma_start3A_47 : memref<10240x128xf32, #tpu.memory_space<vmem_shared>>) offsets(%dma_start3A_44 : memref<128xi32, #tpu.memory_space<vmem>>) semaphore(%run_scoped3A_41 : memref<!tpu.dma_semaphore, #tpu.memory_space<semaphore_mem>>) {add = true}
          %dma_wait3A_48 = arith.constant 0 : i32
          %dma_wait3A_49 = tpu.memref_slice %arg10[%run_scoped3A, %dma_wait3A_48] : memref<2x128xi32, #tpu.memory_space<vmem>> -> memref<1x128xi32, #tpu.memory_space<vmem>>
          %dma_wait3A_50 = tpu.memref_squeeze %dma_wait3A_49 : memref<1x128xi32, #tpu.memory_space<vmem>> -> memref<128xi32, #tpu.memory_space<vmem>>
          %dma_wait3A_51 = arith.constant 0 : i32
          %dma_wait3A_52 = arith.constant 0 : i32
          %dma_wait3A_53 = tpu.memref_slice %arg12[%dma_wait3A_51, %dma_wait3A_52] : memref<10240x128xf32, #tpu.memory_space<vmem_shared>> -> memref<10240x128xf32, #tpu.memory_space<vmem_shared>>
          tpu.wait_indirect_dma semaphore(%run_scoped3A_41 : memref<!tpu.dma_semaphore, #tpu.memory_space<semaphore_mem>>) src(%arg11 : memref<128x128xf32, #tpu.memory_space<vmem>>) dst(%dma_wait3A_53 : memref<10240x128xf32, #tpu.memory_space<vmem_shared>>)
          tpu.yield
        }) : () -> ()
      }
      %scan3A_27 = arith.constant 20 : i32
    } else {
    }
    %barrier3A_18 = arith.constant 0 : index
    tpu.barrier barrier_id(%barrier3A_18)
    %mul3A_19 = arith.constant 640 : i32
    %mul3A_20 = arith.muli %arg1, %mul3A_19 : i32
    %mul3A_21 = arith.constant 640 : i32
    %mul3A_22 = arith.muli %arg1, %mul3A_21 : i32
    "tpu.region"() ({
      %run_scoped3A = tpu.sem_alloc : memref<!tpu.dma_semaphore, #tpu.memory_space<semaphore_mem>>
      %dma_start3A = arith.constant 0 : i32
      %dma_start3A_23 = tpu.memref_slice %arg7[%arg0, %mul3A_22, %dma_start3A] : memref<2x10240x128xf32, #tpu.memory_space<hbm>> -> memref<1x640x128xf32, #tpu.memory_space<hbm>>
      %dma_start3A_24 = tpu.memref_squeeze %dma_start3A_23 : memref<1x640x128xf32, #tpu.memory_space<hbm>> -> memref<640x128xf32, #tpu.memory_space<hbm>>
      %dma_start3A_25 = arith.constant 0 : i32
      %dma_start3A_26 = tpu.memref_slice %arg12[%mul3A_20, %dma_start3A_25] : memref<10240x128xf32, #tpu.memory_space<vmem_shared>> -> memref<640x128xf32, #tpu.memory_space<vmem_shared>>
      tpu.enqueue_dma source(%dma_start3A_26 : memref<640x128xf32, #tpu.memory_space<vmem_shared>>) target(%dma_start3A_24 : memref<640x128xf32, #tpu.memory_space<hbm>>) target_semaphore(%run_scoped3A : memref<!tpu.dma_semaphore, #tpu.memory_space<semaphore_mem>>)
      %dma_wait3A = arith.constant 0 : i32
      %dma_wait3A_27 = tpu.memref_slice %arg7[%arg0, %mul3A_22, %dma_wait3A] : memref<2x10240x128xf32, #tpu.memory_space<hbm>> -> memref<1x640x128xf32, #tpu.memory_space<hbm>>
      %dma_wait3A_28 = tpu.memref_squeeze %dma_wait3A_27 : memref<1x640x128xf32, #tpu.memory_space<hbm>> -> memref<640x128xf32, #tpu.memory_space<hbm>>
      %dma_wait3A_29 = arith.constant 0 : i32
      %dma_wait3A_30 = tpu.memref_slice %arg12[%mul3A_20, %dma_wait3A_29] : memref<10240x128xf32, #tpu.memory_space<vmem_shared>> -> memref<640x128xf32, #tpu.memory_space<vmem_shared>>
      tpu.wait_dma2 semaphore(%run_scoped3A : memref<!tpu.dma_semaphore, #tpu.memory_space<semaphore_mem>>) src(%dma_wait3A_30 : memref<640x128xf32, #tpu.memory_space<vmem_shared>>) dst(%dma_wait3A_28 : memref<640x128xf32, #tpu.memory_space<hbm>>)
      tpu.yield
    }) : () -> ()
    return
  }
}

module attributes {stable_mosaic.version = 14 : i64} {
  func.func @body(%arg0: i32, %arg1: memref<256x128xf32, #tpu.memory_space<vmem>>, %arg2: memref<128x128xf32, #tpu.memory_space<vmem>>, %arg3: memref<1x128xf32, #tpu.memory_space<vmem>>, %arg4: memref<2x256xf32, #tpu.memory_space<vmem>>, %arg5: memref<256x128xf32, #tpu.memory_space<vmem>>, %arg6: memref<256x128xf32, #tpu.memory_space<vmem>>, %arg7: memref<256x128xf32, #tpu.memory_space<vmem>>) attributes {dimension_semantics = [#tpu.dimension_semantics<arbitrary>], iteration_bounds = array<i64: 40>, scalar_prefetch = 0 : i64, scratch_operands = 0 : i64, tpu.core_type = #tpu.core_type<tc>, window_params = [{transform_indices = @transform_0, window_bounds = array<i64: 256, 128>}, {pipeline_mode = #tpu.pipeline_mode<synchronous>, transform_indices = @transform_1, window_bounds = array<i64: 128, 128>}, {pipeline_mode = #tpu.pipeline_mode<synchronous>, transform_indices = @transform_2, window_bounds = array<i64: 1, 128>}, {transform_indices = @transform_3, window_bounds = array<i64: 2, 256>}, {transform_indices = @transform_4, window_bounds = array<i64: 256, 128>}, {transform_indices = @transform_5, window_bounds = array<i64: 256, 128>}, {transform_indices = @transform_6, window_bounds = array<i64: 256, 128>}]} {
    %get3A = arith.constant 0 : index
    %get3A_0 = arith.constant 0 : index
    %get3A_1 = vector.load %arg4[%get3A, %get3A_0] : memref<2x256xf32, #tpu.memory_space<vmem>>, vector<1x256xf32>
    %get3A_2 = vector.shape_cast %get3A_1 : vector<1x256xf32> to vector<256xf32>
    %get3A_3 = arith.constant 1 : index
    %get3A_4 = arith.constant 0 : index
    %get3A_5 = vector.load %arg4[%get3A_3, %get3A_4] : memref<2x256xf32, #tpu.memory_space<vmem>>, vector<1x256xf32>
    %get3A_6 = vector.shape_cast %get3A_5 : vector<1x256xf32> to vector<256xf32>
    %add3A = arith.addf %get3A_2, %get3A_6 : vector<256xf32>
    %add3A_7 = arith.constant 1.000000e+00 : f32
    %add3A_8 = vector.broadcast %add3A_7 : f32 to vector<256xf32>
    %add3A_9 = arith.addf %add3A, %add3A_8 : vector<256xf32>
    %rsqrt3A = math.rsqrt %add3A_9 : vector<256xf32>
    %get3A_10 = arith.constant 0 : index
    %get3A_11 = arith.constant 0 : index
    %get3A_12 = vector.load %arg1[%get3A_10, %get3A_11] : memref<256x128xf32, #tpu.memory_space<vmem>>, vector<256x128xf32>
    %get3A_13 = arith.constant 0 : index
    %get3A_14 = arith.constant 0 : index
    %get3A_15 = vector.load %arg2[%get3A_13, %get3A_14] : memref<128x128xf32, #tpu.memory_space<vmem>>, vector<128x128xf32>
    %dot_general3A = arith.constant dense<0.000000e+00> : vector<256x128xf32>
    %dot_general3A_16 = tpu.matmul %get3A_12, %get3A_15, %dot_general3A {dimension_numbers = #tpu.dot_dimension_numbers<[1], [0], [0], [1], [0, 0, 1, 1], [], []>, transpose_lhs_hint = false} : vector<256x128xf32>, vector<128x128xf32>, vector<256x128xf32> -> vector<256x128xf32>
    %get3A_17 = arith.constant 0 : index
    %get3A_18 = arith.constant 0 : index
    %get3A_19 = vector.load %arg3[%get3A_17, %get3A_18] : memref<1x128xf32, #tpu.memory_space<vmem>>, vector<1x128xf32>
    %add3A_20 = vector.broadcast %get3A_19 : vector<1x128xf32> to vector<256x128xf32>
    %add3A_21 = arith.addf %dot_general3A_16, %add3A_20 : vector<256x128xf32>
    %max3A = arith.constant 0.000000e+00 : f32
    %max3A_22 = vector.broadcast %max3A : f32 to vector<256x128xf32>
    %max3A_23 = arith.maximumf %add3A_21, %max3A_22 : vector<256x128xf32>
    %broadcast_in_dim3A = vector.shape_cast %rsqrt3A : vector<256xf32> to vector<256x1xf32>
    %broadcast_in_dim3A_24 = vector.shape_cast %broadcast_in_dim3A : vector<256x1xf32> to vector<256x1xf32>
    %broadcast_in_dim3A_25 = vector.broadcast %broadcast_in_dim3A_24 : vector<256x1xf32> to vector<256x128xf32>
    %swap3A = arith.constant 0 : index
    %swap3A_26 = arith.constant 0 : index
    %swap3A_27 = vector.load %arg5[%swap3A, %swap3A_26] : memref<256x128xf32, #tpu.memory_space<vmem>>, vector<256x128xf32>
    tpu.vector_store %arg5[%swap3A, %swap3A_26], %max3A_23 {strides = array<i32>} : memref<256x128xf32, #tpu.memory_space<vmem>>, vector<256x128xf32>,
    %mul3A = arith.mulf %max3A_23, %broadcast_in_dim3A_25 : vector<256x128xf32>
    %swap3A_28 = arith.constant 0 : index
    %swap3A_29 = arith.constant 0 : index
    %swap3A_30 = vector.load %arg6[%swap3A_28, %swap3A_29] : memref<256x128xf32, #tpu.memory_space<vmem>>, vector<256x128xf32>
    tpu.vector_store %arg6[%swap3A_28, %swap3A_29], %mul3A {strides = array<i32>} : memref<256x128xf32, #tpu.memory_space<vmem>>, vector<256x128xf32>,
    %swap3A_31 = arith.constant 0 : index
    %swap3A_32 = arith.constant 0 : index
    %swap3A_33 = vector.load %arg7[%swap3A_31, %swap3A_32] : memref<256x128xf32, #tpu.memory_space<vmem>>, vector<256x128xf32>
    tpu.vector_store %arg7[%swap3A_31, %swap3A_32], %broadcast_in_dim3A_25 {strides = array<i32>} : memref<256x128xf32, #tpu.memory_space<vmem>>, vector<256x128xf32>,
    return
  }
  func.func @transform_0(%arg0: i32) -> (i32, i32) {
    %c0_i32 = arith.constant 0 : i32
    %c0_i32_0 = arith.constant 0 : i32
    return %arg0, %c0_i32 : i32, i32
  }
  func.func @transform_1(%arg0: i32) -> (i32, i32) {
    %c0_i32 = arith.constant 0 : i32
    %c0_i32_0 = arith.constant 0 : i32
    %c0_i32_1 = arith.constant 0 : i32
    return %c0_i32, %c0_i32_0 : i32, i32
  }
  func.func @transform_2(%arg0: i32) -> (i32, i32) {
    %c0_i32 = arith.constant 0 : i32
    %c0_i32_0 = arith.constant 0 : i32
    %c0_i32_1 = arith.constant 0 : i32
    return %c0_i32, %c0_i32_0 : i32, i32
  }
  func.func @transform_3(%arg0: i32) -> (i32, i32) {
    %c0_i32 = arith.constant 0 : i32
    %c0_i32_0 = arith.constant 0 : i32
    return %c0_i32, %arg0 : i32, i32
  }
  func.func @transform_4(%arg0: i32) -> (i32, i32) {
    %c0_i32 = arith.constant 0 : i32
    %c0_i32_0 = arith.constant 0 : i32
    return %arg0, %c0_i32 : i32, i32
  }
  func.func @transform_5(%arg0: i32) -> (i32, i32) {
    %c0_i32 = arith.constant 0 : i32
    %c0_i32_0 = arith.constant 0 : i32
    return %arg0, %c0_i32 : i32, i32
  }
  func.func @transform_6(%arg0: i32) -> (i32, i32) {
    %c0_i32 = arith.constant 0 : i32
    %c0_i32_0 = arith.constant 0 : i32
    return %arg0, %c0_i32 : i32, i32
  }
}

module attributes {stable_mosaic.version = 14 : i64} {
  func.func @body(%arg0: i32, %arg1: memref<2x256x128xf32, #tpu.memory_space<vmem>>, %arg2: memref<256x128xf32, #tpu.memory_space<vmem>>, %arg3: memref<256x128xf32, #tpu.memory_space<vmem>>, %arg4: memref<256x128xf32, #tpu.memory_space<vmem>>, %arg5: memref<128x128xf32, #tpu.memory_space<vmem>>, %arg6: memref<256x128xf32, #tpu.memory_space<vmem>>, %arg7: memref<256x128xf32, #tpu.memory_space<vmem>>) attributes {dimension_semantics = [#tpu.dimension_semantics<arbitrary>], iteration_bounds = array<i64: 40>, scalar_prefetch = 0 : i64, scratch_operands = 0 : i64, tpu.core_type = #tpu.core_type<tc>, window_params = [{transform_indices = @transform_0, window_bounds = array<i64: 2, 256, 128>}, {transform_indices = @transform_1, window_bounds = array<i64: 256, 128>}, {transform_indices = @transform_2, window_bounds = array<i64: 256, 128>}, {transform_indices = @transform_3, window_bounds = array<i64: 256, 128>}, {pipeline_mode = #tpu.pipeline_mode<synchronous>, transform_indices = @transform_4, window_bounds = array<i64: 128, 128>}, {transform_indices = @transform_5, window_bounds = array<i64: 256, 128>}, {transform_indices = @transform_6, window_bounds = array<i64: 256, 128>}]} {
    %get3A = arith.constant 0 : index
    %get3A_0 = arith.constant 0 : index
    %get3A_1 = vector.load %arg4[%get3A, %get3A_0] : memref<256x128xf32, #tpu.memory_space<vmem>>, vector<256x128xf32>
    %get3A_2 = arith.constant 0 : index
    %get3A_3 = arith.constant 0 : index
    %get3A_4 = arith.constant 0 : index
    %get3A_5 = vector.load %arg1[%get3A_2, %get3A_3, %get3A_4] : memref<2x256x128xf32, #tpu.memory_space<vmem>>, vector<1x256x128xf32>
    %get3A_6 = vector.shape_cast %get3A_5 : vector<1x256x128xf32> to vector<256x128xf32>
    %get3A_7 = arith.constant 1 : index
    %get3A_8 = arith.constant 0 : index
    %get3A_9 = arith.constant 0 : index
    %get3A_10 = vector.load %arg1[%get3A_7, %get3A_8, %get3A_9] : memref<2x256x128xf32, #tpu.memory_space<vmem>>, vector<1x256x128xf32>
    %get3A_11 = vector.shape_cast %get3A_10 : vector<1x256x128xf32> to vector<256x128xf32>
    %add3A = arith.addf %get3A_6, %get3A_11 : vector<256x128xf32>
    %mul3A = arith.mulf %get3A_1, %add3A : vector<256x128xf32>
    %mul3A_12 = arith.mulf %get3A_1, %get3A_1 : vector<256x128xf32>
    %get3A_13 = arith.constant 0 : index
    %get3A_14 = arith.constant 0 : index
    %get3A_15 = vector.load %arg2[%get3A_13, %get3A_14] : memref<256x128xf32, #tpu.memory_space<vmem>>, vector<256x128xf32>
    %mul3A_16 = arith.mulf %mul3A_12, %get3A_15 : vector<256x128xf32>
    %add3A_17 = arith.addf %mul3A, %mul3A_16 : vector<256x128xf32>
    %mul3A_18 = arith.constant 0.899999976 : f32
    %mul3A_19 = vector.broadcast %mul3A_18 : f32 to vector<256x128xf32>
    %mul3A_20 = arith.mulf %mul3A_19, %add3A_17 : vector<256x128xf32>
    %get3A_21 = arith.constant 0 : index
    %get3A_22 = arith.constant 0 : index
    %get3A_23 = vector.load %arg3[%get3A_21, %get3A_22] : memref<256x128xf32, #tpu.memory_space<vmem>>, vector<256x128xf32>
    %mul3A_24 = arith.constant 1.000000e-01 : f32
    %mul3A_25 = vector.broadcast %mul3A_24 : f32 to vector<256x128xf32>
    %mul3A_26 = arith.mulf %mul3A_25, %get3A_23 : vector<256x128xf32>
    %add3A_27 = arith.addf %mul3A_20, %mul3A_26 : vector<256x128xf32>
    %get3A_28 = arith.constant 0 : index
    %get3A_29 = arith.constant 0 : index
    %get3A_30 = vector.load %arg5[%get3A_28, %get3A_29] : memref<128x128xf32, #tpu.memory_space<vmem>>, vector<128x128xf32>
    %dot_general3A = arith.constant dense<0.000000e+00> : vector<256x128xf32>
    %dot_general3A_31 = tpu.matmul %add3A_27, %get3A_30, %dot_general3A {dimension_numbers = #tpu.dot_dimension_numbers<[1], [0], [0], [1], [0, 0, 1, 1], [], []>, transpose_lhs_hint = false} : vector<256x128xf32>, vector<128x128xf32>, vector<256x128xf32> -> vector<256x128xf32>
    %mul3A_32 = arith.constant 0.776856422 : f32
    %mul3A_33 = vector.broadcast %mul3A_32 : f32 to vector<256x128xf32>
    %mul3A_34 = arith.mulf %mul3A_33, %add3A_27 : vector<256x128xf32>
    %mul3A_35 = arith.constant 0.223143548 : f32
    %mul3A_36 = vector.broadcast %mul3A_35 : f32 to vector<256x128xf32>
    %mul3A_37 = arith.mulf %mul3A_36, %dot_general3A_31 : vector<256x128xf32>
    %add3A_38 = arith.addf %mul3A_34, %mul3A_37 : vector<256x128xf32>
    %max3A = arith.constant 0.000000e+00 : f32
    %max3A_39 = vector.broadcast %max3A : f32 to vector<256x128xf32>
    %max3A_40 = arith.maximumf %add3A_38, %max3A_39 : vector<256x128xf32>
    %swap3A = arith.constant 0 : index
    %swap3A_41 = arith.constant 0 : index
    %swap3A_42 = vector.load %arg6[%swap3A, %swap3A_41] : memref<256x128xf32, #tpu.memory_space<vmem>>, vector<256x128xf32>
    tpu.vector_store %arg6[%swap3A, %swap3A_41], %max3A_40 {strides = array<i32>} : memref<256x128xf32, #tpu.memory_space<vmem>>, vector<256x128xf32>,
    %mul3A_43 = arith.mulf %max3A_40, %get3A_1 : vector<256x128xf32>
    %swap3A_44 = arith.constant 0 : index
    %swap3A_45 = arith.constant 0 : index
    %swap3A_46 = vector.load %arg7[%swap3A_44, %swap3A_45] : memref<256x128xf32, #tpu.memory_space<vmem>>, vector<256x128xf32>
    tpu.vector_store %arg7[%swap3A_44, %swap3A_45], %mul3A_43 {strides = array<i32>} : memref<256x128xf32, #tpu.memory_space<vmem>>, vector<256x128xf32>,
    return
  }
  func.func @transform_0(%arg0: i32) -> (i32, i32, i32) {
    %c0_i32 = arith.constant 0 : i32
    %c0_i32_0 = arith.constant 0 : i32
    %c0_i32_1 = arith.constant 0 : i32
    return %c0_i32, %arg0, %c0_i32_0 : i32, i32, i32
  }
  func.func @transform_1(%arg0: i32) -> (i32, i32) {
    %c0_i32 = arith.constant 0 : i32
    %c0_i32_0 = arith.constant 0 : i32
    return %arg0, %c0_i32 : i32, i32
  }
  func.func @transform_2(%arg0: i32) -> (i32, i32) {
    %c0_i32 = arith.constant 0 : i32
    %c0_i32_0 = arith.constant 0 : i32
    return %arg0, %c0_i32 : i32, i32
  }
  func.func @transform_3(%arg0: i32) -> (i32, i32) {
    %c0_i32 = arith.constant 0 : i32
    %c0_i32_0 = arith.constant 0 : i32
    return %arg0, %c0_i32 : i32, i32
  }
  func.func @transform_4(%arg0: i32) -> (i32, i32) {
    %c0_i32 = arith.constant 0 : i32
    %c0_i32_0 = arith.constant 0 : i32
    %c0_i32_1 = arith.constant 0 : i32
    return %c0_i32, %c0_i32_0 : i32, i32
  }
  func.func @transform_5(%arg0: i32) -> (i32, i32) {
    %c0_i32 = arith.constant 0 : i32
    %c0_i32_0 = arith.constant 0 : i32
    return %arg0, %c0_i32 : i32, i32
  }
  func.func @transform_6(%arg0: i32) -> (i32, i32) {
    %c0_i32 = arith.constant 0 : i32
    %c0_i32_0 = arith.constant 0 : i32
    return %arg0, %c0_i32 : i32, i32
  }
}

module attributes {stable_mosaic.version = 14 : i64} {
  func.func @body(%arg0: i32, %arg1: memref<2x256x128xf32, #tpu.memory_space<vmem>>, %arg2: memref<256x128xf32, #tpu.memory_space<vmem>>, %arg3: memref<256x128xf32, #tpu.memory_space<vmem>>, %arg4: memref<256x128xf32, #tpu.memory_space<vmem>>, %arg5: memref<128x128xf32, #tpu.memory_space<vmem>>, %arg6: memref<256x128xf32, #tpu.memory_space<vmem>>, %arg7: memref<256x128xf32, #tpu.memory_space<vmem>>) attributes {dimension_semantics = [#tpu.dimension_semantics<arbitrary>], iteration_bounds = array<i64: 40>, scalar_prefetch = 0 : i64, scratch_operands = 0 : i64, tpu.core_type = #tpu.core_type<tc>, window_params = [{transform_indices = @transform_0, window_bounds = array<i64: 2, 256, 128>}, {transform_indices = @transform_1, window_bounds = array<i64: 256, 128>}, {transform_indices = @transform_2, window_bounds = array<i64: 256, 128>}, {transform_indices = @transform_3, window_bounds = array<i64: 256, 128>}, {pipeline_mode = #tpu.pipeline_mode<synchronous>, transform_indices = @transform_4, window_bounds = array<i64: 128, 128>}, {transform_indices = @transform_5, window_bounds = array<i64: 256, 128>}, {transform_indices = @transform_6, window_bounds = array<i64: 256, 128>}]} {
    %get3A = arith.constant 0 : index
    %get3A_0 = arith.constant 0 : index
    %get3A_1 = vector.load %arg4[%get3A, %get3A_0] : memref<256x128xf32, #tpu.memory_space<vmem>>, vector<256x128xf32>
    %get3A_2 = arith.constant 0 : index
    %get3A_3 = arith.constant 0 : index
    %get3A_4 = arith.constant 0 : index
    %get3A_5 = vector.load %arg1[%get3A_2, %get3A_3, %get3A_4] : memref<2x256x128xf32, #tpu.memory_space<vmem>>, vector<1x256x128xf32>
    %get3A_6 = vector.shape_cast %get3A_5 : vector<1x256x128xf32> to vector<256x128xf32>
    %get3A_7 = arith.constant 1 : index
    %get3A_8 = arith.constant 0 : index
    %get3A_9 = arith.constant 0 : index
    %get3A_10 = vector.load %arg1[%get3A_7, %get3A_8, %get3A_9] : memref<2x256x128xf32, #tpu.memory_space<vmem>>, vector<1x256x128xf32>
    %get3A_11 = vector.shape_cast %get3A_10 : vector<1x256x128xf32> to vector<256x128xf32>
    %add3A = arith.addf %get3A_6, %get3A_11 : vector<256x128xf32>
    %mul3A = arith.mulf %get3A_1, %add3A : vector<256x128xf32>
    %mul3A_12 = arith.mulf %get3A_1, %get3A_1 : vector<256x128xf32>
    %get3A_13 = arith.constant 0 : index
    %get3A_14 = arith.constant 0 : index
    %get3A_15 = vector.load %arg2[%get3A_13, %get3A_14] : memref<256x128xf32, #tpu.memory_space<vmem>>, vector<256x128xf32>
    %mul3A_16 = arith.mulf %mul3A_12, %get3A_15 : vector<256x128xf32>
    %add3A_17 = arith.addf %mul3A, %mul3A_16 : vector<256x128xf32>
    %mul3A_18 = arith.constant 0.899999976 : f32
    %mul3A_19 = vector.broadcast %mul3A_18 : f32 to vector<256x128xf32>
    %mul3A_20 = arith.mulf %mul3A_19, %add3A_17 : vector<256x128xf32>
    %get3A_21 = arith.constant 0 : index
    %get3A_22 = arith.constant 0 : index
    %get3A_23 = vector.load %arg3[%get3A_21, %get3A_22] : memref<256x128xf32, #tpu.memory_space<vmem>>, vector<256x128xf32>
    %mul3A_24 = arith.constant 1.000000e-01 : f32
    %mul3A_25 = vector.broadcast %mul3A_24 : f32 to vector<256x128xf32>
    %mul3A_26 = arith.mulf %mul3A_25, %get3A_23 : vector<256x128xf32>
    %add3A_27 = arith.addf %mul3A_20, %mul3A_26 : vector<256x128xf32>
    %get3A_28 = arith.constant 0 : index
    %get3A_29 = arith.constant 0 : index
    %get3A_30 = vector.load %arg5[%get3A_28, %get3A_29] : memref<128x128xf32, #tpu.memory_space<vmem>>, vector<128x128xf32>
    %dot_general3A = arith.constant dense<0.000000e+00> : vector<256x128xf32>
    %dot_general3A_31 = tpu.matmul %add3A_27, %get3A_30, %dot_general3A {dimension_numbers = #tpu.dot_dimension_numbers<[1], [0], [0], [1], [0, 0, 1, 1], [], []>, transpose_lhs_hint = false} : vector<256x128xf32>, vector<128x128xf32>, vector<256x128xf32> -> vector<256x128xf32>
    %mul3A_32 = arith.constant 0.594534874 : f32
    %mul3A_33 = vector.broadcast %mul3A_32 : f32 to vector<256x128xf32>
    %mul3A_34 = arith.mulf %mul3A_33, %add3A_27 : vector<256x128xf32>
    %mul3A_35 = arith.constant 0.405465096 : f32
    %mul3A_36 = vector.broadcast %mul3A_35 : f32 to vector<256x128xf32>
    %mul3A_37 = arith.mulf %mul3A_36, %dot_general3A_31 : vector<256x128xf32>
    %add3A_38 = arith.addf %mul3A_34, %mul3A_37 : vector<256x128xf32>
    %max3A = arith.constant 0.000000e+00 : f32
    %max3A_39 = vector.broadcast %max3A : f32 to vector<256x128xf32>
    %max3A_40 = arith.maximumf %add3A_38, %max3A_39 : vector<256x128xf32>
    %swap3A = arith.constant 0 : index
    %swap3A_41 = arith.constant 0 : index
    %swap3A_42 = vector.load %arg6[%swap3A, %swap3A_41] : memref<256x128xf32, #tpu.memory_space<vmem>>, vector<256x128xf32>
    tpu.vector_store %arg6[%swap3A, %swap3A_41], %max3A_40 {strides = array<i32>} : memref<256x128xf32, #tpu.memory_space<vmem>>, vector<256x128xf32>,
    %mul3A_43 = arith.mulf %max3A_40, %get3A_1 : vector<256x128xf32>
    %swap3A_44 = arith.constant 0 : index
    %swap3A_45 = arith.constant 0 : index
    %swap3A_46 = vector.load %arg7[%swap3A_44, %swap3A_45] : memref<256x128xf32, #tpu.memory_space<vmem>>, vector<256x128xf32>
    tpu.vector_store %arg7[%swap3A_44, %swap3A_45], %mul3A_43 {strides = array<i32>} : memref<256x128xf32, #tpu.memory_space<vmem>>, vector<256x128xf32>,
    return
  }
  func.func @transform_0(%arg0: i32) -> (i32, i32, i32) {
    %c0_i32 = arith.constant 0 : i32
    %c0_i32_0 = arith.constant 0 : i32
    %c0_i32_1 = arith.constant 0 : i32
    return %c0_i32, %arg0, %c0_i32_0 : i32, i32, i32
  }
  func.func @transform_1(%arg0: i32) -> (i32, i32) {
    %c0_i32 = arith.constant 0 : i32
    %c0_i32_0 = arith.constant 0 : i32
    return %arg0, %c0_i32 : i32, i32
  }
  func.func @transform_2(%arg0: i32) -> (i32, i32) {
    %c0_i32 = arith.constant 0 : i32
    %c0_i32_0 = arith.constant 0 : i32
    return %arg0, %c0_i32 : i32, i32
  }
  func.func @transform_3(%arg0: i32) -> (i32, i32) {
    %c0_i32 = arith.constant 0 : i32
    %c0_i32_0 = arith.constant 0 : i32
    return %arg0, %c0_i32 : i32, i32
  }
  func.func @transform_4(%arg0: i32) -> (i32, i32) {
    %c0_i32 = arith.constant 0 : i32
    %c0_i32_0 = arith.constant 0 : i32
    %c0_i32_1 = arith.constant 0 : i32
    return %c0_i32, %c0_i32_0 : i32, i32
  }
  func.func @transform_5(%arg0: i32) -> (i32, i32) {
    %c0_i32 = arith.constant 0 : i32
    %c0_i32_0 = arith.constant 0 : i32
    return %arg0, %c0_i32 : i32, i32
  }
  func.func @transform_6(%arg0: i32) -> (i32, i32) {
    %c0_i32 = arith.constant 0 : i32
    %c0_i32_0 = arith.constant 0 : i32
    return %arg0, %c0_i32 : i32, i32
  }
}

module attributes {stable_mosaic.version = 14 : i64} {
  func.func @body(%arg0: i32, %arg1: memref<2x256x128xf32, #tpu.memory_space<vmem>>, %arg2: memref<256x128xf32, #tpu.memory_space<vmem>>, %arg3: memref<256x128xf32, #tpu.memory_space<vmem>>, %arg4: memref<256x128xf32, #tpu.memory_space<vmem>>, %arg5: memref<128x128xf32, #tpu.memory_space<vmem>>, %arg6: memref<256x128xf32, #tpu.memory_space<vmem>>, %arg7: memref<256x128xf32, #tpu.memory_space<vmem>>) attributes {dimension_semantics = [#tpu.dimension_semantics<arbitrary>], iteration_bounds = array<i64: 40>, scalar_prefetch = 0 : i64, scratch_operands = 0 : i64, tpu.core_type = #tpu.core_type<tc>, window_params = [{transform_indices = @transform_0, window_bounds = array<i64: 2, 256, 128>}, {transform_indices = @transform_1, window_bounds = array<i64: 256, 128>}, {transform_indices = @transform_2, window_bounds = array<i64: 256, 128>}, {transform_indices = @transform_3, window_bounds = array<i64: 256, 128>}, {pipeline_mode = #tpu.pipeline_mode<synchronous>, transform_indices = @transform_4, window_bounds = array<i64: 128, 128>}, {transform_indices = @transform_5, window_bounds = array<i64: 256, 128>}, {transform_indices = @transform_6, window_bounds = array<i64: 256, 128>}]} {
    %get3A = arith.constant 0 : index
    %get3A_0 = arith.constant 0 : index
    %get3A_1 = vector.load %arg4[%get3A, %get3A_0] : memref<256x128xf32, #tpu.memory_space<vmem>>, vector<256x128xf32>
    %get3A_2 = arith.constant 0 : index
    %get3A_3 = arith.constant 0 : index
    %get3A_4 = arith.constant 0 : index
    %get3A_5 = vector.load %arg1[%get3A_2, %get3A_3, %get3A_4] : memref<2x256x128xf32, #tpu.memory_space<vmem>>, vector<1x256x128xf32>
    %get3A_6 = vector.shape_cast %get3A_5 : vector<1x256x128xf32> to vector<256x128xf32>
    %get3A_7 = arith.constant 1 : index
    %get3A_8 = arith.constant 0 : index
    %get3A_9 = arith.constant 0 : index
    %get3A_10 = vector.load %arg1[%get3A_7, %get3A_8, %get3A_9] : memref<2x256x128xf32, #tpu.memory_space<vmem>>, vector<1x256x128xf32>
    %get3A_11 = vector.shape_cast %get3A_10 : vector<1x256x128xf32> to vector<256x128xf32>
    %add3A = arith.addf %get3A_6, %get3A_11 : vector<256x128xf32>
    %mul3A = arith.mulf %get3A_1, %add3A : vector<256x128xf32>
    %mul3A_12 = arith.mulf %get3A_1, %get3A_1 : vector<256x128xf32>
    %get3A_13 = arith.constant 0 : index
    %get3A_14 = arith.constant 0 : index
    %get3A_15 = vector.load %arg2[%get3A_13, %get3A_14] : memref<256x128xf32, #tpu.memory_space<vmem>>, vector<256x128xf32>
    %mul3A_16 = arith.mulf %mul3A_12, %get3A_15 : vector<256x128xf32>
    %add3A_17 = arith.addf %mul3A, %mul3A_16 : vector<256x128xf32>
    %mul3A_18 = arith.constant 0.899999976 : f32
    %mul3A_19 = vector.broadcast %mul3A_18 : f32 to vector<256x128xf32>
    %mul3A_20 = arith.mulf %mul3A_19, %add3A_17 : vector<256x128xf32>
    %get3A_21 = arith.constant 0 : index
    %get3A_22 = arith.constant 0 : index
    %get3A_23 = vector.load %arg3[%get3A_21, %get3A_22] : memref<256x128xf32, #tpu.memory_space<vmem>>, vector<256x128xf32>
    %mul3A_24 = arith.constant 1.000000e-01 : f32
    %mul3A_25 = vector.broadcast %mul3A_24 : f32 to vector<256x128xf32>
    %mul3A_26 = arith.mulf %mul3A_25, %get3A_23 : vector<256x128xf32>
    %add3A_27 = arith.addf %mul3A_20, %mul3A_26 : vector<256x128xf32>
    %get3A_28 = arith.constant 0 : index
    %get3A_29 = arith.constant 0 : index
    %get3A_30 = vector.load %arg5[%get3A_28, %get3A_29] : memref<128x128xf32, #tpu.memory_space<vmem>>, vector<128x128xf32>
    %dot_general3A = arith.constant dense<0.000000e+00> : vector<256x128xf32>
    %dot_general3A_31 = tpu.matmul %add3A_27, %get3A_30, %dot_general3A {dimension_numbers = #tpu.dot_dimension_numbers<[1], [0], [0], [1], [0, 0, 1, 1], [], []>, transpose_lhs_hint = false} : vector<256x128xf32>, vector<128x128xf32>, vector<256x128xf32> -> vector<256x128xf32>
    %mul3A_32 = arith.constant 0.845849335 : f32
    %mul3A_33 = vector.broadcast %mul3A_32 : f32 to vector<256x128xf32>
    %mul3A_34 = arith.mulf %mul3A_33, %add3A_27 : vector<256x128xf32>
    %mul3A_35 = arith.constant 0.15415068 : f32
    %mul3A_36 = vector.broadcast %mul3A_35 : f32 to vector<256x128xf32>
    %mul3A_37 = arith.mulf %mul3A_36, %dot_general3A_31 : vector<256x128xf32>
    %add3A_38 = arith.addf %mul3A_34, %mul3A_37 : vector<256x128xf32>
    %max3A = arith.constant 0.000000e+00 : f32
    %max3A_39 = vector.broadcast %max3A : f32 to vector<256x128xf32>
    %max3A_40 = arith.maximumf %add3A_38, %max3A_39 : vector<256x128xf32>
    %swap3A = arith.constant 0 : index
    %swap3A_41 = arith.constant 0 : index
    %swap3A_42 = vector.load %arg6[%swap3A, %swap3A_41] : memref<256x128xf32, #tpu.memory_space<vmem>>, vector<256x128xf32>
    tpu.vector_store %arg6[%swap3A, %swap3A_41], %max3A_40 {strides = array<i32>} : memref<256x128xf32, #tpu.memory_space<vmem>>, vector<256x128xf32>,
    %mul3A_43 = arith.mulf %max3A_40, %get3A_1 : vector<256x128xf32>
    %swap3A_44 = arith.constant 0 : index
    %swap3A_45 = arith.constant 0 : index
    %swap3A_46 = vector.load %arg7[%swap3A_44, %swap3A_45] : memref<256x128xf32, #tpu.memory_space<vmem>>, vector<256x128xf32>
    tpu.vector_store %arg7[%swap3A_44, %swap3A_45], %mul3A_43 {strides = array<i32>} : memref<256x128xf32, #tpu.memory_space<vmem>>, vector<256x128xf32>,
    return
  }
  func.func @transform_0(%arg0: i32) -> (i32, i32, i32) {
    %c0_i32 = arith.constant 0 : i32
    %c0_i32_0 = arith.constant 0 : i32
    %c0_i32_1 = arith.constant 0 : i32
    return %c0_i32, %arg0, %c0_i32_0 : i32, i32, i32
  }
  func.func @transform_1(%arg0: i32) -> (i32, i32) {
    %c0_i32 = arith.constant 0 : i32
    %c0_i32_0 = arith.constant 0 : i32
    return %arg0, %c0_i32 : i32, i32
  }
  func.func @transform_2(%arg0: i32) -> (i32, i32) {
    %c0_i32 = arith.constant 0 : i32
    %c0_i32_0 = arith.constant 0 : i32
    return %arg0, %c0_i32 : i32, i32
  }
  func.func @transform_3(%arg0: i32) -> (i32, i32) {
    %c0_i32 = arith.constant 0 : i32
    %c0_i32_0 = arith.constant 0 : i32
    return %arg0, %c0_i32 : i32, i32
  }
  func.func @transform_4(%arg0: i32) -> (i32, i32) {
    %c0_i32 = arith.constant 0 : i32
    %c0_i32_0 = arith.constant 0 : i32
    %c0_i32_1 = arith.constant 0 : i32
    return %c0_i32, %c0_i32_0 : i32, i32
  }
  func.func @transform_5(%arg0: i32) -> (i32, i32) {
    %c0_i32 = arith.constant 0 : i32
    %c0_i32_0 = arith.constant 0 : i32
    return %arg0, %c0_i32 : i32, i32
  }
  func.func @transform_6(%arg0: i32) -> (i32, i32) {
    %c0_i32 = arith.constant 0 : i32
    %c0_i32_0 = arith.constant 0 : i32
    return %arg0, %c0_i32 : i32, i32
  }
}

module attributes {stable_mosaic.version = 14 : i64} {
  func.func @body(%arg0: i32, %arg1: memref<2x256x128xf32, #tpu.memory_space<vmem>>, %arg2: memref<256x128xf32, #tpu.memory_space<vmem>>, %arg3: memref<256x128xf32, #tpu.memory_space<vmem>>, %arg4: memref<256x128xf32, #tpu.memory_space<vmem>>, %arg5: memref<128x128xf32, #tpu.memory_space<vmem>>, %arg6: memref<256x128xf32, #tpu.memory_space<vmem>>, %arg7: memref<256x128xf32, #tpu.memory_space<vmem>>) attributes {dimension_semantics = [#tpu.dimension_semantics<arbitrary>], iteration_bounds = array<i64: 40>, scalar_prefetch = 0 : i64, scratch_operands = 0 : i64, tpu.core_type = #tpu.core_type<tc>, window_params = [{transform_indices = @transform_0, window_bounds = array<i64: 2, 256, 128>}, {transform_indices = @transform_1, window_bounds = array<i64: 256, 128>}, {transform_indices = @transform_2, window_bounds = array<i64: 256, 128>}, {transform_indices = @transform_3, window_bounds = array<i64: 256, 128>}, {pipeline_mode = #tpu.pipeline_mode<synchronous>, transform_indices = @transform_4, window_bounds = array<i64: 128, 128>}, {transform_indices = @transform_5, window_bounds = array<i64: 256, 128>}, {transform_indices = @transform_6, window_bounds = array<i64: 256, 128>}]} {
    %get3A = arith.constant 0 : index
    %get3A_0 = arith.constant 0 : index
    %get3A_1 = vector.load %arg4[%get3A, %get3A_0] : memref<256x128xf32, #tpu.memory_space<vmem>>, vector<256x128xf32>
    %get3A_2 = arith.constant 0 : index
    %get3A_3 = arith.constant 0 : index
    %get3A_4 = arith.constant 0 : index
    %get3A_5 = vector.load %arg1[%get3A_2, %get3A_3, %get3A_4] : memref<2x256x128xf32, #tpu.memory_space<vmem>>, vector<1x256x128xf32>
    %get3A_6 = vector.shape_cast %get3A_5 : vector<1x256x128xf32> to vector<256x128xf32>
    %get3A_7 = arith.constant 1 : index
    %get3A_8 = arith.constant 0 : index
    %get3A_9 = arith.constant 0 : index
    %get3A_10 = vector.load %arg1[%get3A_7, %get3A_8, %get3A_9] : memref<2x256x128xf32, #tpu.memory_space<vmem>>, vector<1x256x128xf32>
    %get3A_11 = vector.shape_cast %get3A_10 : vector<1x256x128xf32> to vector<256x128xf32>
    %add3A = arith.addf %get3A_6, %get3A_11 : vector<256x128xf32>
    %mul3A = arith.mulf %get3A_1, %add3A : vector<256x128xf32>
    %mul3A_12 = arith.mulf %get3A_1, %get3A_1 : vector<256x128xf32>
    %get3A_13 = arith.constant 0 : index
    %get3A_14 = arith.constant 0 : index
    %get3A_15 = vector.load %arg2[%get3A_13, %get3A_14] : memref<256x128xf32, #tpu.memory_space<vmem>>, vector<256x128xf32>
    %mul3A_16 = arith.mulf %mul3A_12, %get3A_15 : vector<256x128xf32>
    %add3A_17 = arith.addf %mul3A, %mul3A_16 : vector<256x128xf32>
    %mul3A_18 = arith.constant 0.899999976 : f32
    %mul3A_19 = vector.broadcast %mul3A_18 : f32 to vector<256x128xf32>
    %mul3A_20 = arith.mulf %mul3A_19, %add3A_17 : vector<256x128xf32>
    %get3A_21 = arith.constant 0 : index
    %get3A_22 = arith.constant 0 : index
    %get3A_23 = vector.load %arg3[%get3A_21, %get3A_22] : memref<256x128xf32, #tpu.memory_space<vmem>>, vector<256x128xf32>
    %mul3A_24 = arith.constant 1.000000e-01 : f32
    %mul3A_25 = vector.broadcast %mul3A_24 : f32 to vector<256x128xf32>
    %mul3A_26 = arith.mulf %mul3A_25, %get3A_23 : vector<256x128xf32>
    %add3A_27 = arith.addf %mul3A_20, %mul3A_26 : vector<256x128xf32>
    %get3A_28 = arith.constant 0 : index
    %get3A_29 = arith.constant 0 : index
    %get3A_30 = vector.load %arg5[%get3A_28, %get3A_29] : memref<128x128xf32, #tpu.memory_space<vmem>>, vector<128x128xf32>
    %dot_general3A = arith.constant dense<0.000000e+00> : vector<256x128xf32>
    %dot_general3A_31 = tpu.matmul %add3A_27, %get3A_30, %dot_general3A {dimension_numbers = #tpu.dot_dimension_numbers<[1], [0], [0], [1], [0, 0, 1, 1], [], []>, transpose_lhs_hint = false} : vector<256x128xf32>, vector<128x128xf32>, vector<256x128xf32> -> vector<256x128xf32>
    %mul3A_32 = arith.constant 0.882216989 : f32
    %mul3A_33 = vector.broadcast %mul3A_32 : f32 to vector<256x128xf32>
    %mul3A_34 = arith.mulf %mul3A_33, %add3A_27 : vector<256x128xf32>
    %mul3A_35 = arith.constant 0.117783032 : f32
    %mul3A_36 = vector.broadcast %mul3A_35 : f32 to vector<256x128xf32>
    %mul3A_37 = arith.mulf %mul3A_36, %dot_general3A_31 : vector<256x128xf32>
    %add3A_38 = arith.addf %mul3A_34, %mul3A_37 : vector<256x128xf32>
    %max3A = arith.constant 0.000000e+00 : f32
    %max3A_39 = vector.broadcast %max3A : f32 to vector<256x128xf32>
    %max3A_40 = arith.maximumf %add3A_38, %max3A_39 : vector<256x128xf32>
    %swap3A = arith.constant 0 : index
    %swap3A_41 = arith.constant 0 : index
    %swap3A_42 = vector.load %arg6[%swap3A, %swap3A_41] : memref<256x128xf32, #tpu.memory_space<vmem>>, vector<256x128xf32>
    tpu.vector_store %arg6[%swap3A, %swap3A_41], %max3A_40 {strides = array<i32>} : memref<256x128xf32, #tpu.memory_space<vmem>>, vector<256x128xf32>,
    %mul3A_43 = arith.mulf %max3A_40, %get3A_1 : vector<256x128xf32>
    %swap3A_44 = arith.constant 0 : index
    %swap3A_45 = arith.constant 0 : index
    %swap3A_46 = vector.load %arg7[%swap3A_44, %swap3A_45] : memref<256x128xf32, #tpu.memory_space<vmem>>, vector<256x128xf32>
    tpu.vector_store %arg7[%swap3A_44, %swap3A_45], %mul3A_43 {strides = array<i32>} : memref<256x128xf32, #tpu.memory_space<vmem>>, vector<256x128xf32>,
    return
  }
  func.func @transform_0(%arg0: i32) -> (i32, i32, i32) {
    %c0_i32 = arith.constant 0 : i32
    %c0_i32_0 = arith.constant 0 : i32
    %c0_i32_1 = arith.constant 0 : i32
    return %c0_i32, %arg0, %c0_i32_0 : i32, i32, i32
  }
  func.func @transform_1(%arg0: i32) -> (i32, i32) {
    %c0_i32 = arith.constant 0 : i32
    %c0_i32_0 = arith.constant 0 : i32
    return %arg0, %c0_i32 : i32, i32
  }
  func.func @transform_2(%arg0: i32) -> (i32, i32) {
    %c0_i32 = arith.constant 0 : i32
    %c0_i32_0 = arith.constant 0 : i32
    return %arg0, %c0_i32 : i32, i32
  }
  func.func @transform_3(%arg0: i32) -> (i32, i32) {
    %c0_i32 = arith.constant 0 : i32
    %c0_i32_0 = arith.constant 0 : i32
    return %arg0, %c0_i32 : i32, i32
  }
  func.func @transform_4(%arg0: i32) -> (i32, i32) {
    %c0_i32 = arith.constant 0 : i32
    %c0_i32_0 = arith.constant 0 : i32
    %c0_i32_1 = arith.constant 0 : i32
    return %c0_i32, %c0_i32_0 : i32, i32
  }
  func.func @transform_5(%arg0: i32) -> (i32, i32) {
    %c0_i32 = arith.constant 0 : i32
    %c0_i32_0 = arith.constant 0 : i32
    return %arg0, %c0_i32 : i32, i32
  }
  func.func @transform_6(%arg0: i32) -> (i32, i32) {
    %c0_i32 = arith.constant 0 : i32
    %c0_i32_0 = arith.constant 0 : i32
    return %arg0, %c0_i32 : i32, i32
  }
}

module attributes {stable_mosaic.version = 14 : i64} {
  func.func @body(%arg0: i32, %arg1: memref<1x256xi32, #tpu.memory_space<vmem>>, %arg2: memref<256x128xf32, #tpu.memory_space<vmem>>, %arg3: memref<128x128xf32, #tpu.memory_space<vmem>>, %arg4: memref<1x128xf32, #tpu.memory_space<vmem>>, %arg5: memref<64x128xf32, #tpu.memory_space<vmem>>, %arg6: memref<64x128xf32, #tpu.memory_space<vmem>>, %arg7: memref<64x128xf32, #tpu.memory_space<vmem>>) attributes {dimension_semantics = [#tpu.dimension_semantics<arbitrary>], iteration_bounds = array<i64: 40>, scalar_prefetch = 0 : i64, scratch_operands = 2 : i64, tpu.core_type = #tpu.core_type<tc>, window_params = [{transform_indices = @transform_0, window_bounds = array<i64: 1, 256>}, {transform_indices = @transform_1, window_bounds = array<i64: 256, 128>}, {pipeline_mode = #tpu.pipeline_mode<synchronous>, transform_indices = @transform_2, window_bounds = array<i64: 128, 128>}, {pipeline_mode = #tpu.pipeline_mode<synchronous>, transform_indices = @transform_3, window_bounds = array<i64: 1, 128>}, {pipeline_mode = #tpu.pipeline_mode<synchronous>, transform_indices = @transform_4, window_bounds = array<i64: 64, 128>}]} {
    %eq3A = arith.constant 0 : i32
    %eq3A_0 = arith.cmpi eq, %arg0, %eq3A : i32
    %convert_element_type3A = arith.extui %eq3A_0 : i1 to i32
    %cond3A = arith.constant 0 : i32
    %cond3A_1 = arith.cmpi ne, %convert_element_type3A, %cond3A : i32
    scf.if %cond3A_1 {
      %broadcast_in_dim3A_34 = arith.constant 0.000000e+00 : f32
      %broadcast_in_dim3A_35 = vector.broadcast %broadcast_in_dim3A_34 : f32 to vector<64x128xf32>
      %swap3A_36 = arith.constant 0 : index
      %swap3A_37 = arith.constant 0 : index
      %swap3A_38 = vector.load %arg6[%swap3A_36, %swap3A_37] : memref<64x128xf32, #tpu.memory_space<vmem>>, vector<64x128xf32>
      tpu.vector_store %arg6[%swap3A_36, %swap3A_37], %broadcast_in_dim3A_35 {strides = array<i32>} : memref<64x128xf32, #tpu.memory_space<vmem>>, vector<64x128xf32>,
      %broadcast_in_dim3A_39 = arith.constant 0.000000e+00 : f32
      %broadcast_in_dim3A_40 = vector.broadcast %broadcast_in_dim3A_39 : f32 to vector<64x128xf32>
      %swap3A_41 = arith.constant 0 : index
      %swap3A_42 = arith.constant 0 : index
      %swap3A_43 = vector.load %arg7[%swap3A_41, %swap3A_42] : memref<64x128xf32, #tpu.memory_space<vmem>>, vector<64x128xf32>
      tpu.vector_store %arg7[%swap3A_41, %swap3A_42], %broadcast_in_dim3A_40 {strides = array<i32>} : memref<64x128xf32, #tpu.memory_space<vmem>>, vector<64x128xf32>,
    } else {
    }
    %get3A = arith.constant 0 : index
    %get3A_2 = arith.constant 0 : index
    %get3A_3 = vector.load %arg1[%get3A, %get3A_2] : memref<1x256xi32, #tpu.memory_space<vmem>>, vector<1x256xi32>
    %get3A_4 = vector.shape_cast %get3A_3 : vector<1x256xi32> to vector<256xi32>
    %broadcast_in_dim3A = vector.shape_cast %get3A_4 : vector<256xi32> to vector<256x1xi32>
    %iota3A = tpu.iota {dimensions = array<i32: 1>} : vector<256x64xi32>
    %eq3A_5 = vector.broadcast %broadcast_in_dim3A : vector<256x1xi32> to vector<256x64xi32>
    %eq3A_6 = arith.cmpi eq, %eq3A_5, %iota3A : vector<256x64xi32>
    %convert_element_type3A_7 = arith.extui %eq3A_6 : vector<256x64xi1> to vector<256x64xi32>
    %convert_element_type3A_8 = arith.sitofp %convert_element_type3A_7 : vector<256x64xi32> to vector<256x64xf32>
    %get3A_9 = arith.constant 0 : index
    %get3A_10 = arith.constant 0 : index
    %get3A_11 = vector.load %arg2[%get3A_9, %get3A_10] : memref<256x128xf32, #tpu.memory_space<vmem>>, vector<256x128xf32>
    %get3A_12 = arith.constant 0 : index
    %get3A_13 = arith.constant 0 : index
    %get3A_14 = vector.load %arg6[%get3A_12, %get3A_13] : memref<64x128xf32, #tpu.memory_space<vmem>>, vector<64x128xf32>
    %dot_general3A = arith.constant dense<0.000000e+00> : vector<64x128xf32>
    %dot_general3A_15 = tpu.matmul %convert_element_type3A_8, %get3A_11, %dot_general3A {dimension_numbers = #tpu.dot_dimension_numbers<[0], [0], [1], [1], [0, 1, 1, 1], [], []>, transpose_lhs_hint = false} : vector<256x64xf32>, vector<256x128xf32>, vector<64x128xf32> -> vector<64x128xf32>
    %add3A = arith.addf %get3A_14, %dot_general3A_15 : vector<64x128xf32>
    %swap3A = arith.constant 0 : index
    %swap3A_16 = arith.constant 0 : index
    %swap3A_17 = vector.load %arg6[%swap3A, %swap3A_16] : memref<64x128xf32, #tpu.memory_space<vmem>>, vector<64x128xf32>
    tpu.vector_store %arg6[%swap3A, %swap3A_16], %add3A {strides = array<i32>} : memref<64x128xf32, #tpu.memory_space<vmem>>, vector<64x128xf32>,
    %get3A_18 = arith.constant 0 : index
    %get3A_19 = arith.constant 0 : index
    %get3A_20 = vector.load %arg7[%get3A_18, %get3A_19] : memref<64x128xf32, #tpu.memory_space<vmem>>, vector<64x128xf32>
    %broadcast_in_dim3A_21 = arith.constant 1.000000e+00 : f32
    %broadcast_in_dim3A_22 = vector.broadcast %broadcast_in_dim3A_21 : f32 to vector<256x128xf32>
    %dot_general3A_23 = arith.constant dense<0.000000e+00> : vector<64x128xf32>
    %dot_general3A_24 = tpu.matmul %convert_element_type3A_8, %broadcast_in_dim3A_22, %dot_general3A_23 {dimension_numbers = #tpu.dot_dimension_numbers<[0], [0], [1], [1], [0, 1, 1, 1], [], []>, transpose_lhs_hint = false} : vector<256x64xf32>, vector<256x128xf32>, vector<64x128xf32> -> vector<64x128xf32>
    %add3A_25 = arith.addf %get3A_20, %dot_general3A_24 : vector<64x128xf32>
    %swap3A_26 = arith.constant 0 : index
    %swap3A_27 = arith.constant 0 : index
    %swap3A_28 = vector.load %arg7[%swap3A_26, %swap3A_27] : memref<64x128xf32, #tpu.memory_space<vmem>>, vector<64x128xf32>
    tpu.vector_store %arg7[%swap3A_26, %swap3A_27], %add3A_25 {strides = array<i32>} : memref<64x128xf32, #tpu.memory_space<vmem>>, vector<64x128xf32>,
    %eq3A_29 = arith.constant 39 : i32
    %eq3A_30 = arith.cmpi eq, %arg0, %eq3A_29 : i32
    %convert_element_type3A_31 = arith.extui %eq3A_30 : i1 to i32
    %cond3A_32 = arith.constant 0 : i32
    %cond3A_33 = arith.cmpi ne, %convert_element_type3A_31, %cond3A_32 : i32
    scf.if %cond3A_33 {
      %get3A_34 = arith.constant 0 : index
      %get3A_35 = arith.constant 0 : index
      %get3A_36 = vector.load %arg6[%get3A_34, %get3A_35] : memref<64x128xf32, #tpu.memory_space<vmem>>, vector<64x128xf32>
      %get3A_37 = arith.constant 0 : index
      %get3A_38 = arith.constant 0 : index
      %get3A_39 = vector.load %arg7[%get3A_37, %get3A_38] : memref<64x128xf32, #tpu.memory_space<vmem>>, vector<64x128xf32>
      %max3A = arith.constant 1.000000e+00 : f32
      %max3A_40 = vector.broadcast %max3A : f32 to vector<64x128xf32>
      %max3A_41 = arith.maximumf %get3A_39, %max3A_40 : vector<64x128xf32>
      %div3A = arith.divf %get3A_36, %max3A_41 : vector<64x128xf32>
      %get3A_42 = arith.constant 0 : index
      %get3A_43 = arith.constant 0 : index
      %get3A_44 = vector.load %arg3[%get3A_42, %get3A_43] : memref<128x128xf32, #tpu.memory_space<vmem>>, vector<128x128xf32>
      %dot_general3A_45 = arith.constant dense<0.000000e+00> : vector<64x128xf32>
      %dot_general3A_46 = tpu.matmul %div3A, %get3A_44, %dot_general3A_45 {dimension_numbers = #tpu.dot_dimension_numbers<[1], [0], [0], [1], [0, 0, 1, 1], [], []>, transpose_lhs_hint = false} : vector<64x128xf32>, vector<128x128xf32>, vector<64x128xf32> -> vector<64x128xf32>
      %get3A_47 = arith.constant 0 : index
      %get3A_48 = arith.constant 0 : index
      %get3A_49 = vector.load %arg4[%get3A_47, %get3A_48] : memref<1x128xf32, #tpu.memory_space<vmem>>, vector<1x128xf32>
      %add3A_50 = vector.broadcast %get3A_49 : vector<1x128xf32> to vector<64x128xf32>
      %add3A_51 = arith.addf %dot_general3A_46, %add3A_50 : vector<64x128xf32>
      %swap3A_52 = arith.constant 0 : index
      %swap3A_53 = arith.constant 0 : index
      %swap3A_54 = vector.load %arg5[%swap3A_52, %swap3A_53] : memref<64x128xf32, #tpu.memory_space<vmem>>, vector<64x128xf32>
      tpu.vector_store %arg5[%swap3A_52, %swap3A_53], %add3A_51 {strides = array<i32>} : memref<64x128xf32, #tpu.memory_space<vmem>>, vector<64x128xf32>,
    } else {
    }
    return
  }
  func.func @transform_0(%arg0: i32) -> (i32, i32) {
    %c0_i32 = arith.constant 0 : i32
    %c0_i32_0 = arith.constant 0 : i32
    return %c0_i32, %arg0 : i32, i32
  }
  func.func @transform_1(%arg0: i32) -> (i32, i32) {
    %c0_i32 = arith.constant 0 : i32
    %c0_i32_0 = arith.constant 0 : i32
    return %arg0, %c0_i32 : i32, i32
  }
  func.func @transform_2(%arg0: i32) -> (i32, i32) {
    %c0_i32 = arith.constant 0 : i32
    %c0_i32_0 = arith.constant 0 : i32
    %c0_i32_1 = arith.constant 0 : i32
    return %c0_i32, %c0_i32_0 : i32, i32
  }
  func.func @transform_3(%arg0: i32) -> (i32, i32) {
    %c0_i32 = arith.constant 0 : i32
    %c0_i32_0 = arith.constant 0 : i32
    %c0_i32_1 = arith.constant 0 : i32
    return %c0_i32, %c0_i32_0 : i32, i32
  }
  func.func @transform_4(%arg0: i32) -> (i32, i32) {
    %c0_i32 = arith.constant 0 : i32
    %c0_i32_0 = arith.constant 0 : i32
    %c0_i32_1 = arith.constant 0 : i32
    return %c0_i32, %c0_i32_0 : i32, i32
  }
}

</mosaic_0001>

<sc_bundles>
// kernel: kernel.13.cloned.1.call-start
scs
__scs_entry_jumppad:
0x0: {  	(pc) =	sbr.rel $0x88, $3  }
0x1: {  	(tag) =	ssettag $0x0;
	lr =	simm.s32 $0x1  }
0x2: {  	[smem:$0x3F99] =	sst lr;
	_ =	strace $0xD0000000  }
0x3: {  	_ = 	snop  }
0x4: {  	_ = 	snop  }
0x5: {  	_ = 	snop  }
0x6: {  	_ = 	snop  }
0x7: {  	_ = 	snop  }
__scs_overlays_trampoline_lowered:
0x8: {  	[smem:$0x3FA8] =	sst s0  }
0x9: {  	[smem:$0x3FA9] =	sst s1  }
0xa: {  	[smem:$0x3FAA] =	sst s2  }
0xb: {  	[smem:$0x3FAB] =	sst s3  }
0xc: {  	[smem:$0x3FAC] =	sst s4  }
0xd: {  	[smem:$0x3FAD] =	sst s5  }
0xe: {  	[smem:$0x3FAE] =	sst s6  }
0xf: {  	[smem:$0x3FAF] =	sst s7  }
0x10: {  	[smem:$0x3FB0] =	sst s8  }
0x11: {  	[smem:$0x3FB1] =	sst s9;
	s0 =	simm.s32 @!p0 $0x0  }
0x12: {  	s1 =	sld [smem:$0x3F97];
	s0 =	simm.s32 @p0 $0x1  }
0x13: {  	[smem:$0x3FB2] =	sst s0;
	s0 =	simm.s32 @!p1 $0x0  }
0x14: {  	s2 =	sld [smem:$0x3F96];
	s0 =	simm.s32 @p1 $0x1  }
0x15: {  	[smem:$0x3FB3] =	sst s0;
	s0 =	simm.s32 @!p2 $0x0  }
0x16: {  	s3 =	sld [smem:$0x3FDB];
	s0 =	simm.s32 @p2 $0x1  }
0x17: {  	s4 =	simm.s32 $0x1BF5;
	[smem:$0x3FB5] =	sst s0  }
0x18: {  	s0 =	sld [smem:$0x3F98];
	_ =	swait.ge [sflag:s4], $0x0  }
0x19: {  	s7 =	sld [smem:$0x3F99]  }
0x1a: {  	s8 =	sadd.s32 $0xFFFFE003, lr  }
0x1b: {  	s9 =	sadd.s32 $0xFFFFFEF7, lr;
	s5 =	simm.s32 $0xFFFFFFFF;
	p2 =	slt.u32 s8, $0xFFFFF086  }
0x1c: {  	p1 =	slt.u32 s9, $0xF7A;
	s5 =	simm.s32 @!p2 $0x0  }
0x1d: {  	s5 =	simm.s32 @p1 $0x1;
	p0 =	seq.s32 s7, s2  }
0x1e: {  	s7 =	smul.u32 @!p0 $0xF7A, s2;
	p2 =	seq.s32 @!p0 s5, $0x0  }
0x1f: {  	s9 =	smul.u32 $0xF7A, s1;
	s8 =	simm.s32 @!p0 $0x1BF5;
	p2 =	por !p2, p0  }
0x20: {  	[sflag:s8] =	ssyncset.s32 @!p0 $0xFFFFF086;
	s6 =	sadd.s32 @!p0 s3, s7;
	s7 =	simm.s32 @!p0 $0x108  }
0x21: {  	s3 =	sadd.s32 s3, s9;
	s6 =	sadd.s32 @!p0 $0x88, s6;
	s7 =	simm.s32 @p2 $0x1082  }
0x22: {  	[simem:s7], [sflag:s8] =	dma.local @!p0 [hbm:s6], $0xF7A  }
0x23: {  	s9 =	sor.u32 $0xD0000000, s2;
	s6 =	simm.s32 $0x108;
	_ =	swait.ge @!p0 [sflag:s8], $0x0  }
0x24: {  	s3 =	sadd.s32 $0x88, s3;
	s6 =	simm.s32 @!p1 $0x1082;
	[sflag:s4] =	ssyncset.s32 $0xFFFFF086  }
0x25: {  	[simem:s6], [sflag:s4] =	dma.local [hbm:s3], $0xF7A  }
0x26: {  	[smem:$0x3F99] =	sst s1;
	(tag) =	ssettag s2;
	_ =	strace s9  }
0x27: {  	s1 =	sld [smem:$0x3FA9]  }
0x28: {  	s2 =	sld [smem:$0x3FAA]  }
0x29: {  	s4 =	sld [smem:$0x3FAC]  }
0x2a: {  	p0 =	seq.s32 s5, $0x0;
	s5 =	sld [smem:$0x3FAD]  }
0x2b: {  	s6 =	sld [smem:$0x3FAE]  }
0x2c: {  	s7 =	sld [smem:$0x3FAF]  }
0x2d: {  	s3 =	simm.s32 $0x108;
	s8 =	sld [smem:$0x3FB0]  }
0x2e: {  	s3 =	simm.s32 @!p0 $0x1082;
	s9 =	sld [smem:$0x3FB1]  }
0x2f: {  	lr =	sadd.s32 s0, s3;
	s0 =	sld [smem:$0x3FA8]  }
0x30: {  	s3 =	sld [smem:$0x3FAB]  }
0x31: {  	[smem:$0x3FB4] =	sst s10  }
0x32: {  	s10 =	sld [smem:$0x3FB2];
	_ =	sdelay $0x3  }
0x33: {  	p0 =	seq.s32 s10, $0x1;
	s10 =	sld [smem:$0x3FB4];
	_ =	sdelay $0x3  }
0x34: {  	[smem:$0x3FB4] =	sst s10  }
0x35: {  	s10 =	sld [smem:$0x3FB3];
	_ =	sdelay $0x3  }
0x36: {  	p1 =	seq.s32 s10, $0x1;
	s10 =	sld [smem:$0x3FB4];
	_ =	sdelay $0x3  }
0x37: {  	[smem:$0x3FB4] =	sst s10  }
0x38: {  	s10 =	sld [smem:$0x3FB5]  }
0x39: {  	_ = 	snop;
	(pc) =	sbr.ind lr, $3  }
0x3a: {  	_ = 	snop  }
0x3b: {  	_ = 	snop  }
0x3c: {  	p2 =	seq.s32 s10, $0x1;
	s10 =	sld [smem:$0x3FB4]  }
0x3d: {  	_ =	shalt  }
0x3e: {  	_ =	shalt  }
0x3f: {  	_ =	shalt  }
0x40: {  	_ =	shalt  }
0x41: {  	_ =	shalt  }
0x42: {  	_ =	shalt  }
0x43: {  	_ =	shalt  }
0x44: {  	_ =	shalt  }
0x45: {  	_ =	shalt  }
0x46: {  	_ =	shalt  }
0x47: {  	_ =	shalt  }
0x48: {  	_ =	shalt  }
0x49: {  	_ =	shalt  }
0x4a: {  	_ =	shalt  }
0x4b: {  	_ =	shalt  }
0x4c: {  	_ =	shalt  }
0x4d: {  	_ =	shalt  }
0x4e: {  	_ =	shalt  }
0x4f: {  	_ =	shalt  }
0x50: {  	_ =	shalt  }
0x51: {  	_ =	shalt  }
0x52: {  	_ =	shalt  }
0x53: {  	_ =	shalt  }
0x54: {  	_ =	shalt  }
0x55: {  	_ =	shalt  }
0x56: {  	_ =	shalt  }
0x57: {  	_ =	shalt  }
0x58: {  	_ =	shalt  }
0x59: {  	_ =	shalt  }
0x5a: {  	_ =	shalt  }
0x5b: {  	_ =	shalt  }
0x5c: {  	_ =	shalt  }
0x5d: {  	_ =	shalt  }
0x5e: {  	_ =	shalt  }
0x5f: {  	_ =	shalt  }
0x60: {  	_ =	shalt  }
0x61: {  	_ =	shalt  }
0x62: {  	_ =	shalt  }
0x63: {  	_ =	shalt  }
0x64: {  	_ =	shalt  }
0x65: {  	_ =	shalt  }
0x66: {  	_ =	shalt  }
0x67: {  	_ =	shalt  }
0x68: {  	_ =	shalt  }
0x69: {  	_ =	shalt  }
0x6a: {  	_ =	shalt  }
0x6b: {  	_ =	shalt  }
0x6c: {  	_ =	shalt  }
0x6d: {  	_ =	shalt  }
0x6e: {  	_ =	shalt  }
0x6f: {  	_ =	shalt  }
0x70: {  	_ =	shalt  }
0x71: {  	_ =	shalt  }
0x72: {  	_ =	shalt  }
0x73: {  	_ =	shalt  }
0x74: {  	_ =	shalt  }
0x75: {  	_ =	shalt  }
0x76: {  	_ =	shalt  }
0x77: {  	_ =	shalt  }
0x78: {  	_ =	shalt  }
0x79: {  	_ =	shalt  }
0x7a: {  	_ =	shalt  }
0x7b: {  	_ =	shalt  }
0x7c: {  	_ =	shalt  }
0x7d: {  	_ =	shalt  }
0x7e: {  	_ =	shalt  }
0x7f: {  	_ =	shalt  }
0x80: {  	_ =	shalt  }
0x81: {  	_ =	shalt  }
0x82: {  	_ =	shalt  }
0x83: {  	_ =	shalt  }
0x84: {  	_ =	shalt  }
0x85: {  	_ =	shalt  }
0x86: {  	_ =	shalt  }
0x87: {  	_ =	shalt  }
.Lfunc_end0:
.L_simem_size_0:
called_computation_lowered:
.L_overlay_start_0:
0x88: {  	s2 =	sld [smem:$0x3FD9]  }
0x89: {  	s3 =	sld [smem:$0x3FFE];
	_ =	sdelay $0x1  }
0x8a: {  	s1 =	srdreg.scid  }
0x8b: {  	s0 =	sand.u32 $0x1, s1  }
0x8c: {  	s16 =	sshll.u32 s0, $0xA;
	s2 =	sadd.s32 s3, s2  }
0x8d: {  	s2 =	sadd.s32 s2, s16  }
0x8e: {  	[smem:$0x3FC0] =	sst s2  }
0x8f: {  	_ = 	snop  }
0x90: {  	(tm) =	ssettm $0x1  }
0x91: {  	s17 =	sld [smem:$0x3FFB];
	_ =	sdelay $0x3  }
0x92: {  	_ =	strace s17  }
0x93: {  	s2 =	sld [smem:$0x3FFC];
	_ =	sdelay $0x3  }
0x94: {  	_ =	strace s2  }
0x95: {  	s2 =	sld [smem:$0x3FFD];
	_ =	sdelay $0x3  }
0x96: {  	_ =	strace s2  }
0x97: {  	_ =	strace $0x8FFFFFFF  }
0x98: {  	s18 =	sld [smem:$0x3FDB];
	_ =	sdelay $0x1  }
0x99: {  	s19 =	simm.s32 $_scs_section_size  }
0x9a: {  	s4 =	simm.s32 $_size__tile_overlayer_lowered;
	s5 =	simm.s32 $_tile_overlayer_lowered  }
0x9b: {  	s22 =	simm.s32 $0x1BFF;
	s21 =	sshll.u32 s5, $0x1;
	s2 =	sadd.s32 s19, s18  }
0x9c: {  	s6 =	simm.s32 $0x0;
	s20 =	sshll.u32 s4, $0x1;
	s4 =	sadd.s32 s21, s2  }
0x9d: {  	[timem:s6], [sflag:s22] =	dma.local [hbm:s4], s20  }
0x9e: {  	_ =	swait.ge [sflag:s22], s20  }
0x9f: {  	s3 =	ssub.s32 $0x0, s20;
	[sflag:s22] =	ssyncset.done $0x0  }
0xa0: {  	[sflag:s22] =	ssyncadd.s32 s3;
	_ =	sdelay $0x1  }
0xa1: {  	s23 =	simm.s32 $0x1B8B  }
0xa2: {  	_ =	swait.ge [sflag:s23], $0x1  }
0xa3: {  	[sflag:s23] =	ssyncset.done $0x0  }
0xa4: {  	s25 =	simm.s32 $0x1B8E;
	s24 =	sld [smem:$0x3FFE];
	[sflag:s23] =	ssyncadd.s32 $0xFFFFFFFF  }
0xa5: {  	s26 =	simm.s32 $execute0_lowered;
	[smem:$0x3FD2] =	sst s25  }
0xa6: {  	s4 =	sshll.u32 s26, $0x1;
	_ =	strace $0x80000046;
	[dreg:$0x1] =	wrdreg $0xFFFFFFFF  }
0xa7: {  	s28 =	simm.s32 $_size_execute0_lowered;
	s2 =	sadd.s32 s2, s4;
	[dreg:$0x0] =	wrdreg $0x0  }
0xa8: {  	s4 =	sshll.u32 s28, $0x1;
	[dreg:$0x2] =	wrdreg s2  }
0xa9: {  	[dreg:$0x3] =	wrdreg s4  }
0xaa: {  	[dreg:$0x4] =	wrdreg $0xC0  }
0xab: {  	_ =	task [dreg:s6], $0x5FFFF  }
0xac: {  	[dreg:$0x1] =	wrdreg $0xFFFFFFFF  }
0xad: {  	[dreg:$0x0] =	wrdreg $0x60  }
0xae: {  	[dreg:$0x2] =	wrdreg s24  }
0xaf: {  	[dreg:$0x3] =	wrdreg $0x28800  }
0xb0: {  	[dreg:$0x4] =	wrdreg $0x9  }
0xb1: {  	_ =	task.clear_ibuf [dreg:s6], $0x5FFFF;
	_ =	strace $0x90000046  }
0xb2: {  	s29 =	simm.s32 $0x9;
	_ =	strace $0x80000048  }
0xb3: {  	_ =	swait.ge [sflag:s29], $0x1  }
0xb4: {  	[sflag:s29] =	ssyncadd.s32 $0xFFFFFFFF  }
0xb5: {  	_ =	strace $0x90000048  }
0xb6: {  	_ =	sfence  }
0xb7: {  	s30 =	sld [smem:$0x0];
	_ =	sdelay $0x2  }
0xb8: {  	s31 =	sshll.u32 s1, $0xD;
	s1 =	sshrl.u32 s1, $0x2  }
0xb9: {  	s3 =	sand.u32 $0x4000, s31;
	s1 =	sadd.s32 s1, s30  }
0xba: {  	s0 =	sor.u32 s3, s0;
	s1 =	sshll.u32 s1, $0x11  }
0xbb: {  	s0 =	sor.u32 s1, s0  }
0xbc: {  	s0 =	sadd.s32 $0x8F2B, s0  }
0xbd: {  	[sflag:s0] =	ssyncadd.remote.s32 $0x1  }
0xbe: {  	_ =	sfence.sel $0xFFFF  }
0xbf: {  	[dreg:$0x0] =	wrdreg $0xFFFFFFFF;
	(pc) =	sbr.abs _section_cstart, $3  }
0xc0: {  	[dreg:$0x1] =	wrdreg $0xFFFFFFFF  }
0xc1: {  	_ =	task.clear_ibuf [dreg:s6], $0x2FFFF;
	_ =	strace $0x9FFFFFFF  }
0xc2: {  	(tm) =	ssettm $0x7FFFFFFF  }
0xc3: {  	_ =	shalt  }
tec
execute0_lowered:
.L_overlay_start_1:
0x0: {  	(tag) =	ssettag $0x1  }
0x1: {  	s0 =	srdreg.scid;
	s5 =	rddreg [dreg:$0x0]  }
0x2: {  	s2 =	rddreg [dreg:$0x1];
	s3 =	simm.s32 $0x0;
	s12 =	simm.s32 $0x2800  }
0x3: {  	s13 =	simm.s32 $0x20;
	s4 =	sand.u32 $0x1, s0;
	s0 =	stileid.u32  }
0x4: {  	s14 =	simm.s32 $0x10;
	s15 =	simm.s32 $0x0;
	s7 =	smul.u32 $0x500, s0  }
0x5: {  	[smem:$0x7FF] =	sst s3;
	s1 =	sshll.u32 s4, $0x4;
	s8 =	smul.u32 $0x280, s0  }
0x6: {  	s9 =	sshll.u32 s4, $0x7;
	s4 =	ssub.s32 $0x2, s4;
	s1 =	sor.u32 s0, s1  }
0x7: {  	s31 =	sshll.u32 s0, $0x6;
	s30 =	sshrl.u32 s4, $0x1;
	s6 =	smul.u32 $0x500, s1  }
0x8: {  	s1 =	rddreg [dreg:$0x2];
	_ =	strace $0x80000047;
	s7 =	sor.u32 s9, s7  }
0x9: {  	s29 =	sshrl.u32 s8, $0x3;
	s10 =	ssub.s32 s4, s30;
	s11 =	sadd.s32 s8, s2  }
0xa: {  	s7 =	sshrl.u32 s7, $0x3;
	s9 =	sadd.s32 s29, s5;
	s8 =	smax.u32 s10, $0x1  }
0xb: {  	s10 =	simm.s32 $0x1;
	s6 =	sadd.s32 s6, s5;
	s7 =	sadd.s32 s7, s5  }
0xc: {  	s4 =	sadd.s32 $0xD200, s9;
	s5 =	sor.u32 $0x1C01, s31;
	s9 =	sshrl.u32 s11, $0x3  }
0xd: {  	v0 =	vimm.f32 $1.000000000e+00;
	s11 =	simm.s32 $0x80;
	s6 =	sadd.s32 $0x3200, s6;
	s7 =	sadd.s32 $0xD800, s7  }
.LBB2_1:
0xe: {  	[spmem:s9], [sflag:s5] =	dma.local [hbm:s4], $0x50  }
0xf: {  	_ =	swait.ge [sflag:s10], $0x50  }
0x10: {  	[sflag:s10] =	ssyncset.done $0x0  }
0x11: {  	[sflag:s10] =	ssyncadd.s32 $0xFFFFFFB0  }
0x12: {  	[tilespmem:s3], [sflag:$0x1] =	stream.linear.gather [hbm4b:s6+s3], $0x2780, $0x38;
	[tilespmem:$0x2B00] =	vst v63  }
0x13: {  	_ =	swait.ge [sflag:s10], $0x2780  }
0x14: {  	[sflag:s10] =	ssyncset.done $0x0  }
0x15: {  	[sflag:s10] =	ssyncadd.s32 $0xFFFFD880  }
0x16: {  	[tilespmem:$0x2800] =	vst v0  }
0x17: {  	[tilespmem:$0x2810] =	vst v0  }
0x18: {  	[tilespmem:$0x2820] =	vst v0  }
0x19: {  	[tilespmem:$0x2830] =	vst v0  }
0x1a: {  	[tilespmem:$0x2840] =	vst v0  }
0x1b: {  	[tilespmem:$0x2850] =	vst v0  }
0x1c: {  	[tilespmem:$0x2860] =	vst v0  }
0x1d: {  	[tilespmem:$0x2870] =	vst v0  }
0x1e: {  	s16 =	simm.s32 $0x0;
	[bflag:$0x0] =	sbarrier.arrive $0xFFFF  }
0x1f: {  	[spmem:s2] =	stream.indirect.scatter.add.f32 [tilespmem:s12], [sflag:$0x1], $0x1, s16, s11, $0xb8;
	[tilespmem:$0x2B00] =	vst v63  }
0x20: {  	_ =	swait.ge [sflag:s10], $0x80  }
0x21: {  	s16 =	simm.s32 $0x200;
	[sflag:s10] =	ssyncset.done $0x0  }
.LBB2_2:
0x22: {  	s17 =	sshra.s32 s16, $0x2;
	[sflag:s10] =	ssyncadd.s32 $0xFFFFFF80;
	p0 =	sne.s32 s16, $0x9C00  }
0x23: {  	[spmem:s2] =	stream.indirect.scatter.add.f32 [tilespmem:s12], [sflag:$0x1], $0x1, s17, s11, $0xb8;
	[tilespmem:$0x2B00] =	vst v63  }
.Ltmp0:
0x24: {  	_ = 	snop;
	(pc) =	sbr.rel @p0 .LBB2_2-.Ltmp0, $4  }
0x25: {  	_ = 	snop  }
0x26: {  	s16 =	sadd.s32 $0x200, s16  }
0x27: {  	_ =	swait.ge [sflag:s10], $0x80  }
0x28: {  	[sflag:s10] =	ssyncset.done $0x0  }
0x29: {  	s15 =	sadd.s32 $0x1, s15  }
0x2a: {  	[sflag:s10] =	ssyncadd.s32 $0xFFFFFF80;
	p0 =	sne.s32 s15, s8  }
.Ltmp1:
0x2b: {  	[bflag:$0x0] =	sbarrier.arrive $0xFFFF;
	(pc) =	sbr.rel @p0 .LBB2_1-.Ltmp1, $4  }
0x2c: {  	[hbm:s7@s13], [sflag:s5] =	dma.strided [spmem:s9@s14], $0x50, s10, $0x10   }
0x2d: {  	_ =	swait.ge [sflag:s10], $0x50  }
0x2e: {  	[sflag:s10] =	ssyncset.done $0x0  }
0x2f: {  	[sflag:s10] =	ssyncadd.s32 $0xFFFFFFB0  }
0x30: {  	_ =	sfence.sel $0x180000  }
0x31: {  	[bflag:$0x0] =	sbarrier.arrive $0xFFFF  }
0x32: {  	p0 =	sne.s32 s0, $0x0;
	_ =	strace $0x90000047  }
0x33: {  	s0 =	sadd.s32 @!p0 $0x100000, s1;
	[bflag:$0x2] =	sbarrier.arrive $0xFFFF  }
0x34: {  	[sflag:s0] =	ssyncadd.tile.s32 @!p0 $0x1;
	_ =	shalt  }
.Lfunc_end2:
_tile_overlayer_lowered:
.L_overlay_start_2:
0x35: {  	(tag) =	ssettag $0x2  }
0x36: {  	s0 =	rddreg [dreg:$0x0];
	s2 =	stileid.u32  }
0x37: {  	s1 =	rddreg [dreg:$0x1];
	p0 =	sne.s32 s2, $0x0  }
0x38: {  	s3 =	rddreg [dreg:$0x2];
	[bflag:$0x3] =	sbarrier.arrive $0xFFFF;
	s2 =	simm.s32 @!p0 $0x1C01  }
0x39: {  	[timem:s3], [sflag:s2] =	dma.local @!p0 [hbm:s0], s1  }
0x3a: {  	s0 =	simm.s32 @!p0 $0x1  }
0x3b: {  	_ =	swait.ge @!p0 [sflag:s0], s1  }
0x3c: {  	s1 =	ssub.s32 @!p0 $0x0, s1;
	[sflag:s0] =	ssyncset.done @!p0 $0x0  }
0x3d: {  	[sflag:s0] =	ssyncadd.s32 @!p0 s1  }
0x3e: {  	[bflag:$0x3] =	sbarrier.arrive $0xFFFF  }
0x3f: {  	_ =	shalt  }

// kernel: kernel.16.cloned.1.call-start
scs
__scs_entry_jumppad:
0x0: {  	(pc) =	sbr.rel $0x88, $3  }
0x1: {  	(tag) =	ssettag $0x0;
	lr =	simm.s32 $0x1  }
0x2: {  	[smem:$0x3F99] =	sst lr;
	_ =	strace $0xD0000000  }
0x3: {  	_ = 	snop  }
0x4: {  	_ = 	snop  }
0x5: {  	_ = 	snop  }
0x6: {  	_ = 	snop  }
0x7: {  	_ = 	snop  }
__scs_overlays_trampoline_lowered:
0x8: {  	[smem:$0x3FA8] =	sst s0  }
0x9: {  	[smem:$0x3FA9] =	sst s1  }
0xa: {  	[smem:$0x3FAA] =	sst s2  }
0xb: {  	[smem:$0x3FAB] =	sst s3  }
0xc: {  	[smem:$0x3FAC] =	sst s4  }
0xd: {  	[smem:$0x3FAD] =	sst s5  }
0xe: {  	[smem:$0x3FAE] =	sst s6  }
0xf: {  	[smem:$0x3FAF] =	sst s7  }
0x10: {  	[smem:$0x3FB0] =	sst s8  }
0x11: {  	[smem:$0x3FB1] =	sst s9;
	s0 =	simm.s32 @!p0 $0x0  }
0x12: {  	s1 =	sld [smem:$0x3F97];
	s0 =	simm.s32 @p0 $0x1  }
0x13: {  	[smem:$0x3FB2] =	sst s0;
	s0 =	simm.s32 @!p1 $0x0  }
0x14: {  	s2 =	sld [smem:$0x3F96];
	s0 =	simm.s32 @p1 $0x1  }
0x15: {  	[smem:$0x3FB3] =	sst s0;
	s0 =	simm.s32 @!p2 $0x0  }
0x16: {  	s3 =	sld [smem:$0x3FDB];
	s0 =	simm.s32 @p2 $0x1  }
0x17: {  	s4 =	simm.s32 $0x1BF5;
	[smem:$0x3FB5] =	sst s0  }
0x18: {  	s0 =	sld [smem:$0x3F98];
	_ =	swait.ge [sflag:s4], $0x0  }
0x19: {  	s7 =	sld [smem:$0x3F99]  }
0x1a: {  	s8 =	sadd.s32 $0xFFFFE003, lr  }
0x1b: {  	s9 =	sadd.s32 $0xFFFFFEF7, lr;
	s5 =	simm.s32 $0xFFFFFFFF;
	p2 =	slt.u32 s8, $0xFFFFF086  }
0x1c: {  	p1 =	slt.u32 s9, $0xF7A;
	s5 =	simm.s32 @!p2 $0x0  }
0x1d: {  	s5 =	simm.s32 @p1 $0x1;
	p0 =	seq.s32 s7, s2  }
0x1e: {  	s7 =	smul.u32 @!p0 $0xF7A, s2;
	p2 =	seq.s32 @!p0 s5, $0x0  }
0x1f: {  	s9 =	smul.u32 $0xF7A, s1;
	s8 =	simm.s32 @!p0 $0x1BF5;
	p2 =	por !p2, p0  }
0x20: {  	[sflag:s8] =	ssyncset.s32 @!p0 $0xFFFFF086;
	s6 =	sadd.s32 @!p0 s3, s7;
	s7 =	simm.s32 @!p0 $0x108  }
0x21: {  	s3 =	sadd.s32 s3, s9;
	s6 =	sadd.s32 @!p0 $0x88, s6;
	s7 =	simm.s32 @p2 $0x1082  }
0x22: {  	[simem:s7], [sflag:s8] =	dma.local @!p0 [hbm:s6], $0xF7A  }
0x23: {  	s9 =	sor.u32 $0xD0000000, s2;
	s6 =	simm.s32 $0x108;
	_ =	swait.ge @!p0 [sflag:s8], $0x0  }
0x24: {  	s3 =	sadd.s32 $0x88, s3;
	s6 =	simm.s32 @!p1 $0x1082;
	[sflag:s4] =	ssyncset.s32 $0xFFFFF086  }
0x25: {  	[simem:s6], [sflag:s4] =	dma.local [hbm:s3], $0xF7A  }
0x26: {  	[smem:$0x3F99] =	sst s1;
	(tag) =	ssettag s2;
	_ =	strace s9  }
0x27: {  	s1 =	sld [smem:$0x3FA9]  }
0x28: {  	s2 =	sld [smem:$0x3FAA]  }
0x29: {  	s4 =	sld [smem:$0x3FAC]  }
0x2a: {  	p0 =	seq.s32 s5, $0x0;
	s5 =	sld [smem:$0x3FAD]  }
0x2b: {  	s6 =	sld [smem:$0x3FAE]  }
0x2c: {  	s7 =	sld [smem:$0x3FAF]  }
0x2d: {  	s3 =	simm.s32 $0x108;
	s8 =	sld [smem:$0x3FB0]  }
0x2e: {  	s3 =	simm.s32 @!p0 $0x1082;
	s9 =	sld [smem:$0x3FB1]  }
0x2f: {  	lr =	sadd.s32 s0, s3;
	s0 =	sld [smem:$0x3FA8]  }
0x30: {  	s3 =	sld [smem:$0x3FAB]  }
0x31: {  	[smem:$0x3FB4] =	sst s10  }
0x32: {  	s10 =	sld [smem:$0x3FB2];
	_ =	sdelay $0x3  }
0x33: {  	p0 =	seq.s32 s10, $0x1;
	s10 =	sld [smem:$0x3FB4];
	_ =	sdelay $0x3  }
0x34: {  	[smem:$0x3FB4] =	sst s10  }
0x35: {  	s10 =	sld [smem:$0x3FB3];
	_ =	sdelay $0x3  }
0x36: {  	p1 =	seq.s32 s10, $0x1;
	s10 =	sld [smem:$0x3FB4];
	_ =	sdelay $0x3  }
0x37: {  	[smem:$0x3FB4] =	sst s10  }
0x38: {  	s10 =	sld [smem:$0x3FB5]  }
0x39: {  	_ = 	snop;
	(pc) =	sbr.ind lr, $3  }
0x3a: {  	_ = 	snop  }
0x3b: {  	_ = 	snop  }
0x3c: {  	p2 =	seq.s32 s10, $0x1;
	s10 =	sld [smem:$0x3FB4]  }
0x3d: {  	_ =	shalt  }
0x3e: {  	_ =	shalt  }
0x3f: {  	_ =	shalt  }
0x40: {  	_ =	shalt  }
0x41: {  	_ =	shalt  }
0x42: {  	_ =	shalt  }
0x43: {  	_ =	shalt  }
0x44: {  	_ =	shalt  }
0x45: {  	_ =	shalt  }
0x46: {  	_ =	shalt  }
0x47: {  	_ =	shalt  }
0x48: {  	_ =	shalt  }
0x49: {  	_ =	shalt  }
0x4a: {  	_ =	shalt  }
0x4b: {  	_ =	shalt  }
0x4c: {  	_ =	shalt  }
0x4d: {  	_ =	shalt  }
0x4e: {  	_ =	shalt  }
0x4f: {  	_ =	shalt  }
0x50: {  	_ =	shalt  }
0x51: {  	_ =	shalt  }
0x52: {  	_ =	shalt  }
0x53: {  	_ =	shalt  }
0x54: {  	_ =	shalt  }
0x55: {  	_ =	shalt  }
0x56: {  	_ =	shalt  }
0x57: {  	_ =	shalt  }
0x58: {  	_ =	shalt  }
0x59: {  	_ =	shalt  }
0x5a: {  	_ =	shalt  }
0x5b: {  	_ =	shalt  }
0x5c: {  	_ =	shalt  }
0x5d: {  	_ =	shalt  }
0x5e: {  	_ =	shalt  }
0x5f: {  	_ =	shalt  }
0x60: {  	_ =	shalt  }
0x61: {  	_ =	shalt  }
0x62: {  	_ =	shalt  }
0x63: {  	_ =	shalt  }
0x64: {  	_ =	shalt  }
0x65: {  	_ =	shalt  }
0x66: {  	_ =	shalt  }
0x67: {  	_ =	shalt  }
0x68: {  	_ =	shalt  }
0x69: {  	_ =	shalt  }
0x6a: {  	_ =	shalt  }
0x6b: {  	_ =	shalt  }
0x6c: {  	_ =	shalt  }
0x6d: {  	_ =	shalt  }
0x6e: {  	_ =	shalt  }
0x6f: {  	_ =	shalt  }
0x70: {  	_ =	shalt  }
0x71: {  	_ =	shalt  }
0x72: {  	_ =	shalt  }
0x73: {  	_ =	shalt  }
0x74: {  	_ =	shalt  }
0x75: {  	_ =	shalt  }
0x76: {  	_ =	shalt  }
0x77: {  	_ =	shalt  }
0x78: {  	_ =	shalt  }
0x79: {  	_ =	shalt  }
0x7a: {  	_ =	shalt  }
0x7b: {  	_ =	shalt  }
0x7c: {  	_ =	shalt  }
0x7d: {  	_ =	shalt  }
0x7e: {  	_ =	shalt  }
0x7f: {  	_ =	shalt  }
0x80: {  	_ =	shalt  }
0x81: {  	_ =	shalt  }
0x82: {  	_ =	shalt  }
0x83: {  	_ =	shalt  }
0x84: {  	_ =	shalt  }
0x85: {  	_ =	shalt  }
0x86: {  	_ =	shalt  }
0x87: {  	_ =	shalt  }
.Lfunc_end0:
.L_simem_size_0:
called_computation.1_lowered:
.L_overlay_start_0:
0x88: {  	s2 =	sld [smem:$0x3FD9]  }
0x89: {  	s3 =	sld [smem:$0x3FFE];
	_ =	sdelay $0x1  }
0x8a: {  	s1 =	srdreg.scid  }
0x8b: {  	s0 =	sand.u32 $0x1, s1  }
0x8c: {  	s16 =	sshll.u32 s0, $0xA;
	s2 =	sadd.s32 s3, s2  }
0x8d: {  	s2 =	sadd.s32 s2, s16  }
0x8e: {  	[smem:$0x3FC0] =	sst s2  }
0x8f: {  	_ = 	snop  }
0x90: {  	(tm) =	ssettm $0x1  }
0x91: {  	s17 =	sld [smem:$0x3FFB];
	_ =	sdelay $0x3  }
0x92: {  	_ =	strace s17  }
0x93: {  	s2 =	sld [smem:$0x3FFC];
	_ =	sdelay $0x3  }
0x94: {  	_ =	strace s2  }
0x95: {  	s2 =	sld [smem:$0x3FFD];
	_ =	sdelay $0x3  }
0x96: {  	_ =	strace s2  }
0x97: {  	_ =	strace $0x8FFFFFFF  }
0x98: {  	s18 =	sld [smem:$0x3FDB];
	_ =	sdelay $0x1  }
0x99: {  	s19 =	simm.s32 $_scs_section_size  }
0x9a: {  	s4 =	simm.s32 $_size__tile_overlayer_lowered;
	s5 =	simm.s32 $_tile_overlayer_lowered  }
0x9b: {  	s22 =	simm.s32 $0x1BFF;
	s21 =	sshll.u32 s5, $0x1;
	s2 =	sadd.s32 s19, s18  }
0x9c: {  	s6 =	simm.s32 $0x0;
	s20 =	sshll.u32 s4, $0x1;
	s4 =	sadd.s32 s21, s2  }
0x9d: {  	[timem:s6], [sflag:s22] =	dma.local [hbm:s4], s20  }
0x9e: {  	_ =	swait.ge [sflag:s22], s20  }
0x9f: {  	s3 =	ssub.s32 $0x0, s20;
	[sflag:s22] =	ssyncset.done $0x0  }
0xa0: {  	[sflag:s22] =	ssyncadd.s32 s3;
	_ =	sdelay $0x1  }
0xa1: {  	s23 =	simm.s32 $0x1B8B  }
0xa2: {  	_ =	swait.ge [sflag:s23], $0x1  }
0xa3: {  	[sflag:s23] =	ssyncset.done $0x0  }
0xa4: {  	s25 =	simm.s32 $0x1B8E;
	s24 =	sld [smem:$0x3FFE];
	[sflag:s23] =	ssyncadd.s32 $0xFFFFFFFF  }
0xa5: {  	s26 =	simm.s32 $execute0_lowered;
	[smem:$0x3FD2] =	sst s25  }
0xa6: {  	s4 =	sshll.u32 s26, $0x1;
	_ =	strace $0x80000049;
	[dreg:$0x1] =	wrdreg $0xFFFFFFFF  }
0xa7: {  	s28 =	simm.s32 $_size_execute0_lowered;
	s2 =	sadd.s32 s2, s4;
	[dreg:$0x0] =	wrdreg $0x0  }
0xa8: {  	s4 =	sshll.u32 s28, $0x1;
	[dreg:$0x2] =	wrdreg s2  }
0xa9: {  	[dreg:$0x3] =	wrdreg s4  }
0xaa: {  	[dreg:$0x4] =	wrdreg $0xC0  }
0xab: {  	_ =	task [dreg:s6], $0x5FFFF  }
0xac: {  	[dreg:$0x1] =	wrdreg $0xFFFFFFFF  }
0xad: {  	[dreg:$0x0] =	wrdreg $0x60  }
0xae: {  	[dreg:$0x2] =	wrdreg s24  }
0xaf: {  	[dreg:$0x3] =	wrdreg $0x91000  }
0xb0: {  	[dreg:$0x4] =	wrdreg $0x9  }
0xb1: {  	_ =	task.clear_ibuf [dreg:s6], $0x5FFFF;
	_ =	strace $0x90000049  }
0xb2: {  	s29 =	simm.s32 $0x9;
	_ =	strace $0x8000004B  }
0xb3: {  	_ =	swait.ge [sflag:s29], $0x1  }
0xb4: {  	[sflag:s29] =	ssyncadd.s32 $0xFFFFFFFF  }
0xb5: {  	_ =	strace $0x9000004B  }
0xb6: {  	_ =	sfence  }
0xb7: {  	s30 =	sld [smem:$0x0];
	_ =	sdelay $0x2  }
0xb8: {  	s31 =	sshll.u32 s1, $0xD;
	s1 =	sshrl.u32 s1, $0x2  }
0xb9: {  	s3 =	sand.u32 $0x4000, s31;
	s1 =	sadd.s32 s1, s30  }
0xba: {  	s0 =	sor.u32 s3, s0;
	s1 =	sshll.u32 s1, $0x11  }
0xbb: {  	s0 =	sor.u32 s1, s0  }
0xbc: {  	s0 =	sadd.s32 $0x8F2B, s0  }
0xbd: {  	[sflag:s0] =	ssyncadd.remote.s32 $0x1  }
0xbe: {  	_ =	sfence.sel $0xFFFF  }
0xbf: {  	[dreg:$0x0] =	wrdreg $0xFFFFFFFF;
	(pc) =	sbr.abs _section_cstart, $3  }
0xc0: {  	[dreg:$0x1] =	wrdreg $0xFFFFFFFF  }
0xc1: {  	_ =	task.clear_ibuf [dreg:s6], $0x2FFFF;
	_ =	strace $0x9FFFFFFF  }
0xc2: {  	(tm) =	ssettm $0x7FFFFFFF  }
0xc3: {  	_ =	shalt  }
tec
execute0_lowered:
.L_overlay_start_1:
0x0: {  	(tag) =	ssettag $0x1  }
0x1: {  	s0 =	srdreg.scid;
	s5 =	rddreg [dreg:$0x0]  }
0x2: {  	s2 =	rddreg [dreg:$0x1];
	s3 =	simm.s32 $0x0;
	s15 =	simm.s32 $0x80  }
0x3: {  	s16 =	simm.s32 $0x5100;
	s18 =	sand.u32 $0x1, s0;
	s0 =	stileid.u32  }
0x4: {  	s17 =	simm.s32 $0x1;
	s19 =	simm.s32 $0x5080;
	s7 =	smul.u32 $0x280, s0  }
0x5: {  	s20 =	simm.s32 $0x0;
	[smem:$0x7FF] =	sst s3;
	s8 =	smul.u32 $0x14000, s0  }
0x6: {  	s4 =	sadd.s32 $0x24A00, s5;
	s1 =	sshll.u32 s18, $0x4;
	s9 =	smul.u32 $0x140000, s18  }
0x7: {  	s28 =	ssub.s32 $0x2, s18;
	s29 =	smul.u32 $0x50000, s0;
	s31 =	sshll.u32 s0, $0x6  }
0x8: {  	p0 =	seq.s32 s18, $0x0;
	s1 =	sor.u32 s0, s1;
	s11 =	sshrl.u32 s28, $0x1  }
0x9: {  	s6 =	smul.u32 $0x500, s1;
	s1 =	rddreg [dreg:$0x2];
	_ =	strace $0x8000004A  }
0xa: {  	s12 =	sadd.s32 s7, s5;
	s25 =	sshrl.u32 s8, $0x3;
	s26 =	sadd.s32 s8, s9  }
0xb: {  	s11 =	ssub.s32 s28, s11;
	s30 =	sshrl.u32 s29, $0x2;
	s7 =	sshrl.u32 s26, $0x3  }
0xc: {  	s14 =	sadd.s32 s30, s2;
	s11 =	smax.u32 s11, $0x1;
	s12 =	sadd.s32 $0xE200, s12  }
.Ltmp0:
0xd: {  	s10 =	sadd.s32 s6, s5;
	s6 =	sadd.s32 s25, s5;
	(pc) =	sbr.rel .LBB2_1-.Ltmp0, $4  }
0xe: {  	s13 =	sadd.s32 s7, s5;
	s7 =	simm.s32 $0x4F;
	s5 =	sadd.s32 $0x74A00, s6  }
0xf: {  	s6 =	sor.u32 $0x1C02, s31;
	s8 =	sadd.s32 $0x1AA00, s10;
	s9 =	sadd.s32 $0x10A00, s10  }
0x10: {  	s7 =	simm.s32 @!p0 $0x3A;
	s10 =	sadd.s32 $0x9CA00, s13;
	s13 =	sshrl.u32 s14, $0x3  }
0x11: {  	s14 =	simm.s32 $0x2;
	p0 =	sne.s32 s18, $0x0;
	s18 =	simm.s32 $0x5000  }
.LBB2_7:
0x12: {  	s20 =	sadd.s32 $0x1, s20  }
0x13: {  	p1 =	sne.s32 s20, s11  }
.Ltmp1:
0x14: {  	[bflag:$0x0] =	sbarrier.arrive $0xFFFF;
	(pc) =	sbr.rel @!p1 .LBB2_8-.Ltmp1, $4  }
0x15: {  	[hbm:s10], [sflag:s6] =	dma.local [spmem:s13], $0x2800  }
0x16: {  	_ =	swait.ge [sflag:s14], $0x2800  }
0x17: {  	[sflag:s14] =	ssyncset.done $0x0  }
0x18: {  	[sflag:s14] =	ssyncadd.s32 $0xFFFFD800  }
.LBB2_1:
0x19: {  	[spmem:s13], [sflag:s6] =	dma.local [hbm:s5], $0x2800  }
0x1a: {  	_ =	swait.ge [sflag:s14], $0x2800  }
0x1b: {  	[sflag:s14] =	ssyncset.done $0x0  }
0x1c: {  	[sflag:s14] =	ssyncadd.s32 $0xFFFFD800  }
0x1d: {  	[tilespmem:s3], [sflag:$0x2] =	stream.linear.gather [hbm4b:s8+s3], $0x2780, $0x38;
	[tilespmem:$0x1D100] =	vst v63  }
0x1e: {  	_ =	swait.ge [sflag:s14], $0x2780  }
0x1f: {  	[sflag:s14] =	ssyncset.done $0x0  }
0x20: {  	s21 =	simm.s32 $0x2800;
	[sflag:s14] =	ssyncadd.s32 $0xFFFFD880  }
0x21: {  	[tilespmem:s21], [sflag:$0x2] =	stream.linear.gather [hbm4b:s9+s3], $0x2780, $0x38;
	[tilespmem:$0x1D100] =	vst v63  }
0x22: {  	_ =	swait.ge [sflag:s14], $0x2780  }
0x23: {  	[sflag:s14] =	ssyncset.done $0x0  }
0x24: {  	[sflag:s14] =	ssyncadd.s32 $0xFFFFD880  }
0x25: {  	[bflag:$0x0] =	sbarrier.arrive $0xFFFF  }
0x26: {  	[tilespmem:s16], [sflag:$0x1] =	stream.indirect.gather [hbm4b:s4+s15], $0x80, s3, s15, $0xb8;
	[tilespmem:$0x1D100] =	vst v63  }
0x27: {  	p1 =	sne.s32 s7, $0x1;
	_ =	swait.ge [sflag:s17], $0x4000  }
.Ltmp2:
0x28: {  	[sflag:s17] =	ssyncset.done $0x0;
	(pc) =	sbr.rel @!p1 .LBB2_3-.Ltmp2, $4  }
0x29: {  	[sflag:s17] =	ssyncadd.s32 $0xFFFFC000  }
0x2a: {  	[spmem:s2] =	stream.indirect.scatter.add.f32 [tilespmem:s16], [sflag:$0x2], $0x80, s21, s15, $0xb8;
	[tilespmem:$0x1D100] =	vst v63  }
0x2b: {  	_ =	swait.ge [sflag:s14], $0x4000  }
0x2c: {  	s22 =	sadd.s32 $0xFFFFFFFF, s7;
	s23 =	simm.s32 $0x0;
	[sflag:s14] =	ssyncset.done $0x0  }
.LBB2_2:
0x2d: {  	[sflag:s14] =	ssyncadd.s32 $0xFFFFC000;
	s23 =	sadd.s32 $0x80, s23;
	s21 =	sadd.s32 $0x80, s21  }
0x2e: {  	[tilespmem:s16], [sflag:$0x1] =	stream.indirect.gather [hbm4b:s4+s15], $0x80, s23, s15, $0xb8;
	[tilespmem:$0x1D100] =	vst v63  }
0x2f: {  	p1 =	sne.s32 s22, $0x1;
	s22 =	sadd.s32 $0xFFFFFFFF, s22;
	_ =	swait.ge [sflag:s17], $0x4000  }
.Ltmp3:
0x30: {  	[sflag:s17] =	ssyncset.done $0x0;
	(pc) =	sbr.rel @p1 .LBB2_2-.Ltmp3, $4  }
0x31: {  	[sflag:s17] =	ssyncadd.s32 $0xFFFFC000  }
0x32: {  	[spmem:s2] =	stream.indirect.scatter.add.f32 [tilespmem:s16], [sflag:$0x2], $0x80, s21, s15, $0xb8;
	[tilespmem:$0x1D100] =	vst v63  }
0x33: {  	_ =	swait.ge [sflag:s14], $0x4000  }
0x34: {  	[sflag:s14] =	ssyncset.done $0x0  }
.LBB2_3:
.Ltmp4:
0x35: {  	(pc) =	sbr.rel @p0 .LBB2_7-.Ltmp4, $2  }
0x36: {  	_ =	sdelay $0x2  }
0x37: {  	[sflag:s14] =	ssyncadd.s32 $0xFFFFC000  }
0x38: {  	s21 =	sadd.s32 $0x0, s12  }
0x39: {  	[tilespmem:s18], [sflag:$0x2] =	stream.linear.gather [hbm4b:s21+s3], $0x100, $0x38;
	[tilespmem:$0x1D100] =	vst v63  }
0x3a: {  	_ =	swait.ge [sflag:s14], $0x100  }
0x3b: {  	[sflag:s14] =	ssyncset.done $0x0  }
0x3c: {  	[sflag:s14] =	ssyncadd.s32 $0xFFFFFF00  }
0x3d: {  	[tilespmem:s16], [sflag:$0x1] =	stream.indirect.gather [hbm4b:s4+s15], $0x80, s18, s15, $0xb8;
	[tilespmem:$0x1D100] =	vst v63  }
0x3e: {  	_ =	swait.ge [sflag:s17], $0x4000  }
0x3f: {  	[sflag:s17] =	ssyncset.done $0x0  }
0x40: {  	[sflag:s17] =	ssyncadd.s32 $0xFFFFC000  }
0x41: {  	[spmem:s2] =	stream.indirect.scatter.add.f32 [tilespmem:s16], [sflag:$0x2], $0x80, s19, s15, $0xb8;
	[tilespmem:$0x1D100] =	vst v63  }
0x42: {  	_ =	swait.ge [sflag:s14], $0x4000  }
0x43: {  	s22 =	simm.s32 $0x40;
	s21 =	simm.s32 $0x20;
	[sflag:s14] =	ssyncset.done $0x0  }
.LBB2_5:
0x44: {  	s23 =	sadd.s32 s21, s12  }
0x45: {  	[sflag:s14] =	ssyncadd.s32 $0xFFFFC000;
	s21 =	smov.u32 s22;
	s24 =	sadd.s32 $0x20, s22  }
0x46: {  	[tilespmem:s18], [sflag:$0x2] =	stream.linear.gather [hbm4b:s23+s3], $0x100, $0x38;
	[tilespmem:$0x1D100] =	vst v63  }
0x47: {  	p1 =	sne.s32 s22, $0x260;
	_ =	swait.ge [sflag:s14], $0x100  }
0x48: {  	[sflag:s14] =	ssyncset.done $0x0  }
0x49: {  	[sflag:s14] =	ssyncadd.s32 $0xFFFFFF00  }
0x4a: {  	[tilespmem:s16], [sflag:$0x1] =	stream.indirect.gather [hbm4b:s4+s15], $0x80, s18, s15, $0xb8;
	[tilespmem:$0x1D100] =	vst v63  }
0x4b: {  	_ =	swait.ge [sflag:s17], $0x4000  }
.Ltmp5:
0x4c: {  	[sflag:s17] =	ssyncset.done $0x0;
	(pc) =	sbr.rel @p1 .LBB2_5-.Ltmp5, $4  }
0x4d: {  	[sflag:s17] =	ssyncadd.s32 $0xFFFFC000  }
0x4e: {  	[spmem:s2] =	stream.indirect.scatter.add.f32 [tilespmem:s16], [sflag:$0x2], $0x80, s19, s15, $0xb8;
	[tilespmem:$0x1D100] =	vst v63  }
0x4f: {  	_ =	swait.ge [sflag:s14], $0x4000  }
0x50: {  	s22 =	smov.u32 s24;
	[sflag:s14] =	ssyncset.done $0x0  }
0x51: {  	s21 =	sadd.s32 s21, s12;
	[sflag:s14] =	ssyncadd.s32 $0xFFFFC000  }
0x52: {  	[tilespmem:s18], [sflag:$0x2] =	stream.linear.gather [hbm4b:s21+s3], $0x100, $0x38;
	[tilespmem:$0x1D100] =	vst v63  }
0x53: {  	_ =	swait.ge [sflag:s14], $0x100  }
0x54: {  	[sflag:s14] =	ssyncset.done $0x0  }
0x55: {  	[sflag:s14] =	ssyncadd.s32 $0xFFFFFF00  }
0x56: {  	[tilespmem:s16], [sflag:$0x1] =	stream.indirect.gather [hbm4b:s4+s15], $0x80, s18, s15, $0xb8;
	[tilespmem:$0x1D100] =	vst v63  }
0x57: {  	_ =	swait.ge [sflag:s17], $0x4000  }
0x58: {  	[sflag:s17] =	ssyncset.done $0x0  }
.Ltmp6:
0x59: {  	[sflag:s17] =	ssyncadd.s32 $0xFFFFC000;
	(pc) =	sbr.rel .LBB2_7-.Ltmp6, $4  }
0x5a: {  	[spmem:s2] =	stream.indirect.scatter.add.f32 [tilespmem:s16], [sflag:$0x2], $0x80, s19, s15, $0xb8;
	[tilespmem:$0x1D100] =	vst v63  }
0x5b: {  	_ =	swait.ge [sflag:s14], $0x4000  }
0x5c: {  	[sflag:s14] =	ssyncset.done $0x0  }
0x5d: {  	[sflag:s14] =	ssyncadd.s32 $0xFFFFC000  }
.LBB2_8:
0x5e: {  	_ =	sfence.sel $0x180000  }
0x5f: {  	[bflag:$0x0] =	sbarrier.arrive $0xFFFF  }
0x60: {  	p0 =	sne.s32 s0, $0x0;
	_ =	strace $0x9000004A  }
0x61: {  	s0 =	sadd.s32 @!p0 $0x100000, s1;
	[bflag:$0x2] =	sbarrier.arrive $0xFFFF  }
0x62: {  	[sflag:s0] =	ssyncadd.tile.s32 @!p0 $0x1;
	_ =	shalt  }
.Lfunc_end2:
_tile_overlayer_lowered:
.L_overlay_start_2:
0x63: {  	(tag) =	ssettag $0x2  }
0x64: {  	s0 =	rddreg [dreg:$0x0];
	s2 =	stileid.u32  }
0x65: {  	s1 =	rddreg [dreg:$0x1];
	p0 =	sne.s32 s2, $0x0  }
0x66: {  	s3 =	rddreg [dreg:$0x2];
	[bflag:$0x3] =	sbarrier.arrive $0xFFFF;
	s2 =	simm.s32 @!p0 $0x1C02  }
0x67: {  	[timem:s3], [sflag:s2] =	dma.local @!p0 [hbm:s0], s1  }
0x68: {  	s0 =	simm.s32 @!p0 $0x2  }
0x69: {  	_ =	swait.ge @!p0 [sflag:s0], s1  }
0x6a: {  	s1 =	ssub.s32 @!p0 $0x0, s1;
	[sflag:s0] =	ssyncset.done @!p0 $0x0  }
0x6b: {  	[sflag:s0] =	ssyncadd.s32 @!p0 s1  }
0x6c: {  	[bflag:$0x3] =	sbarrier.arrive $0xFFFF  }
0x6d: {  	_ =	shalt  }

// kernel: kernel.19.cloned.1.call-start
scs
__scs_entry_jumppad:
0x0: {  	(pc) =	sbr.rel $0x88, $3  }
0x1: {  	(tag) =	ssettag $0x0;
	lr =	simm.s32 $0x1  }
0x2: {  	[smem:$0x3F99] =	sst lr;
	_ =	strace $0xD0000000  }
0x3: {  	_ = 	snop  }
0x4: {  	_ = 	snop  }
0x5: {  	_ = 	snop  }
0x6: {  	_ = 	snop  }
0x7: {  	_ = 	snop  }
__scs_overlays_trampoline_lowered:
0x8: {  	[smem:$0x3FA8] =	sst s0  }
0x9: {  	[smem:$0x3FA9] =	sst s1  }
0xa: {  	[smem:$0x3FAA] =	sst s2  }
0xb: {  	[smem:$0x3FAB] =	sst s3  }
0xc: {  	[smem:$0x3FAC] =	sst s4  }
0xd: {  	[smem:$0x3FAD] =	sst s5  }
0xe: {  	[smem:$0x3FAE] =	sst s6  }
0xf: {  	[smem:$0x3FAF] =	sst s7  }
0x10: {  	[smem:$0x3FB0] =	sst s8  }
0x11: {  	[smem:$0x3FB1] =	sst s9;
	s0 =	simm.s32 @!p0 $0x0  }
0x12: {  	s1 =	sld [smem:$0x3F97];
	s0 =	simm.s32 @p0 $0x1  }
0x13: {  	[smem:$0x3FB2] =	sst s0;
	s0 =	simm.s32 @!p1 $0x0  }
0x14: {  	s2 =	sld [smem:$0x3F96];
	s0 =	simm.s32 @p1 $0x1  }
0x15: {  	[smem:$0x3FB3] =	sst s0;
	s0 =	simm.s32 @!p2 $0x0  }
0x16: {  	s3 =	sld [smem:$0x3FDB];
	s0 =	simm.s32 @p2 $0x1  }
0x17: {  	s4 =	simm.s32 $0x1BF5;
	[smem:$0x3FB5] =	sst s0  }
0x18: {  	s0 =	sld [smem:$0x3F98];
	_ =	swait.ge [sflag:s4], $0x0  }
0x19: {  	s7 =	sld [smem:$0x3F99]  }
0x1a: {  	s8 =	sadd.s32 $0xFFFFE003, lr  }
0x1b: {  	s9 =	sadd.s32 $0xFFFFFEF7, lr;
	s5 =	simm.s32 $0xFFFFFFFF;
	p2 =	slt.u32 s8, $0xFFFFF086  }
0x1c: {  	p1 =	slt.u32 s9, $0xF7A;
	s5 =	simm.s32 @!p2 $0x0  }
0x1d: {  	s5 =	simm.s32 @p1 $0x1;
	p0 =	seq.s32 s7, s2  }
0x1e: {  	s7 =	smul.u32 @!p0 $0xF7A, s2;
	p2 =	seq.s32 @!p0 s5, $0x0  }
0x1f: {  	s9 =	smul.u32 $0xF7A, s1;
	s8 =	simm.s32 @!p0 $0x1BF5;
	p2 =	por !p2, p0  }
0x20: {  	[sflag:s8] =	ssyncset.s32 @!p0 $0xFFFFF086;
	s6 =	sadd.s32 @!p0 s3, s7;
	s7 =	simm.s32 @!p0 $0x108  }
0x21: {  	s3 =	sadd.s32 s3, s9;
	s6 =	sadd.s32 @!p0 $0x88, s6;
	s7 =	simm.s32 @p2 $0x1082  }
0x22: {  	[simem:s7], [sflag:s8] =	dma.local @!p0 [hbm:s6], $0xF7A  }
0x23: {  	s9 =	sor.u32 $0xD0000000, s2;
	s6 =	simm.s32 $0x108;
	_ =	swait.ge @!p0 [sflag:s8], $0x0  }
0x24: {  	s3 =	sadd.s32 $0x88, s3;
	s6 =	simm.s32 @!p1 $0x1082;
	[sflag:s4] =	ssyncset.s32 $0xFFFFF086  }
0x25: {  	[simem:s6], [sflag:s4] =	dma.local [hbm:s3], $0xF7A  }
0x26: {  	[smem:$0x3F99] =	sst s1;
	(tag) =	ssettag s2;
	_ =	strace s9  }
0x27: {  	s1 =	sld [smem:$0x3FA9]  }
0x28: {  	s2 =	sld [smem:$0x3FAA]  }
0x29: {  	s4 =	sld [smem:$0x3FAC]  }
0x2a: {  	p0 =	seq.s32 s5, $0x0;
	s5 =	sld [smem:$0x3FAD]  }
0x2b: {  	s6 =	sld [smem:$0x3FAE]  }
0x2c: {  	s7 =	sld [smem:$0x3FAF]  }
0x2d: {  	s3 =	simm.s32 $0x108;
	s8 =	sld [smem:$0x3FB0]  }
0x2e: {  	s3 =	simm.s32 @!p0 $0x1082;
	s9 =	sld [smem:$0x3FB1]  }
0x2f: {  	lr =	sadd.s32 s0, s3;
	s0 =	sld [smem:$0x3FA8]  }
0x30: {  	s3 =	sld [smem:$0x3FAB]  }
0x31: {  	[smem:$0x3FB4] =	sst s10  }
0x32: {  	s10 =	sld [smem:$0x3FB2];
	_ =	sdelay $0x3  }
0x33: {  	p0 =	seq.s32 s10, $0x1;
	s10 =	sld [smem:$0x3FB4];
	_ =	sdelay $0x3  }
0x34: {  	[smem:$0x3FB4] =	sst s10  }
0x35: {  	s10 =	sld [smem:$0x3FB3];
	_ =	sdelay $0x3  }
0x36: {  	p1 =	seq.s32 s10, $0x1;
	s10 =	sld [smem:$0x3FB4];
	_ =	sdelay $0x3  }
0x37: {  	[smem:$0x3FB4] =	sst s10  }
0x38: {  	s10 =	sld [smem:$0x3FB5]  }
0x39: {  	_ = 	snop;
	(pc) =	sbr.ind lr, $3  }
0x3a: {  	_ = 	snop  }
0x3b: {  	_ = 	snop  }
0x3c: {  	p2 =	seq.s32 s10, $0x1;
	s10 =	sld [smem:$0x3FB4]  }
0x3d: {  	_ =	shalt  }
0x3e: {  	_ =	shalt  }
0x3f: {  	_ =	shalt  }
0x40: {  	_ =	shalt  }
0x41: {  	_ =	shalt  }
0x42: {  	_ =	shalt  }
0x43: {  	_ =	shalt  }
0x44: {  	_ =	shalt  }
0x45: {  	_ =	shalt  }
0x46: {  	_ =	shalt  }
0x47: {  	_ =	shalt  }
0x48: {  	_ =	shalt  }
0x49: {  	_ =	shalt  }
0x4a: {  	_ =	shalt  }
0x4b: {  	_ =	shalt  }
0x4c: {  	_ =	shalt  }
0x4d: {  	_ =	shalt  }
0x4e: {  	_ =	shalt  }
0x4f: {  	_ =	shalt  }
0x50: {  	_ =	shalt  }
0x51: {  	_ =	shalt  }
0x52: {  	_ =	shalt  }
0x53: {  	_ =	shalt  }
0x54: {  	_ =	shalt  }
0x55: {  	_ =	shalt  }
0x56: {  	_ =	shalt  }
0x57: {  	_ =	shalt  }
0x58: {  	_ =	shalt  }
0x59: {  	_ =	shalt  }
0x5a: {  	_ =	shalt  }
0x5b: {  	_ =	shalt  }
0x5c: {  	_ =	shalt  }
0x5d: {  	_ =	shalt  }
0x5e: {  	_ =	shalt  }
0x5f: {  	_ =	shalt  }
0x60: {  	_ =	shalt  }
0x61: {  	_ =	shalt  }
0x62: {  	_ =	shalt  }
0x63: {  	_ =	shalt  }
0x64: {  	_ =	shalt  }
0x65: {  	_ =	shalt  }
0x66: {  	_ =	shalt  }
0x67: {  	_ =	shalt  }
0x68: {  	_ =	shalt  }
0x69: {  	_ =	shalt  }
0x6a: {  	_ =	shalt  }
0x6b: {  	_ =	shalt  }
0x6c: {  	_ =	shalt  }
0x6d: {  	_ =	shalt  }
0x6e: {  	_ =	shalt  }
0x6f: {  	_ =	shalt  }
0x70: {  	_ =	shalt  }
0x71: {  	_ =	shalt  }
0x72: {  	_ =	shalt  }
0x73: {  	_ =	shalt  }
0x74: {  	_ =	shalt  }
0x75: {  	_ =	shalt  }
0x76: {  	_ =	shalt  }
0x77: {  	_ =	shalt  }
0x78: {  	_ =	shalt  }
0x79: {  	_ =	shalt  }
0x7a: {  	_ =	shalt  }
0x7b: {  	_ =	shalt  }
0x7c: {  	_ =	shalt  }
0x7d: {  	_ =	shalt  }
0x7e: {  	_ =	shalt  }
0x7f: {  	_ =	shalt  }
0x80: {  	_ =	shalt  }
0x81: {  	_ =	shalt  }
0x82: {  	_ =	shalt  }
0x83: {  	_ =	shalt  }
0x84: {  	_ =	shalt  }
0x85: {  	_ =	shalt  }
0x86: {  	_ =	shalt  }
0x87: {  	_ =	shalt  }
.Lfunc_end0:
.L_simem_size_0:
called_computation.2_lowered:
.L_overlay_start_0:
0x88: {  	s2 =	sld [smem:$0x3FD9]  }
0x89: {  	s3 =	sld [smem:$0x3FFE];
	_ =	sdelay $0x1  }
0x8a: {  	s1 =	srdreg.scid  }
0x8b: {  	s0 =	sand.u32 $0x1, s1  }
0x8c: {  	s16 =	sshll.u32 s0, $0xA;
	s2 =	sadd.s32 s3, s2  }
0x8d: {  	s2 =	sadd.s32 s2, s16  }
0x8e: {  	[smem:$0x3FC0] =	sst s2  }
0x8f: {  	_ = 	snop  }
0x90: {  	(tm) =	ssettm $0x1  }
0x91: {  	s17 =	sld [smem:$0x3FFB];
	_ =	sdelay $0x3  }
0x92: {  	_ =	strace s17  }
0x93: {  	s2 =	sld [smem:$0x3FFC];
	_ =	sdelay $0x3  }
0x94: {  	_ =	strace s2  }
0x95: {  	s2 =	sld [smem:$0x3FFD];
	_ =	sdelay $0x3  }
0x96: {  	_ =	strace s2  }
0x97: {  	_ =	strace $0x8FFFFFFF  }
0x98: {  	s18 =	sld [smem:$0x3FDB];
	_ =	sdelay $0x1  }
0x99: {  	s19 =	simm.s32 $_scs_section_size  }
0x9a: {  	s4 =	simm.s32 $_size__tile_overlayer_lowered;
	s5 =	simm.s32 $_tile_overlayer_lowered  }
0x9b: {  	s22 =	simm.s32 $0x1BFF;
	s21 =	sshll.u32 s5, $0x1;
	s2 =	sadd.s32 s19, s18  }
0x9c: {  	s6 =	simm.s32 $0x0;
	s20 =	sshll.u32 s4, $0x1;
	s4 =	sadd.s32 s21, s2  }
0x9d: {  	[timem:s6], [sflag:s22] =	dma.local [hbm:s4], s20  }
0x9e: {  	_ =	swait.ge [sflag:s22], s20  }
0x9f: {  	s3 =	ssub.s32 $0x0, s20;
	[sflag:s22] =	ssyncset.done $0x0  }
0xa0: {  	[sflag:s22] =	ssyncadd.s32 s3;
	_ =	sdelay $0x1  }
0xa1: {  	s23 =	simm.s32 $0x1B8B  }
0xa2: {  	_ =	swait.ge [sflag:s23], $0x1  }
0xa3: {  	[sflag:s23] =	ssyncset.done $0x0  }
0xa4: {  	s25 =	simm.s32 $0x1B8E;
	s24 =	sld [smem:$0x3FFE];
	[sflag:s23] =	ssyncadd.s32 $0xFFFFFFFF  }
0xa5: {  	s26 =	simm.s32 $execute0_lowered;
	[smem:$0x3FD2] =	sst s25  }
0xa6: {  	s4 =	sshll.u32 s26, $0x1;
	_ =	strace $0x8000004C;
	[dreg:$0x1] =	wrdreg $0xFFFFFFFF  }
0xa7: {  	s28 =	simm.s32 $_size_execute0_lowered;
	s2 =	sadd.s32 s2, s4;
	[dreg:$0x0] =	wrdreg $0x0  }
0xa8: {  	s4 =	sshll.u32 s28, $0x1;
	[dreg:$0x2] =	wrdreg s2  }
0xa9: {  	[dreg:$0x3] =	wrdreg s4  }
0xaa: {  	[dreg:$0x4] =	wrdreg $0xC0  }
0xab: {  	_ =	task [dreg:s6], $0x5FFFF  }
0xac: {  	[dreg:$0x1] =	wrdreg $0xFFFFFFFF  }
0xad: {  	[dreg:$0x0] =	wrdreg $0x60  }
0xae: {  	[dreg:$0x2] =	wrdreg s24  }
0xaf: {  	[dreg:$0x3] =	wrdreg $0x91000  }
0xb0: {  	[dreg:$0x4] =	wrdreg $0x9  }
0xb1: {  	_ =	task.clear_ibuf [dreg:s6], $0x5FFFF;
	_ =	strace $0x9000004C  }
0xb2: {  	s29 =	simm.s32 $0x9;
	_ =	strace $0x8000004E  }
0xb3: {  	_ =	swait.ge [sflag:s29], $0x1  }
0xb4: {  	[sflag:s29] =	ssyncadd.s32 $0xFFFFFFFF  }
0xb5: {  	_ =	strace $0x9000004E  }
0xb6: {  	_ =	sfence  }
0xb7: {  	s30 =	sld [smem:$0x0];
	_ =	sdelay $0x2  }
0xb8: {  	s31 =	sshll.u32 s1, $0xD;
	s1 =	sshrl.u32 s1, $0x2  }
0xb9: {  	s3 =	sand.u32 $0x4000, s31;
	s1 =	sadd.s32 s1, s30  }
0xba: {  	s0 =	sor.u32 s3, s0;
	s1 =	sshll.u32 s1, $0x11  }
0xbb: {  	s0 =	sor.u32 s1, s0  }
0xbc: {  	s0 =	sadd.s32 $0x8F2B, s0  }
0xbd: {  	[sflag:s0] =	ssyncadd.remote.s32 $0x1  }
0xbe: {  	_ =	sfence.sel $0xFFFF  }
0xbf: {  	[dreg:$0x0] =	wrdreg $0xFFFFFFFF;
	(pc) =	sbr.abs _section_cstart, $3  }
0xc0: {  	[dreg:$0x1] =	wrdreg $0xFFFFFFFF  }
0xc1: {  	_ =	task.clear_ibuf [dreg:s6], $0x2FFFF;
	_ =	strace $0x9FFFFFFF  }
0xc2: {  	(tm) =	ssettm $0x7FFFFFFF  }
0xc3: {  	_ =	shalt  }
tec
execute0_lowered:
.L_overlay_start_1:
0x0: {  	(tag) =	ssettag $0x1  }
0x1: {  	s0 =	srdreg.scid;
	s5 =	rddreg [dreg:$0x0]  }
0x2: {  	s2 =	rddreg [dreg:$0x1];
	s3 =	simm.s32 $0x0;
	s15 =	simm.s32 $0x80  }
0x3: {  	s16 =	simm.s32 $0x5100;
	s18 =	sand.u32 $0x1, s0;
	s0 =	stileid.u32  }
0x4: {  	s17 =	simm.s32 $0x1;
	s19 =	simm.s32 $0x5080;
	s7 =	smul.u32 $0x280, s0  }
0x5: {  	s20 =	simm.s32 $0x0;
	[smem:$0x7FF] =	sst s3;
	s8 =	smul.u32 $0x14000, s0  }
0x6: {  	s4 =	sadd.s32 $0x24A00, s5;
	s1 =	sshll.u32 s18, $0x4;
	s9 =	smul.u32 $0x140000, s18  }
0x7: {  	s28 =	ssub.s32 $0x2, s18;
	s29 =	smul.u32 $0x50000, s0;
	s31 =	sshll.u32 s0, $0x6  }
0x8: {  	p0 =	seq.s32 s18, $0x0;
	s1 =	sor.u32 s0, s1;
	s11 =	sshrl.u32 s28, $0x1  }
0x9: {  	s6 =	smul.u32 $0x500, s1;
	s1 =	rddreg [dreg:$0x2];
	_ =	strace $0x8000004D  }
0xa: {  	s12 =	sadd.s32 s7, s5;
	s25 =	sshrl.u32 s8, $0x3;
	s26 =	sadd.s32 s8, s9  }
0xb: {  	s11 =	ssub.s32 s28, s11;
	s30 =	sshrl.u32 s29, $0x2;
	s7 =	sshrl.u32 s26, $0x3  }
0xc: {  	s14 =	sadd.s32 s30, s2;
	s11 =	smax.u32 s11, $0x1;
	s12 =	sadd.s32 $0xE200, s12  }
.Ltmp0:
0xd: {  	s10 =	sadd.s32 s6, s5;
	s6 =	sadd.s32 s25, s5;
	(pc) =	sbr.rel .LBB2_1-.Ltmp0, $4  }
0xe: {  	s13 =	sadd.s32 s7, s5;
	s7 =	simm.s32 $0x4F;
	s5 =	sadd.s32 $0x74A00, s6  }
0xf: {  	s6 =	sor.u32 $0x1C02, s31;
	s8 =	sadd.s32 $0x1AA00, s10;
	s9 =	sadd.s32 $0x10A00, s10  }
0x10: {  	s7 =	simm.s32 @!p0 $0x3A;
	s10 =	sadd.s32 $0x9CA00, s13;
	s13 =	sshrl.u32 s14, $0x3  }
0x11: {  	s14 =	simm.s32 $0x2;
	p0 =	sne.s32 s18, $0x0;
	s18 =	simm.s32 $0x5000  }
.LBB2_7:
0x12: {  	s20 =	sadd.s32 $0x1, s20  }
0x13: {  	p1 =	sne.s32 s20, s11  }
.Ltmp1:
0x14: {  	[bflag:$0x0] =	sbarrier.arrive $0xFFFF;
	(pc) =	sbr.rel @!p1 .LBB2_8-.Ltmp1, $4  }
0x15: {  	[hbm:s10], [sflag:s6] =	dma.local [spmem:s13], $0x2800  }
0x16: {  	_ =	swait.ge [sflag:s14], $0x2800  }
0x17: {  	[sflag:s14] =	ssyncset.done $0x0  }
0x18: {  	[sflag:s14] =	ssyncadd.s32 $0xFFFFD800  }
.LBB2_1:
0x19: {  	[spmem:s13], [sflag:s6] =	dma.local [hbm:s5], $0x2800  }
0x1a: {  	_ =	swait.ge [sflag:s14], $0x2800  }
0x1b: {  	[sflag:s14] =	ssyncset.done $0x0  }
0x1c: {  	[sflag:s14] =	ssyncadd.s32 $0xFFFFD800  }
0x1d: {  	[tilespmem:s3], [sflag:$0x2] =	stream.linear.gather [hbm4b:s8+s3], $0x2780, $0x38;
	[tilespmem:$0x1D100] =	vst v63  }
0x1e: {  	_ =	swait.ge [sflag:s14], $0x2780  }
0x1f: {  	[sflag:s14] =	ssyncset.done $0x0  }
0x20: {  	s21 =	simm.s32 $0x2800;
	[sflag:s14] =	ssyncadd.s32 $0xFFFFD880  }
0x21: {  	[tilespmem:s21], [sflag:$0x2] =	stream.linear.gather [hbm4b:s9+s3], $0x2780, $0x38;
	[tilespmem:$0x1D100] =	vst v63  }
0x22: {  	_ =	swait.ge [sflag:s14], $0x2780  }
0x23: {  	[sflag:s14] =	ssyncset.done $0x0  }
0x24: {  	[sflag:s14] =	ssyncadd.s32 $0xFFFFD880  }
0x25: {  	[bflag:$0x0] =	sbarrier.arrive $0xFFFF  }
0x26: {  	[tilespmem:s16], [sflag:$0x1] =	stream.indirect.gather [hbm4b:s4+s15], $0x80, s3, s15, $0xb8;
	[tilespmem:$0x1D100] =	vst v63  }
0x27: {  	p1 =	sne.s32 s7, $0x1;
	_ =	swait.ge [sflag:s17], $0x4000  }
.Ltmp2:
0x28: {  	[sflag:s17] =	ssyncset.done $0x0;
	(pc) =	sbr.rel @!p1 .LBB2_3-.Ltmp2, $4  }
0x29: {  	[sflag:s17] =	ssyncadd.s32 $0xFFFFC000  }
0x2a: {  	[spmem:s2] =	stream.indirect.scatter.add.f32 [tilespmem:s16], [sflag:$0x2], $0x80, s21, s15, $0xb8;
	[tilespmem:$0x1D100] =	vst v63  }
0x2b: {  	_ =	swait.ge [sflag:s14], $0x4000  }
0x2c: {  	s22 =	sadd.s32 $0xFFFFFFFF, s7;
	s23 =	simm.s32 $0x0;
	[sflag:s14] =	ssyncset.done $0x0  }
.LBB2_2:
0x2d: {  	[sflag:s14] =	ssyncadd.s32 $0xFFFFC000;
	s23 =	sadd.s32 $0x80, s23;
	s21 =	sadd.s32 $0x80, s21  }
0x2e: {  	[tilespmem:s16], [sflag:$0x1] =	stream.indirect.gather [hbm4b:s4+s15], $0x80, s23, s15, $0xb8;
	[tilespmem:$0x1D100] =	vst v63  }
0x2f: {  	p1 =	sne.s32 s22, $0x1;
	s22 =	sadd.s32 $0xFFFFFFFF, s22;
	_ =	swait.ge [sflag:s17], $0x4000  }
.Ltmp3:
0x30: {  	[sflag:s17] =	ssyncset.done $0x0;
	(pc) =	sbr.rel @p1 .LBB2_2-.Ltmp3, $4  }
0x31: {  	[sflag:s17] =	ssyncadd.s32 $0xFFFFC000  }
0x32: {  	[spmem:s2] =	stream.indirect.scatter.add.f32 [tilespmem:s16], [sflag:$0x2], $0x80, s21, s15, $0xb8;
	[tilespmem:$0x1D100] =	vst v63  }
0x33: {  	_ =	swait.ge [sflag:s14], $0x4000  }
0x34: {  	[sflag:s14] =	ssyncset.done $0x0  }
.LBB2_3:
.Ltmp4:
0x35: {  	(pc) =	sbr.rel @p0 .LBB2_7-.Ltmp4, $2  }
0x36: {  	_ =	sdelay $0x2  }
0x37: {  	[sflag:s14] =	ssyncadd.s32 $0xFFFFC000  }
0x38: {  	s21 =	sadd.s32 $0x0, s12  }
0x39: {  	[tilespmem:s18], [sflag:$0x2] =	stream.linear.gather [hbm4b:s21+s3], $0x100, $0x38;
	[tilespmem:$0x1D100] =	vst v63  }
0x3a: {  	_ =	swait.ge [sflag:s14], $0x100  }
0x3b: {  	[sflag:s14] =	ssyncset.done $0x0  }
0x3c: {  	[sflag:s14] =	ssyncadd.s32 $0xFFFFFF00  }
0x3d: {  	[tilespmem:s16], [sflag:$0x1] =	stream.indirect.gather [hbm4b:s4+s15], $0x80, s18, s15, $0xb8;
	[tilespmem:$0x1D100] =	vst v63  }
0x3e: {  	_ =	swait.ge [sflag:s17], $0x4000  }
0x3f: {  	[sflag:s17] =	ssyncset.done $0x0  }
0x40: {  	[sflag:s17] =	ssyncadd.s32 $0xFFFFC000  }
0x41: {  	[spmem:s2] =	stream.indirect.scatter.add.f32 [tilespmem:s16], [sflag:$0x2], $0x80, s19, s15, $0xb8;
	[tilespmem:$0x1D100] =	vst v63  }
0x42: {  	_ =	swait.ge [sflag:s14], $0x4000  }
0x43: {  	s22 =	simm.s32 $0x40;
	s21 =	simm.s32 $0x20;
	[sflag:s14] =	ssyncset.done $0x0  }
.LBB2_5:
0x44: {  	s23 =	sadd.s32 s21, s12  }
0x45: {  	[sflag:s14] =	ssyncadd.s32 $0xFFFFC000;
	s21 =	smov.u32 s22;
	s24 =	sadd.s32 $0x20, s22  }
0x46: {  	[tilespmem:s18], [sflag:$0x2] =	stream.linear.gather [hbm4b:s23+s3], $0x100, $0x38;
	[tilespmem:$0x1D100] =	vst v63  }
0x47: {  	p1 =	sne.s32 s22, $0x260;
	_ =	swait.ge [sflag:s14], $0x100  }
0x48: {  	[sflag:s14] =	ssyncset.done $0x0  }
0x49: {  	[sflag:s14] =	ssyncadd.s32 $0xFFFFFF00  }
0x4a: {  	[tilespmem:s16], [sflag:$0x1] =	stream.indirect.gather [hbm4b:s4+s15], $0x80, s18, s15, $0xb8;
	[tilespmem:$0x1D100] =	vst v63  }
0x4b: {  	_ =	swait.ge [sflag:s17], $0x4000  }
.Ltmp5:
0x4c: {  	[sflag:s17] =	ssyncset.done $0x0;
	(pc) =	sbr.rel @p1 .LBB2_5-.Ltmp5, $4  }
0x4d: {  	[sflag:s17] =	ssyncadd.s32 $0xFFFFC000  }
0x4e: {  	[spmem:s2] =	stream.indirect.scatter.add.f32 [tilespmem:s16], [sflag:$0x2], $0x80, s19, s15, $0xb8;
	[tilespmem:$0x1D100] =	vst v63  }
0x4f: {  	_ =	swait.ge [sflag:s14], $0x4000  }
0x50: {  	s22 =	smov.u32 s24;
	[sflag:s14] =	ssyncset.done $0x0  }
0x51: {  	s21 =	sadd.s32 s21, s12;
	[sflag:s14] =	ssyncadd.s32 $0xFFFFC000  }
0x52: {  	[tilespmem:s18], [sflag:$0x2] =	stream.linear.gather [hbm4b:s21+s3], $0x100, $0x38;
	[tilespmem:$0x1D100] =	vst v63  }
0x53: {  	_ =	swait.ge [sflag:s14], $0x100  }
0x54: {  	[sflag:s14] =	ssyncset.done $0x0  }
0x55: {  	[sflag:s14] =	ssyncadd.s32 $0xFFFFFF00  }
0x56: {  	[tilespmem:s16], [sflag:$0x1] =	stream.indirect.gather [hbm4b:s4+s15], $0x80, s18, s15, $0xb8;
	[tilespmem:$0x1D100] =	vst v63  }
0x57: {  	_ =	swait.ge [sflag:s17], $0x4000  }
0x58: {  	[sflag:s17] =	ssyncset.done $0x0  }
.Ltmp6:
0x59: {  	[sflag:s17] =	ssyncadd.s32 $0xFFFFC000;
	(pc) =	sbr.rel .LBB2_7-.Ltmp6, $4  }
0x5a: {  	[spmem:s2] =	stream.indirect.scatter.add.f32 [tilespmem:s16], [sflag:$0x2], $0x80, s19, s15, $0xb8;
	[tilespmem:$0x1D100] =	vst v63  }
0x5b: {  	_ =	swait.ge [sflag:s14], $0x4000  }
0x5c: {  	[sflag:s14] =	ssyncset.done $0x0  }
0x5d: {  	[sflag:s14] =	ssyncadd.s32 $0xFFFFC000  }
.LBB2_8:
0x5e: {  	_ =	sfence.sel $0x180000  }
0x5f: {  	[bflag:$0x0] =	sbarrier.arrive $0xFFFF  }
0x60: {  	p0 =	sne.s32 s0, $0x0;
	_ =	strace $0x9000004D  }
0x61: {  	s0 =	sadd.s32 @!p0 $0x100000, s1;
	[bflag:$0x2] =	sbarrier.arrive $0xFFFF  }
0x62: {  	[sflag:s0] =	ssyncadd.tile.s32 @!p0 $0x1;
	_ =	shalt  }
.Lfunc_end2:
_tile_overlayer_lowered:
.L_overlay_start_2:
0x63: {  	(tag) =	ssettag $0x2  }
0x64: {  	s0 =	rddreg [dreg:$0x0];
	s2 =	stileid.u32  }
0x65: {  	s1 =	rddreg [dreg:$0x1];
	p0 =	sne.s32 s2, $0x0  }
0x66: {  	s3 =	rddreg [dreg:$0x2];
	[bflag:$0x3] =	sbarrier.arrive $0xFFFF;
	s2 =	simm.s32 @!p0 $0x1C02  }
0x67: {  	[timem:s3], [sflag:s2] =	dma.local @!p0 [hbm:s0], s1  }
0x68: {  	s0 =	simm.s32 @!p0 $0x2  }
0x69: {  	_ =	swait.ge @!p0 [sflag:s0], s1  }
0x6a: {  	s1 =	ssub.s32 @!p0 $0x0, s1;
	[sflag:s0] =	ssyncset.done @!p0 $0x0  }
0x6b: {  	[sflag:s0] =	ssyncadd.s32 @!p0 s1  }
0x6c: {  	[bflag:$0x3] =	sbarrier.arrive $0xFFFF  }
0x6d: {  	_ =	shalt  }

// kernel: kernel.22.cloned.1.call-start
scs
__scs_entry_jumppad:
0x0: {  	(pc) =	sbr.rel $0x88, $3  }
0x1: {  	(tag) =	ssettag $0x0;
	lr =	simm.s32 $0x1  }
0x2: {  	[smem:$0x3F99] =	sst lr;
	_ =	strace $0xD0000000  }
0x3: {  	_ = 	snop  }
0x4: {  	_ = 	snop  }
0x5: {  	_ = 	snop  }
0x6: {  	_ = 	snop  }
0x7: {  	_ = 	snop  }
__scs_overlays_trampoline_lowered:
0x8: {  	[smem:$0x3FA8] =	sst s0  }
0x9: {  	[smem:$0x3FA9] =	sst s1  }
0xa: {  	[smem:$0x3FAA] =	sst s2  }
0xb: {  	[smem:$0x3FAB] =	sst s3  }
0xc: {  	[smem:$0x3FAC] =	sst s4  }
0xd: {  	[smem:$0x3FAD] =	sst s5  }
0xe: {  	[smem:$0x3FAE] =	sst s6  }
0xf: {  	[smem:$0x3FAF] =	sst s7  }
0x10: {  	[smem:$0x3FB0] =	sst s8  }
0x11: {  	[smem:$0x3FB1] =	sst s9;
	s0 =	simm.s32 @!p0 $0x0  }
0x12: {  	s1 =	sld [smem:$0x3F97];
	s0 =	simm.s32 @p0 $0x1  }
0x13: {  	[smem:$0x3FB2] =	sst s0;
	s0 =	simm.s32 @!p1 $0x0  }
0x14: {  	s2 =	sld [smem:$0x3F96];
	s0 =	simm.s32 @p1 $0x1  }
0x15: {  	[smem:$0x3FB3] =	sst s0;
	s0 =	simm.s32 @!p2 $0x0  }
0x16: {  	s3 =	sld [smem:$0x3FDB];
	s0 =	simm.s32 @p2 $0x1  }
0x17: {  	s4 =	simm.s32 $0x1BF5;
	[smem:$0x3FB5] =	sst s0  }
0x18: {  	s0 =	sld [smem:$0x3F98];
	_ =	swait.ge [sflag:s4], $0x0  }
0x19: {  	s7 =	sld [smem:$0x3F99]  }
0x1a: {  	s8 =	sadd.s32 $0xFFFFE003, lr  }
0x1b: {  	s9 =	sadd.s32 $0xFFFFFEF7, lr;
	s5 =	simm.s32 $0xFFFFFFFF;
	p2 =	slt.u32 s8, $0xFFFFF086  }
0x1c: {  	p1 =	slt.u32 s9, $0xF7A;
	s5 =	simm.s32 @!p2 $0x0  }
0x1d: {  	s5 =	simm.s32 @p1 $0x1;
	p0 =	seq.s32 s7, s2  }
0x1e: {  	s7 =	smul.u32 @!p0 $0xF7A, s2;
	p2 =	seq.s32 @!p0 s5, $0x0  }
0x1f: {  	s9 =	smul.u32 $0xF7A, s1;
	s8 =	simm.s32 @!p0 $0x1BF5;
	p2 =	por !p2, p0  }
0x20: {  	[sflag:s8] =	ssyncset.s32 @!p0 $0xFFFFF086;
	s6 =	sadd.s32 @!p0 s3, s7;
	s7 =	simm.s32 @!p0 $0x108  }
0x21: {  	s3 =	sadd.s32 s3, s9;
	s6 =	sadd.s32 @!p0 $0x88, s6;
	s7 =	simm.s32 @p2 $0x1082  }
0x22: {  	[simem:s7], [sflag:s8] =	dma.local @!p0 [hbm:s6], $0xF7A  }
0x23: {  	s9 =	sor.u32 $0xD0000000, s2;
	s6 =	simm.s32 $0x108;
	_ =	swait.ge @!p0 [sflag:s8], $0x0  }
0x24: {  	s3 =	sadd.s32 $0x88, s3;
	s6 =	simm.s32 @!p1 $0x1082;
	[sflag:s4] =	ssyncset.s32 $0xFFFFF086  }
0x25: {  	[simem:s6], [sflag:s4] =	dma.local [hbm:s3], $0xF7A  }
0x26: {  	[smem:$0x3F99] =	sst s1;
	(tag) =	ssettag s2;
	_ =	strace s9  }
0x27: {  	s1 =	sld [smem:$0x3FA9]  }
0x28: {  	s2 =	sld [smem:$0x3FAA]  }
0x29: {  	s4 =	sld [smem:$0x3FAC]  }
0x2a: {  	p0 =	seq.s32 s5, $0x0;
	s5 =	sld [smem:$0x3FAD]  }
0x2b: {  	s6 =	sld [smem:$0x3FAE]  }
0x2c: {  	s7 =	sld [smem:$0x3FAF]  }
0x2d: {  	s3 =	simm.s32 $0x108;
	s8 =	sld [smem:$0x3FB0]  }
0x2e: {  	s3 =	simm.s32 @!p0 $0x1082;
	s9 =	sld [smem:$0x3FB1]  }
0x2f: {  	lr =	sadd.s32 s0, s3;
	s0 =	sld [smem:$0x3FA8]  }
0x30: {  	s3 =	sld [smem:$0x3FAB]  }
0x31: {  	[smem:$0x3FB4] =	sst s10  }
0x32: {  	s10 =	sld [smem:$0x3FB2];
	_ =	sdelay $0x3  }
0x33: {  	p0 =	seq.s32 s10, $0x1;
	s10 =	sld [smem:$0x3FB4];
	_ =	sdelay $0x3  }
0x34: {  	[smem:$0x3FB4] =	sst s10  }
0x35: {  	s10 =	sld [smem:$0x3FB3];
	_ =	sdelay $0x3  }
0x36: {  	p1 =	seq.s32 s10, $0x1;
	s10 =	sld [smem:$0x3FB4];
	_ =	sdelay $0x3  }
0x37: {  	[smem:$0x3FB4] =	sst s10  }
0x38: {  	s10 =	sld [smem:$0x3FB5]  }
0x39: {  	_ = 	snop;
	(pc) =	sbr.ind lr, $3  }
0x3a: {  	_ = 	snop  }
0x3b: {  	_ = 	snop  }
0x3c: {  	p2 =	seq.s32 s10, $0x1;
	s10 =	sld [smem:$0x3FB4]  }
0x3d: {  	_ =	shalt  }
0x3e: {  	_ =	shalt  }
0x3f: {  	_ =	shalt  }
0x40: {  	_ =	shalt  }
0x41: {  	_ =	shalt  }
0x42: {  	_ =	shalt  }
0x43: {  	_ =	shalt  }
0x44: {  	_ =	shalt  }
0x45: {  	_ =	shalt  }
0x46: {  	_ =	shalt  }
0x47: {  	_ =	shalt  }
0x48: {  	_ =	shalt  }
0x49: {  	_ =	shalt  }
0x4a: {  	_ =	shalt  }
0x4b: {  	_ =	shalt  }
0x4c: {  	_ =	shalt  }
0x4d: {  	_ =	shalt  }
0x4e: {  	_ =	shalt  }
0x4f: {  	_ =	shalt  }
0x50: {  	_ =	shalt  }
0x51: {  	_ =	shalt  }
0x52: {  	_ =	shalt  }
0x53: {  	_ =	shalt  }
0x54: {  	_ =	shalt  }
0x55: {  	_ =	shalt  }
0x56: {  	_ =	shalt  }
0x57: {  	_ =	shalt  }
0x58: {  	_ =	shalt  }
0x59: {  	_ =	shalt  }
0x5a: {  	_ =	shalt  }
0x5b: {  	_ =	shalt  }
0x5c: {  	_ =	shalt  }
0x5d: {  	_ =	shalt  }
0x5e: {  	_ =	shalt  }
0x5f: {  	_ =	shalt  }
0x60: {  	_ =	shalt  }
0x61: {  	_ =	shalt  }
0x62: {  	_ =	shalt  }
0x63: {  	_ =	shalt  }
0x64: {  	_ =	shalt  }
0x65: {  	_ =	shalt  }
0x66: {  	_ =	shalt  }
0x67: {  	_ =	shalt  }
0x68: {  	_ =	shalt  }
0x69: {  	_ =	shalt  }
0x6a: {  	_ =	shalt  }
0x6b: {  	_ =	shalt  }
0x6c: {  	_ =	shalt  }
0x6d: {  	_ =	shalt  }
0x6e: {  	_ =	shalt  }
0x6f: {  	_ =	shalt  }
0x70: {  	_ =	shalt  }
0x71: {  	_ =	shalt  }
0x72: {  	_ =	shalt  }
0x73: {  	_ =	shalt  }
0x74: {  	_ =	shalt  }
0x75: {  	_ =	shalt  }
0x76: {  	_ =	shalt  }
0x77: {  	_ =	shalt  }
0x78: {  	_ =	shalt  }
0x79: {  	_ =	shalt  }
0x7a: {  	_ =	shalt  }
0x7b: {  	_ =	shalt  }
0x7c: {  	_ =	shalt  }
0x7d: {  	_ =	shalt  }
0x7e: {  	_ =	shalt  }
0x7f: {  	_ =	shalt  }
0x80: {  	_ =	shalt  }
0x81: {  	_ =	shalt  }
0x82: {  	_ =	shalt  }
0x83: {  	_ =	shalt  }
0x84: {  	_ =	shalt  }
0x85: {  	_ =	shalt  }
0x86: {  	_ =	shalt  }
0x87: {  	_ =	shalt  }
.Lfunc_end0:
.L_simem_size_0:
called_computation.3_lowered:
.L_overlay_start_0:
0x88: {  	s2 =	sld [smem:$0x3FD9]  }
0x89: {  	s3 =	sld [smem:$0x3FFE];
	_ =	sdelay $0x1  }
0x8a: {  	s1 =	srdreg.scid  }
0x8b: {  	s0 =	sand.u32 $0x1, s1  }
0x8c: {  	s16 =	sshll.u32 s0, $0xA;
	s2 =	sadd.s32 s3, s2  }
0x8d: {  	s2 =	sadd.s32 s2, s16  }
0x8e: {  	[smem:$0x3FC0] =	sst s2  }
0x8f: {  	_ = 	snop  }
0x90: {  	(tm) =	ssettm $0x1  }
0x91: {  	s17 =	sld [smem:$0x3FFB];
	_ =	sdelay $0x3  }
0x92: {  	_ =	strace s17  }
0x93: {  	s2 =	sld [smem:$0x3FFC];
	_ =	sdelay $0x3  }
0x94: {  	_ =	strace s2  }
0x95: {  	s2 =	sld [smem:$0x3FFD];
	_ =	sdelay $0x3  }
0x96: {  	_ =	strace s2  }
0x97: {  	_ =	strace $0x8FFFFFFF  }
0x98: {  	s18 =	sld [smem:$0x3FDB];
	_ =	sdelay $0x1  }
0x99: {  	s19 =	simm.s32 $_scs_section_size  }
0x9a: {  	s4 =	simm.s32 $_size__tile_overlayer_lowered;
	s5 =	simm.s32 $_tile_overlayer_lowered  }
0x9b: {  	s22 =	simm.s32 $0x1BFF;
	s21 =	sshll.u32 s5, $0x1;
	s2 =	sadd.s32 s19, s18  }
0x9c: {  	s6 =	simm.s32 $0x0;
	s20 =	sshll.u32 s4, $0x1;
	s4 =	sadd.s32 s21, s2  }
0x9d: {  	[timem:s6], [sflag:s22] =	dma.local [hbm:s4], s20  }
0x9e: {  	_ =	swait.ge [sflag:s22], s20  }
0x9f: {  	s3 =	ssub.s32 $0x0, s20;
	[sflag:s22] =	ssyncset.done $0x0  }
0xa0: {  	[sflag:s22] =	ssyncadd.s32 s3;
	_ =	sdelay $0x1  }
0xa1: {  	s23 =	simm.s32 $0x1B8B  }
0xa2: {  	_ =	swait.ge [sflag:s23], $0x1  }
0xa3: {  	[sflag:s23] =	ssyncset.done $0x0  }
0xa4: {  	s25 =	simm.s32 $0x1B8E;
	s24 =	sld [smem:$0x3FFE];
	[sflag:s23] =	ssyncadd.s32 $0xFFFFFFFF  }
0xa5: {  	s26 =	simm.s32 $execute0_lowered;
	[smem:$0x3FD2] =	sst s25  }
0xa6: {  	s4 =	sshll.u32 s26, $0x1;
	_ =	strace $0x8000004F;
	[dreg:$0x1] =	wrdreg $0xFFFFFFFF  }
0xa7: {  	s28 =	simm.s32 $_size_execute0_lowered;
	s2 =	sadd.s32 s2, s4;
	[dreg:$0x0] =	wrdreg $0x0  }
0xa8: {  	s4 =	sshll.u32 s28, $0x1;
	[dreg:$0x2] =	wrdreg s2  }
0xa9: {  	[dreg:$0x3] =	wrdreg s4  }
0xaa: {  	[dreg:$0x4] =	wrdreg $0xC0  }
0xab: {  	_ =	task [dreg:s6], $0x5FFFF  }
0xac: {  	[dreg:$0x1] =	wrdreg $0xFFFFFFFF  }
0xad: {  	[dreg:$0x0] =	wrdreg $0x60  }
0xae: {  	[dreg:$0x2] =	wrdreg s24  }
0xaf: {  	[dreg:$0x3] =	wrdreg $0x91000  }
0xb0: {  	[dreg:$0x4] =	wrdreg $0x9  }
0xb1: {  	_ =	task.clear_ibuf [dreg:s6], $0x5FFFF;
	_ =	strace $0x9000004F  }
0xb2: {  	s29 =	simm.s32 $0x9;
	_ =	strace $0x80000051  }
0xb3: {  	_ =	swait.ge [sflag:s29], $0x1  }
0xb4: {  	[sflag:s29] =	ssyncadd.s32 $0xFFFFFFFF  }
0xb5: {  	_ =	strace $0x90000051  }
0xb6: {  	_ =	sfence  }
0xb7: {  	s30 =	sld [smem:$0x0];
	_ =	sdelay $0x2  }
0xb8: {  	s31 =	sshll.u32 s1, $0xD;
	s1 =	sshrl.u32 s1, $0x2  }
0xb9: {  	s3 =	sand.u32 $0x4000, s31;
	s1 =	sadd.s32 s1, s30  }
0xba: {  	s0 =	sor.u32 s3, s0;
	s1 =	sshll.u32 s1, $0x11  }
0xbb: {  	s0 =	sor.u32 s1, s0  }
0xbc: {  	s0 =	sadd.s32 $0x8F2B, s0  }
0xbd: {  	[sflag:s0] =	ssyncadd.remote.s32 $0x1  }
0xbe: {  	_ =	sfence.sel $0xFFFF  }
0xbf: {  	[dreg:$0x0] =	wrdreg $0xFFFFFFFF;
	(pc) =	sbr.abs _section_cstart, $3  }
0xc0: {  	[dreg:$0x1] =	wrdreg $0xFFFFFFFF  }
0xc1: {  	_ =	task.clear_ibuf [dreg:s6], $0x2FFFF;
	_ =	strace $0x9FFFFFFF  }
0xc2: {  	(tm) =	ssettm $0x7FFFFFFF  }
0xc3: {  	_ =	shalt  }
tec
execute0_lowered:
.L_overlay_start_1:
0x0: {  	(tag) =	ssettag $0x1  }
0x1: {  	s0 =	srdreg.scid;
	s5 =	rddreg [dreg:$0x0]  }
0x2: {  	s2 =	rddreg [dreg:$0x1];
	s3 =	simm.s32 $0x0;
	s15 =	simm.s32 $0x80  }
0x3: {  	s16 =	simm.s32 $0x5100;
	s18 =	sand.u32 $0x1, s0;
	s0 =	stileid.u32  }
0x4: {  	s17 =	simm.s32 $0x1;
	s19 =	simm.s32 $0x5080;
	s7 =	smul.u32 $0x280, s0  }
0x5: {  	s20 =	simm.s32 $0x0;
	[smem:$0x7FF] =	sst s3;
	s8 =	smul.u32 $0x14000, s0  }
0x6: {  	s4 =	sadd.s32 $0x24A00, s5;
	s1 =	sshll.u32 s18, $0x4;
	s9 =	smul.u32 $0x140000, s18  }
0x7: {  	s28 =	ssub.s32 $0x2, s18;
	s29 =	smul.u32 $0x50000, s0;
	s31 =	sshll.u32 s0, $0x6  }
0x8: {  	p0 =	seq.s32 s18, $0x0;
	s1 =	sor.u32 s0, s1;
	s11 =	sshrl.u32 s28, $0x1  }
0x9: {  	s6 =	smul.u32 $0x500, s1;
	s1 =	rddreg [dreg:$0x2];
	_ =	strace $0x80000050  }
0xa: {  	s12 =	sadd.s32 s7, s5;
	s25 =	sshrl.u32 s8, $0x3;
	s26 =	sadd.s32 s8, s9  }
0xb: {  	s11 =	ssub.s32 s28, s11;
	s30 =	sshrl.u32 s29, $0x2;
	s7 =	sshrl.u32 s26, $0x3  }
0xc: {  	s14 =	sadd.s32 s30, s2;
	s11 =	smax.u32 s11, $0x1;
	s12 =	sadd.s32 $0xE200, s12  }
.Ltmp0:
0xd: {  	s10 =	sadd.s32 s6, s5;
	s6 =	sadd.s32 s25, s5;
	(pc) =	sbr.rel .LBB2_1-.Ltmp0, $4  }
0xe: {  	s13 =	sadd.s32 s7, s5;
	s7 =	simm.s32 $0x4F;
	s5 =	sadd.s32 $0x74A00, s6  }
0xf: {  	s6 =	sor.u32 $0x1C02, s31;
	s8 =	sadd.s32 $0x1AA00, s10;
	s9 =	sadd.s32 $0x10A00, s10  }
0x10: {  	s7 =	simm.s32 @!p0 $0x3A;
	s10 =	sadd.s32 $0x9CA00, s13;
	s13 =	sshrl.u32 s14, $0x3  }
0x11: {  	s14 =	simm.s32 $0x2;
	p0 =	sne.s32 s18, $0x0;
	s18 =	simm.s32 $0x5000  }
.LBB2_7:
0x12: {  	s20 =	sadd.s32 $0x1, s20  }
0x13: {  	p1 =	sne.s32 s20, s11  }
.Ltmp1:
0x14: {  	[bflag:$0x0] =	sbarrier.arrive $0xFFFF;
	(pc) =	sbr.rel @!p1 .LBB2_8-.Ltmp1, $4  }
0x15: {  	[hbm:s10], [sflag:s6] =	dma.local [spmem:s13], $0x2800  }
0x16: {  	_ =	swait.ge [sflag:s14], $0x2800  }
0x17: {  	[sflag:s14] =	ssyncset.done $0x0  }
0x18: {  	[sflag:s14] =	ssyncadd.s32 $0xFFFFD800  }
.LBB2_1:
0x19: {  	[spmem:s13], [sflag:s6] =	dma.local [hbm:s5], $0x2800  }
0x1a: {  	_ =	swait.ge [sflag:s14], $0x2800  }
0x1b: {  	[sflag:s14] =	ssyncset.done $0x0  }
0x1c: {  	[sflag:s14] =	ssyncadd.s32 $0xFFFFD800  }
0x1d: {  	[tilespmem:s3], [sflag:$0x2] =	stream.linear.gather [hbm4b:s8+s3], $0x2780, $0x38;
	[tilespmem:$0x1D100] =	vst v63  }
0x1e: {  	_ =	swait.ge [sflag:s14], $0x2780  }
0x1f: {  	[sflag:s14] =	ssyncset.done $0x0  }
0x20: {  	s21 =	simm.s32 $0x2800;
	[sflag:s14] =	ssyncadd.s32 $0xFFFFD880  }
0x21: {  	[tilespmem:s21], [sflag:$0x2] =	stream.linear.gather [hbm4b:s9+s3], $0x2780, $0x38;
	[tilespmem:$0x1D100] =	vst v63  }
0x22: {  	_ =	swait.ge [sflag:s14], $0x2780  }
0x23: {  	[sflag:s14] =	ssyncset.done $0x0  }
0x24: {  	[sflag:s14] =	ssyncadd.s32 $0xFFFFD880  }
0x25: {  	[bflag:$0x0] =	sbarrier.arrive $0xFFFF  }
0x26: {  	[tilespmem:s16], [sflag:$0x1] =	stream.indirect.gather [hbm4b:s4+s15], $0x80, s3, s15, $0xb8;
	[tilespmem:$0x1D100] =	vst v63  }
0x27: {  	p1 =	sne.s32 s7, $0x1;
	_ =	swait.ge [sflag:s17], $0x4000  }
.Ltmp2:
0x28: {  	[sflag:s17] =	ssyncset.done $0x0;
	(pc) =	sbr.rel @!p1 .LBB2_3-.Ltmp2, $4  }
0x29: {  	[sflag:s17] =	ssyncadd.s32 $0xFFFFC000  }
0x2a: {  	[spmem:s2] =	stream.indirect.scatter.add.f32 [tilespmem:s16], [sflag:$0x2], $0x80, s21, s15, $0xb8;
	[tilespmem:$0x1D100] =	vst v63  }
0x2b: {  	_ =	swait.ge [sflag:s14], $0x4000  }
0x2c: {  	s22 =	sadd.s32 $0xFFFFFFFF, s7;
	s23 =	simm.s32 $0x0;
	[sflag:s14] =	ssyncset.done $0x0  }
.LBB2_2:
0x2d: {  	[sflag:s14] =	ssyncadd.s32 $0xFFFFC000;
	s23 =	sadd.s32 $0x80, s23;
	s21 =	sadd.s32 $0x80, s21  }
0x2e: {  	[tilespmem:s16], [sflag:$0x1] =	stream.indirect.gather [hbm4b:s4+s15], $0x80, s23, s15, $0xb8;
	[tilespmem:$0x1D100] =	vst v63  }
0x2f: {  	p1 =	sne.s32 s22, $0x1;
	s22 =	sadd.s32 $0xFFFFFFFF, s22;
	_ =	swait.ge [sflag:s17], $0x4000  }
.Ltmp3:
0x30: {  	[sflag:s17] =	ssyncset.done $0x0;
	(pc) =	sbr.rel @p1 .LBB2_2-.Ltmp3, $4  }
0x31: {  	[sflag:s17] =	ssyncadd.s32 $0xFFFFC000  }
0x32: {  	[spmem:s2] =	stream.indirect.scatter.add.f32 [tilespmem:s16], [sflag:$0x2], $0x80, s21, s15, $0xb8;
	[tilespmem:$0x1D100] =	vst v63  }
0x33: {  	_ =	swait.ge [sflag:s14], $0x4000  }
0x34: {  	[sflag:s14] =	ssyncset.done $0x0  }
.LBB2_3:
.Ltmp4:
0x35: {  	(pc) =	sbr.rel @p0 .LBB2_7-.Ltmp4, $2  }
0x36: {  	_ =	sdelay $0x2  }
0x37: {  	[sflag:s14] =	ssyncadd.s32 $0xFFFFC000  }
0x38: {  	s21 =	sadd.s32 $0x0, s12  }
0x39: {  	[tilespmem:s18], [sflag:$0x2] =	stream.linear.gather [hbm4b:s21+s3], $0x100, $0x38;
	[tilespmem:$0x1D100] =	vst v63  }
0x3a: {  	_ =	swait.ge [sflag:s14], $0x100  }
0x3b: {  	[sflag:s14] =	ssyncset.done $0x0  }
0x3c: {  	[sflag:s14] =	ssyncadd.s32 $0xFFFFFF00  }
0x3d: {  	[tilespmem:s16], [sflag:$0x1] =	stream.indirect.gather [hbm4b:s4+s15], $0x80, s18, s15, $0xb8;
	[tilespmem:$0x1D100] =	vst v63  }
0x3e: {  	_ =	swait.ge [sflag:s17], $0x4000  }
0x3f: {  	[sflag:s17] =	ssyncset.done $0x0  }
0x40: {  	[sflag:s17] =	ssyncadd.s32 $0xFFFFC000  }
0x41: {  	[spmem:s2] =	stream.indirect.scatter.add.f32 [tilespmem:s16], [sflag:$0x2], $0x80, s19, s15, $0xb8;
	[tilespmem:$0x1D100] =	vst v63  }
0x42: {  	_ =	swait.ge [sflag:s14], $0x4000  }
0x43: {  	s22 =	simm.s32 $0x40;
	s21 =	simm.s32 $0x20;
	[sflag:s14] =	ssyncset.done $0x0  }
.LBB2_5:
0x44: {  	s23 =	sadd.s32 s21, s12  }
0x45: {  	[sflag:s14] =	ssyncadd.s32 $0xFFFFC000;
	s21 =	smov.u32 s22;
	s24 =	sadd.s32 $0x20, s22  }
0x46: {  	[tilespmem:s18], [sflag:$0x2] =	stream.linear.gather [hbm4b:s23+s3], $0x100, $0x38;
	[tilespmem:$0x1D100] =	vst v63  }
0x47: {  	p1 =	sne.s32 s22, $0x260;
	_ =	swait.ge [sflag:s14], $0x100  }
0x48: {  	[sflag:s14] =	ssyncset.done $0x0  }
0x49: {  	[sflag:s14] =	ssyncadd.s32 $0xFFFFFF00  }
0x4a: {  	[tilespmem:s16], [sflag:$0x1] =	stream.indirect.gather [hbm4b:s4+s15], $0x80, s18, s15, $0xb8;
	[tilespmem:$0x1D100] =	vst v63  }
0x4b: {  	_ =	swait.ge [sflag:s17], $0x4000  }
.Ltmp5:
0x4c: {  	[sflag:s17] =	ssyncset.done $0x0;
	(pc) =	sbr.rel @p1 .LBB2_5-.Ltmp5, $4  }
0x4d: {  	[sflag:s17] =	ssyncadd.s32 $0xFFFFC000  }
0x4e: {  	[spmem:s2] =	stream.indirect.scatter.add.f32 [tilespmem:s16], [sflag:$0x2], $0x80, s19, s15, $0xb8;
	[tilespmem:$0x1D100] =	vst v63  }
0x4f: {  	_ =	swait.ge [sflag:s14], $0x4000  }
0x50: {  	s22 =	smov.u32 s24;
	[sflag:s14] =	ssyncset.done $0x0  }
0x51: {  	s21 =	sadd.s32 s21, s12;
	[sflag:s14] =	ssyncadd.s32 $0xFFFFC000  }
0x52: {  	[tilespmem:s18], [sflag:$0x2] =	stream.linear.gather [hbm4b:s21+s3], $0x100, $0x38;
	[tilespmem:$0x1D100] =	vst v63  }
0x53: {  	_ =	swait.ge [sflag:s14], $0x100  }
0x54: {  	[sflag:s14] =	ssyncset.done $0x0  }
0x55: {  	[sflag:s14] =	ssyncadd.s32 $0xFFFFFF00  }
0x56: {  	[tilespmem:s16], [sflag:$0x1] =	stream.indirect.gather [hbm4b:s4+s15], $0x80, s18, s15, $0xb8;
	[tilespmem:$0x1D100] =	vst v63  }
0x57: {  	_ =	swait.ge [sflag:s17], $0x4000  }
0x58: {  	[sflag:s17] =	ssyncset.done $0x0  }
.Ltmp6:
0x59: {  	[sflag:s17] =	ssyncadd.s32 $0xFFFFC000;
	(pc) =	sbr.rel .LBB2_7-.Ltmp6, $4  }
0x5a: {  	[spmem:s2] =	stream.indirect.scatter.add.f32 [tilespmem:s16], [sflag:$0x2], $0x80, s19, s15, $0xb8;
	[tilespmem:$0x1D100] =	vst v63  }
0x5b: {  	_ =	swait.ge [sflag:s14], $0x4000  }
0x5c: {  	[sflag:s14] =	ssyncset.done $0x0  }
0x5d: {  	[sflag:s14] =	ssyncadd.s32 $0xFFFFC000  }
.LBB2_8:
0x5e: {  	_ =	sfence.sel $0x180000  }
0x5f: {  	[bflag:$0x0] =	sbarrier.arrive $0xFFFF  }
0x60: {  	p0 =	sne.s32 s0, $0x0;
	_ =	strace $0x90000050  }
0x61: {  	s0 =	sadd.s32 @!p0 $0x100000, s1;
	[bflag:$0x2] =	sbarrier.arrive $0xFFFF  }
0x62: {  	[sflag:s0] =	ssyncadd.tile.s32 @!p0 $0x1;
	_ =	shalt  }
.Lfunc_end2:
_tile_overlayer_lowered:
.L_overlay_start_2:
0x63: {  	(tag) =	ssettag $0x2  }
0x64: {  	s0 =	rddreg [dreg:$0x0];
	s2 =	stileid.u32  }
0x65: {  	s1 =	rddreg [dreg:$0x1];
	p0 =	sne.s32 s2, $0x0  }
0x66: {  	s3 =	rddreg [dreg:$0x2];
	[bflag:$0x3] =	sbarrier.arrive $0xFFFF;
	s2 =	simm.s32 @!p0 $0x1C02  }
0x67: {  	[timem:s3], [sflag:s2] =	dma.local @!p0 [hbm:s0], s1  }
0x68: {  	s0 =	simm.s32 @!p0 $0x2  }
0x69: {  	_ =	swait.ge @!p0 [sflag:s0], s1  }
0x6a: {  	s1 =	ssub.s32 @!p0 $0x0, s1;
	[sflag:s0] =	ssyncset.done @!p0 $0x0  }
0x6b: {  	[sflag:s0] =	ssyncadd.s32 @!p0 s1  }
0x6c: {  	[bflag:$0x3] =	sbarrier.arrive $0xFFFF  }
0x6d: {  	_ =	shalt  }

// kernel: kernel.25.cloned.1.call-start
scs
__scs_entry_jumppad:
0x0: {  	(pc) =	sbr.rel $0x88, $3  }
0x1: {  	(tag) =	ssettag $0x0;
	lr =	simm.s32 $0x1  }
0x2: {  	[smem:$0x3F99] =	sst lr;
	_ =	strace $0xD0000000  }
0x3: {  	_ = 	snop  }
0x4: {  	_ = 	snop  }
0x5: {  	_ = 	snop  }
0x6: {  	_ = 	snop  }
0x7: {  	_ = 	snop  }
__scs_overlays_trampoline_lowered:
0x8: {  	[smem:$0x3FA8] =	sst s0  }
0x9: {  	[smem:$0x3FA9] =	sst s1  }
0xa: {  	[smem:$0x3FAA] =	sst s2  }
0xb: {  	[smem:$0x3FAB] =	sst s3  }
0xc: {  	[smem:$0x3FAC] =	sst s4  }
0xd: {  	[smem:$0x3FAD] =	sst s5  }
0xe: {  	[smem:$0x3FAE] =	sst s6  }
0xf: {  	[smem:$0x3FAF] =	sst s7  }
0x10: {  	[smem:$0x3FB0] =	sst s8  }
0x11: {  	[smem:$0x3FB1] =	sst s9;
	s0 =	simm.s32 @!p0 $0x0  }
0x12: {  	s1 =	sld [smem:$0x3F97];
	s0 =	simm.s32 @p0 $0x1  }
0x13: {  	[smem:$0x3FB2] =	sst s0;
	s0 =	simm.s32 @!p1 $0x0  }
0x14: {  	s2 =	sld [smem:$0x3F96];
	s0 =	simm.s32 @p1 $0x1  }
0x15: {  	[smem:$0x3FB3] =	sst s0;
	s0 =	simm.s32 @!p2 $0x0  }
0x16: {  	s3 =	sld [smem:$0x3FDB];
	s0 =	simm.s32 @p2 $0x1  }
0x17: {  	s4 =	simm.s32 $0x1BF5;
	[smem:$0x3FB5] =	sst s0  }
0x18: {  	s0 =	sld [smem:$0x3F98];
	_ =	swait.ge [sflag:s4], $0x0  }
0x19: {  	s7 =	sld [smem:$0x3F99]  }
0x1a: {  	s8 =	sadd.s32 $0xFFFFE003, lr  }
0x1b: {  	s9 =	sadd.s32 $0xFFFFFEF7, lr;
	s5 =	simm.s32 $0xFFFFFFFF;
	p2 =	slt.u32 s8, $0xFFFFF086  }
0x1c: {  	p1 =	slt.u32 s9, $0xF7A;
	s5 =	simm.s32 @!p2 $0x0  }
0x1d: {  	s5 =	simm.s32 @p1 $0x1;
	p0 =	seq.s32 s7, s2  }
0x1e: {  	s7 =	smul.u32 @!p0 $0xF7A, s2;
	p2 =	seq.s32 @!p0 s5, $0x0  }
0x1f: {  	s9 =	smul.u32 $0xF7A, s1;
	s8 =	simm.s32 @!p0 $0x1BF5;
	p2 =	por !p2, p0  }
0x20: {  	[sflag:s8] =	ssyncset.s32 @!p0 $0xFFFFF086;
	s6 =	sadd.s32 @!p0 s3, s7;
	s7 =	simm.s32 @!p0 $0x108  }
0x21: {  	s3 =	sadd.s32 s3, s9;
	s6 =	sadd.s32 @!p0 $0x88, s6;
	s7 =	simm.s32 @p2 $0x1082  }
0x22: {  	[simem:s7], [sflag:s8] =	dma.local @!p0 [hbm:s6], $0xF7A  }
0x23: {  	s9 =	sor.u32 $0xD0000000, s2;
	s6 =	simm.s32 $0x108;
	_ =	swait.ge @!p0 [sflag:s8], $0x0  }
0x24: {  	s3 =	sadd.s32 $0x88, s3;
	s6 =	simm.s32 @!p1 $0x1082;
	[sflag:s4] =	ssyncset.s32 $0xFFFFF086  }
0x25: {  	[simem:s6], [sflag:s4] =	dma.local [hbm:s3], $0xF7A  }
0x26: {  	[smem:$0x3F99] =	sst s1;
	(tag) =	ssettag s2;
	_ =	strace s9  }
0x27: {  	s1 =	sld [smem:$0x3FA9]  }
0x28: {  	s2 =	sld [smem:$0x3FAA]  }
0x29: {  	s4 =	sld [smem:$0x3FAC]  }
0x2a: {  	p0 =	seq.s32 s5, $0x0;
	s5 =	sld [smem:$0x3FAD]  }
0x2b: {  	s6 =	sld [smem:$0x3FAE]  }
0x2c: {  	s7 =	sld [smem:$0x3FAF]  }
0x2d: {  	s3 =	simm.s32 $0x108;
	s8 =	sld [smem:$0x3FB0]  }
0x2e: {  	s3 =	simm.s32 @!p0 $0x1082;
	s9 =	sld [smem:$0x3FB1]  }
0x2f: {  	lr =	sadd.s32 s0, s3;
	s0 =	sld [smem:$0x3FA8]  }
0x30: {  	s3 =	sld [smem:$0x3FAB]  }
0x31: {  	[smem:$0x3FB4] =	sst s10  }
0x32: {  	s10 =	sld [smem:$0x3FB2];
	_ =	sdelay $0x3  }
0x33: {  	p0 =	seq.s32 s10, $0x1;
	s10 =	sld [smem:$0x3FB4];
	_ =	sdelay $0x3  }
0x34: {  	[smem:$0x3FB4] =	sst s10  }
0x35: {  	s10 =	sld [smem:$0x3FB3];
	_ =	sdelay $0x3  }
0x36: {  	p1 =	seq.s32 s10, $0x1;
	s10 =	sld [smem:$0x3FB4];
	_ =	sdelay $0x3  }
0x37: {  	[smem:$0x3FB4] =	sst s10  }
0x38: {  	s10 =	sld [smem:$0x3FB5]  }
0x39: {  	_ = 	snop;
	(pc) =	sbr.ind lr, $3  }
0x3a: {  	_ = 	snop  }
0x3b: {  	_ = 	snop  }
0x3c: {  	p2 =	seq.s32 s10, $0x1;
	s10 =	sld [smem:$0x3FB4]  }
0x3d: {  	_ =	shalt  }
0x3e: {  	_ =	shalt  }
0x3f: {  	_ =	shalt  }
0x40: {  	_ =	shalt  }
0x41: {  	_ =	shalt  }
0x42: {  	_ =	shalt  }
0x43: {  	_ =	shalt  }
0x44: {  	_ =	shalt  }
0x45: {  	_ =	shalt  }
0x46: {  	_ =	shalt  }
0x47: {  	_ =	shalt  }
0x48: {  	_ =	shalt  }
0x49: {  	_ =	shalt  }
0x4a: {  	_ =	shalt  }
0x4b: {  	_ =	shalt  }
0x4c: {  	_ =	shalt  }
0x4d: {  	_ =	shalt  }
0x4e: {  	_ =	shalt  }
0x4f: {  	_ =	shalt  }
0x50: {  	_ =	shalt  }
0x51: {  	_ =	shalt  }
0x52: {  	_ =	shalt  }
0x53: {  	_ =	shalt  }
0x54: {  	_ =	shalt  }
0x55: {  	_ =	shalt  }
0x56: {  	_ =	shalt  }
0x57: {  	_ =	shalt  }
0x58: {  	_ =	shalt  }
0x59: {  	_ =	shalt  }
0x5a: {  	_ =	shalt  }
0x5b: {  	_ =	shalt  }
0x5c: {  	_ =	shalt  }
0x5d: {  	_ =	shalt  }
0x5e: {  	_ =	shalt  }
0x5f: {  	_ =	shalt  }
0x60: {  	_ =	shalt  }
0x61: {  	_ =	shalt  }
0x62: {  	_ =	shalt  }
0x63: {  	_ =	shalt  }
0x64: {  	_ =	shalt  }
0x65: {  	_ =	shalt  }
0x66: {  	_ =	shalt  }
0x67: {  	_ =	shalt  }
0x68: {  	_ =	shalt  }
0x69: {  	_ =	shalt  }
0x6a: {  	_ =	shalt  }
0x6b: {  	_ =	shalt  }
0x6c: {  	_ =	shalt  }
0x6d: {  	_ =	shalt  }
0x6e: {  	_ =	shalt  }
0x6f: {  	_ =	shalt  }
0x70: {  	_ =	shalt  }
0x71: {  	_ =	shalt  }
0x72: {  	_ =	shalt  }
0x73: {  	_ =	shalt  }
0x74: {  	_ =	shalt  }
0x75: {  	_ =	shalt  }
0x76: {  	_ =	shalt  }
0x77: {  	_ =	shalt  }
0x78: {  	_ =	shalt  }
0x79: {  	_ =	shalt  }
0x7a: {  	_ =	shalt  }
0x7b: {  	_ =	shalt  }
0x7c: {  	_ =	shalt  }
0x7d: {  	_ =	shalt  }
0x7e: {  	_ =	shalt  }
0x7f: {  	_ =	shalt  }
0x80: {  	_ =	shalt  }
0x81: {  	_ =	shalt  }
0x82: {  	_ =	shalt  }
0x83: {  	_ =	shalt  }
0x84: {  	_ =	shalt  }
0x85: {  	_ =	shalt  }
0x86: {  	_ =	shalt  }
0x87: {  	_ =	shalt  }
.Lfunc_end0:
.L_simem_size_0:
called_computation.4_lowered:
.L_overlay_start_0:
0x88: {  	s2 =	sld [smem:$0x3FD9]  }
0x89: {  	s3 =	sld [smem:$0x3FFE];
	_ =	sdelay $0x1  }
0x8a: {  	s1 =	srdreg.scid  }
0x8b: {  	s0 =	sand.u32 $0x1, s1  }
0x8c: {  	s16 =	sshll.u32 s0, $0xA;
	s2 =	sadd.s32 s3, s2  }
0x8d: {  	s2 =	sadd.s32 s2, s16  }
0x8e: {  	[smem:$0x3FC0] =	sst s2  }
0x8f: {  	_ = 	snop  }
0x90: {  	(tm) =	ssettm $0x1  }
0x91: {  	s17 =	sld [smem:$0x3FFB];
	_ =	sdelay $0x3  }
0x92: {  	_ =	strace s17  }
0x93: {  	s2 =	sld [smem:$0x3FFC];
	_ =	sdelay $0x3  }
0x94: {  	_ =	strace s2  }
0x95: {  	s2 =	sld [smem:$0x3FFD];
	_ =	sdelay $0x3  }
0x96: {  	_ =	strace s2  }
0x97: {  	_ =	strace $0x8FFFFFFF  }
0x98: {  	s18 =	sld [smem:$0x3FDB];
	_ =	sdelay $0x1  }
0x99: {  	s19 =	simm.s32 $_scs_section_size  }
0x9a: {  	s4 =	simm.s32 $_size__tile_overlayer_lowered;
	s5 =	simm.s32 $_tile_overlayer_lowered  }
0x9b: {  	s22 =	simm.s32 $0x1BFF;
	s21 =	sshll.u32 s5, $0x1;
	s2 =	sadd.s32 s19, s18  }
0x9c: {  	s6 =	simm.s32 $0x0;
	s20 =	sshll.u32 s4, $0x1;
	s4 =	sadd.s32 s21, s2  }
0x9d: {  	[timem:s6], [sflag:s22] =	dma.local [hbm:s4], s20  }
0x9e: {  	_ =	swait.ge [sflag:s22], s20  }
0x9f: {  	s3 =	ssub.s32 $0x0, s20;
	[sflag:s22] =	ssyncset.done $0x0  }
0xa0: {  	[sflag:s22] =	ssyncadd.s32 s3;
	_ =	sdelay $0x1  }
0xa1: {  	s23 =	simm.s32 $0x1B8B  }
0xa2: {  	_ =	swait.ge [sflag:s23], $0x1  }
0xa3: {  	[sflag:s23] =	ssyncset.done $0x0  }
0xa4: {  	s25 =	simm.s32 $0x1B8E;
	s24 =	sld [smem:$0x3FFE];
	[sflag:s23] =	ssyncadd.s32 $0xFFFFFFFF  }
0xa5: {  	s26 =	simm.s32 $execute0_lowered;
	[smem:$0x3FD2] =	sst s25  }
0xa6: {  	s4 =	sshll.u32 s26, $0x1;
	_ =	strace $0x80000052;
	[dreg:$0x1] =	wrdreg $0xFFFFFFFF  }
0xa7: {  	s28 =	simm.s32 $_size_execute0_lowered;
	s2 =	sadd.s32 s2, s4;
	[dreg:$0x0] =	wrdreg $0x0  }
0xa8: {  	s4 =	sshll.u32 s28, $0x1;
	[dreg:$0x2] =	wrdreg s2  }
0xa9: {  	[dreg:$0x3] =	wrdreg s4  }
0xaa: {  	[dreg:$0x4] =	wrdreg $0xC0  }
0xab: {  	_ =	task [dreg:s6], $0x5FFFF  }
0xac: {  	[dreg:$0x1] =	wrdreg $0xFFFFFFFF  }
0xad: {  	[dreg:$0x0] =	wrdreg $0x60  }
0xae: {  	[dreg:$0x2] =	wrdreg s24  }
0xaf: {  	[dreg:$0x3] =	wrdreg $0x91000  }
0xb0: {  	[dreg:$0x4] =	wrdreg $0x9  }
0xb1: {  	_ =	task.clear_ibuf [dreg:s6], $0x5FFFF;
	_ =	strace $0x90000052  }
0xb2: {  	s29 =	simm.s32 $0x9;
	_ =	strace $0x80000054  }
0xb3: {  	_ =	swait.ge [sflag:s29], $0x1  }
0xb4: {  	[sflag:s29] =	ssyncadd.s32 $0xFFFFFFFF  }
0xb5: {  	_ =	strace $0x90000054  }
0xb6: {  	_ =	sfence  }
0xb7: {  	s30 =	sld [smem:$0x0];
	_ =	sdelay $0x2  }
0xb8: {  	s31 =	sshll.u32 s1, $0xD;
	s1 =	sshrl.u32 s1, $0x2  }
0xb9: {  	s3 =	sand.u32 $0x4000, s31;
	s1 =	sadd.s32 s1, s30  }
0xba: {  	s0 =	sor.u32 s3, s0;
	s1 =	sshll.u32 s1, $0x11  }
0xbb: {  	s0 =	sor.u32 s1, s0  }
0xbc: {  	s0 =	sadd.s32 $0x8F2B, s0  }
0xbd: {  	[sflag:s0] =	ssyncadd.remote.s32 $0x1  }
0xbe: {  	_ =	sfence.sel $0xFFFF  }
0xbf: {  	[dreg:$0x0] =	wrdreg $0xFFFFFFFF;
	(pc) =	sbr.abs _section_cstart, $3  }
0xc0: {  	[dreg:$0x1] =	wrdreg $0xFFFFFFFF  }
0xc1: {  	_ =	task.clear_ibuf [dreg:s6], $0x2FFFF;
	_ =	strace $0x9FFFFFFF  }
0xc2: {  	(tm) =	ssettm $0x7FFFFFFF  }
0xc3: {  	_ =	shalt  }
tec
execute0_lowered:
.L_overlay_start_1:
0x0: {  	(tag) =	ssettag $0x1  }
0x1: {  	s0 =	srdreg.scid;
	s5 =	rddreg [dreg:$0x0]  }
0x2: {  	s2 =	rddreg [dreg:$0x1];
	s3 =	simm.s32 $0x0;
	s15 =	simm.s32 $0x80  }
0x3: {  	s16 =	simm.s32 $0x5100;
	s18 =	sand.u32 $0x1, s0;
	s0 =	stileid.u32  }
0x4: {  	s17 =	simm.s32 $0x1;
	s19 =	simm.s32 $0x5080;
	s7 =	smul.u32 $0x280, s0  }
0x5: {  	s20 =	simm.s32 $0x0;
	[smem:$0x7FF] =	sst s3;
	s8 =	smul.u32 $0x14000, s0  }
0x6: {  	s4 =	sadd.s32 $0x24A00, s5;
	s1 =	sshll.u32 s18, $0x4;
	s9 =	smul.u32 $0x140000, s18  }
0x7: {  	s28 =	ssub.s32 $0x2, s18;
	s29 =	smul.u32 $0x50000, s0;
	s31 =	sshll.u32 s0, $0x6  }
0x8: {  	p0 =	seq.s32 s18, $0x0;
	s1 =	sor.u32 s0, s1;
	s11 =	sshrl.u32 s28, $0x1  }
0x9: {  	s6 =	smul.u32 $0x500, s1;
	s1 =	rddreg [dreg:$0x2];
	_ =	strace $0x80000053  }
0xa: {  	s12 =	sadd.s32 s7, s5;
	s25 =	sshrl.u32 s8, $0x3;
	s26 =	sadd.s32 s8, s9  }
0xb: {  	s11 =	ssub.s32 s28, s11;
	s30 =	sshrl.u32 s29, $0x2;
	s7 =	sshrl.u32 s26, $0x3  }
0xc: {  	s14 =	sadd.s32 s30, s2;
	s11 =	smax.u32 s11, $0x1;
	s12 =	sadd.s32 $0xE200, s12  }
.Ltmp0:
0xd: {  	s10 =	sadd.s32 s6, s5;
	s6 =	sadd.s32 s25, s5;
	(pc) =	sbr.rel .LBB2_1-.Ltmp0, $4  }
0xe: {  	s13 =	sadd.s32 s7, s5;
	s7 =	simm.s32 $0x4F;
	s5 =	sadd.s32 $0x74A00, s6  }
0xf: {  	s6 =	sor.u32 $0x1C02, s31;
	s8 =	sadd.s32 $0x1AA00, s10;
	s9 =	sadd.s32 $0x10A00, s10  }
0x10: {  	s7 =	simm.s32 @!p0 $0x3A;
	s10 =	sadd.s32 $0x9CA00, s13;
	s13 =	sshrl.u32 s14, $0x3  }
0x11: {  	s14 =	simm.s32 $0x2;
	p0 =	sne.s32 s18, $0x0;
	s18 =	simm.s32 $0x5000  }
.LBB2_7:
0x12: {  	s20 =	sadd.s32 $0x1, s20  }
0x13: {  	p1 =	sne.s32 s20, s11  }
.Ltmp1:
0x14: {  	[bflag:$0x0] =	sbarrier.arrive $0xFFFF;
	(pc) =	sbr.rel @!p1 .LBB2_8-.Ltmp1, $4  }
0x15: {  	[hbm:s10], [sflag:s6] =	dma.local [spmem:s13], $0x2800  }
0x16: {  	_ =	swait.ge [sflag:s14], $0x2800  }
0x17: {  	[sflag:s14] =	ssyncset.done $0x0  }
0x18: {  	[sflag:s14] =	ssyncadd.s32 $0xFFFFD800  }
.LBB2_1:
0x19: {  	[spmem:s13], [sflag:s6] =	dma.local [hbm:s5], $0x2800  }
0x1a: {  	_ =	swait.ge [sflag:s14], $0x2800  }
0x1b: {  	[sflag:s14] =	ssyncset.done $0x0  }
0x1c: {  	[sflag:s14] =	ssyncadd.s32 $0xFFFFD800  }
0x1d: {  	[tilespmem:s3], [sflag:$0x2] =	stream.linear.gather [hbm4b:s8+s3], $0x2780, $0x38;
	[tilespmem:$0x1D100] =	vst v63  }
0x1e: {  	_ =	swait.ge [sflag:s14], $0x2780  }
0x1f: {  	[sflag:s14] =	ssyncset.done $0x0  }
0x20: {  	s21 =	simm.s32 $0x2800;
	[sflag:s14] =	ssyncadd.s32 $0xFFFFD880  }
0x21: {  	[tilespmem:s21], [sflag:$0x2] =	stream.linear.gather [hbm4b:s9+s3], $0x2780, $0x38;
	[tilespmem:$0x1D100] =	vst v63  }
0x22: {  	_ =	swait.ge [sflag:s14], $0x2780  }
0x23: {  	[sflag:s14] =	ssyncset.done $0x0  }
0x24: {  	[sflag:s14] =	ssyncadd.s32 $0xFFFFD880  }
0x25: {  	[bflag:$0x0] =	sbarrier.arrive $0xFFFF  }
0x26: {  	[tilespmem:s16], [sflag:$0x1] =	stream.indirect.gather [hbm4b:s4+s15], $0x80, s3, s15, $0xb8;
	[tilespmem:$0x1D100] =	vst v63  }
0x27: {  	p1 =	sne.s32 s7, $0x1;
	_ =	swait.ge [sflag:s17], $0x4000  }
.Ltmp2:
0x28: {  	[sflag:s17] =	ssyncset.done $0x0;
	(pc) =	sbr.rel @!p1 .LBB2_3-.Ltmp2, $4  }
0x29: {  	[sflag:s17] =	ssyncadd.s32 $0xFFFFC000  }
0x2a: {  	[spmem:s2] =	stream.indirect.scatter.add.f32 [tilespmem:s16], [sflag:$0x2], $0x80, s21, s15, $0xb8;
	[tilespmem:$0x1D100] =	vst v63  }
0x2b: {  	_ =	swait.ge [sflag:s14], $0x4000  }
0x2c: {  	s22 =	sadd.s32 $0xFFFFFFFF, s7;
	s23 =	simm.s32 $0x0;
	[sflag:s14] =	ssyncset.done $0x0  }
.LBB2_2:
0x2d: {  	[sflag:s14] =	ssyncadd.s32 $0xFFFFC000;
	s23 =	sadd.s32 $0x80, s23;
	s21 =	sadd.s32 $0x80, s21  }
0x2e: {  	[tilespmem:s16], [sflag:$0x1] =	stream.indirect.gather [hbm4b:s4+s15], $0x80, s23, s15, $0xb8;
	[tilespmem:$0x1D100] =	vst v63  }
0x2f: {  	p1 =	sne.s32 s22, $0x1;
	s22 =	sadd.s32 $0xFFFFFFFF, s22;
	_ =	swait.ge [sflag:s17], $0x4000  }
.Ltmp3:
0x30: {  	[sflag:s17] =	ssyncset.done $0x0;
	(pc) =	sbr.rel @p1 .LBB2_2-.Ltmp3, $4  }
0x31: {  	[sflag:s17] =	ssyncadd.s32 $0xFFFFC000  }
0x32: {  	[spmem:s2] =	stream.indirect.scatter.add.f32 [tilespmem:s16], [sflag:$0x2], $0x80, s21, s15, $0xb8;
	[tilespmem:$0x1D100] =	vst v63  }
0x33: {  	_ =	swait.ge [sflag:s14], $0x4000  }
0x34: {  	[sflag:s14] =	ssyncset.done $0x0  }
.LBB2_3:
.Ltmp4:
0x35: {  	(pc) =	sbr.rel @p0 .LBB2_7-.Ltmp4, $2  }
0x36: {  	_ =	sdelay $0x2  }
0x37: {  	[sflag:s14] =	ssyncadd.s32 $0xFFFFC000  }
0x38: {  	s21 =	sadd.s32 $0x0, s12  }
0x39: {  	[tilespmem:s18], [sflag:$0x2] =	stream.linear.gather [hbm4b:s21+s3], $0x100, $0x38;
	[tilespmem:$0x1D100] =	vst v63  }
0x3a: {  	_ =	swait.ge [sflag:s14], $0x100  }
0x3b: {  	[sflag:s14] =	ssyncset.done $0x0  }
0x3c: {  	[sflag:s14] =	ssyncadd.s32 $0xFFFFFF00  }
0x3d: {  	[tilespmem:s16], [sflag:$0x1] =	stream.indirect.gather [hbm4b:s4+s15], $0x80, s18, s15, $0xb8;
	[tilespmem:$0x1D100] =	vst v63  }
0x3e: {  	_ =	swait.ge [sflag:s17], $0x4000  }
0x3f: {  	[sflag:s17] =	ssyncset.done $0x0  }
0x40: {  	[sflag:s17] =	ssyncadd.s32 $0xFFFFC000  }
0x41: {  	[spmem:s2] =	stream.indirect.scatter.add.f32 [tilespmem:s16], [sflag:$0x2], $0x80, s19, s15, $0xb8;
	[tilespmem:$0x1D100] =	vst v63  }
0x42: {  	_ =	swait.ge [sflag:s14], $0x4000  }
0x43: {  	s22 =	simm.s32 $0x40;
	s21 =	simm.s32 $0x20;
	[sflag:s14] =	ssyncset.done $0x0  }
.LBB2_5:
0x44: {  	s23 =	sadd.s32 s21, s12  }
0x45: {  	[sflag:s14] =	ssyncadd.s32 $0xFFFFC000;
	s21 =	smov.u32 s22;
	s24 =	sadd.s32 $0x20, s22  }
0x46: {  	[tilespmem:s18], [sflag:$0x2] =	stream.linear.gather [hbm4b:s23+s3], $0x100, $0x38;
	[tilespmem:$0x1D100] =	vst v63  }
0x47: {  	p1 =	sne.s32 s22, $0x260;
	_ =	swait.ge [sflag:s14], $0x100  }
0x48: {  	[sflag:s14] =	ssyncset.done $0x0  }
0x49: {  	[sflag:s14] =	ssyncadd.s32 $0xFFFFFF00  }
0x4a: {  	[tilespmem:s16], [sflag:$0x1] =	stream.indirect.gather [hbm4b:s4+s15], $0x80, s18, s15, $0xb8;
	[tilespmem:$0x1D100] =	vst v63  }
0x4b: {  	_ =	swait.ge [sflag:s17], $0x4000  }
.Ltmp5:
0x4c: {  	[sflag:s17] =	ssyncset.done $0x0;
	(pc) =	sbr.rel @p1 .LBB2_5-.Ltmp5, $4  }
0x4d: {  	[sflag:s17] =	ssyncadd.s32 $0xFFFFC000  }
0x4e: {  	[spmem:s2] =	stream.indirect.scatter.add.f32 [tilespmem:s16], [sflag:$0x2], $0x80, s19, s15, $0xb8;
	[tilespmem:$0x1D100] =	vst v63  }
0x4f: {  	_ =	swait.ge [sflag:s14], $0x4000  }
0x50: {  	s22 =	smov.u32 s24;
	[sflag:s14] =	ssyncset.done $0x0  }
0x51: {  	s21 =	sadd.s32 s21, s12;
	[sflag:s14] =	ssyncadd.s32 $0xFFFFC000  }
0x52: {  	[tilespmem:s18], [sflag:$0x2] =	stream.linear.gather [hbm4b:s21+s3], $0x100, $0x38;
	[tilespmem:$0x1D100] =	vst v63  }
0x53: {  	_ =	swait.ge [sflag:s14], $0x100  }
0x54: {  	[sflag:s14] =	ssyncset.done $0x0  }
0x55: {  	[sflag:s14] =	ssyncadd.s32 $0xFFFFFF00  }
0x56: {  	[tilespmem:s16], [sflag:$0x1] =	stream.indirect.gather [hbm4b:s4+s15], $0x80, s18, s15, $0xb8;
	[tilespmem:$0x1D100] =	vst v63  }
0x57: {  	_ =	swait.ge [sflag:s17], $0x4000  }
0x58: {  	[sflag:s17] =	ssyncset.done $0x0  }
.Ltmp6:
0x59: {  	[sflag:s17] =	ssyncadd.s32 $0xFFFFC000;
	(pc) =	sbr.rel .LBB2_7-.Ltmp6, $4  }
0x5a: {  	[spmem:s2] =	stream.indirect.scatter.add.f32 [tilespmem:s16], [sflag:$0x2], $0x80, s19, s15, $0xb8;
	[tilespmem:$0x1D100] =	vst v63  }
0x5b: {  	_ =	swait.ge [sflag:s14], $0x4000  }
0x5c: {  	[sflag:s14] =	ssyncset.done $0x0  }
0x5d: {  	[sflag:s14] =	ssyncadd.s32 $0xFFFFC000  }
.LBB2_8:
0x5e: {  	_ =	sfence.sel $0x180000  }
0x5f: {  	[bflag:$0x0] =	sbarrier.arrive $0xFFFF  }
0x60: {  	p0 =	sne.s32 s0, $0x0;
	_ =	strace $0x90000053  }
0x61: {  	s0 =	sadd.s32 @!p0 $0x100000, s1;
	[bflag:$0x2] =	sbarrier.arrive $0xFFFF  }
0x62: {  	[sflag:s0] =	ssyncadd.tile.s32 @!p0 $0x1;
	_ =	shalt  }
.Lfunc_end2:
_tile_overlayer_lowered:
.L_overlay_start_2:
0x63: {  	(tag) =	ssettag $0x2  }
0x64: {  	s0 =	rddreg [dreg:$0x0];
	s2 =	stileid.u32  }
0x65: {  	s1 =	rddreg [dreg:$0x1];
	p0 =	sne.s32 s2, $0x0  }
0x66: {  	s3 =	rddreg [dreg:$0x2];
	[bflag:$0x3] =	sbarrier.arrive $0xFFFF;
	s2 =	simm.s32 @!p0 $0x1C02  }
0x67: {  	[timem:s3], [sflag:s2] =	dma.local @!p0 [hbm:s0], s1  }
0x68: {  	s0 =	simm.s32 @!p0 $0x2  }
0x69: {  	_ =	swait.ge @!p0 [sflag:s0], s1  }
0x6a: {  	s1 =	ssub.s32 @!p0 $0x0, s1;
	[sflag:s0] =	ssyncset.done @!p0 $0x0  }
0x6b: {  	[sflag:s0] =	ssyncadd.s32 @!p0 s1  }
0x6c: {  	[bflag:$0x3] =	sbarrier.arrive $0xFFFF  }
0x6d: {  	_ =	shalt  }

</sc_bundles>
